<compile_context>
chip_gen: v7x
topology: tpu7x:2x2x1
jax: 0.10.2.dev20260603
libtpu: 0.0.44.dev20260713+nightly
codegen_flags: <defaults>
</compile_context>

<pallas_src>
import jax
import jax.numpy as jnp
from jax import lax
from jax.experimental import pallas as pl
from jax.experimental.pallas import tpu as pltpu
from jax.experimental.pallas import tpu_sc as plsc

BATCH = 16384
EMBED_DIM = 64
WORDS = EMBED_DIM // 2
LANES = 16
NUM_WORKERS = 32
B_PER_W = BATCH // NUM_WORKERS
IDX_CHUNK = 128
HALF = B_PER_W // 2
G_PER_HALF = HALF // LANES

NUM_ROWS = 1000000
PACK_SHIFT = 12
PACK_C = 1 << PACK_SHIFT
PACK_Q = PACK_C // 4
Q_SHIFT = PACK_SHIFT - 2
PACK_GRID = -(-NUM_ROWS // PACK_C)
SUPER_ROWS = PACK_GRID * PACK_Q


def _tc_pack_body(tt_ref, out_ref):
    x = tt_ref[...]
    u_lo = jax.lax.bitcast_convert_type(x[:WORDS, :], jnp.uint32)
    u_hi = jax.lax.bitcast_convert_type(x[WORDS:, :], jnp.uint32)
    half_bit = jnp.uint32(0x8000)
    word = ((u_lo + half_bit) >> 16) | ((u_hi + half_bit) & jnp.uint32(0xFFFF0000))
    parts = [
        jnp.swapaxes(word[:, q * PACK_Q:(q + 1) * PACK_Q], 0, 1)
        for q in range(4)
    ]
    out_ref[...] = jax.lax.bitcast_convert_type(
        jnp.concatenate(parts, axis=1), jnp.int32)


def _pack_table(emb):
    return pl.pallas_call(
        _tc_pack_body,
        grid=(PACK_GRID,),
        in_specs=[pl.BlockSpec((EMBED_DIM, PACK_C), lambda k: (0, k))],
        out_specs=pl.BlockSpec((PACK_Q, 128), lambda k: (k, 0)),
        out_shape=jax.ShapeDtypeStruct((SUPER_ROWS, 128), jnp.int32),
    )(emb.T)


def _superrow(r):
    return ((r >> PACK_SHIFT) << Q_SHIFT) | (r & (PACK_Q - 1))


def _sc_body(users_hbm, items_hbm, uemb_hbm, iemb_hbm, bias_hbm, out_hbm,
             uidx_v, iidx_v, usr_v, isr_v, ubuf_v, ibuf_v, bias_v, out_v, sem):
    wid = lax.axis_index("s") * 2 + lax.axis_index("c")
    base = wid * B_PER_W

    pltpu.sync_copy(users_hbm.at[pl.ds(base, B_PER_W)], uidx_v)
    pltpu.sync_copy(items_hbm.at[pl.ds(base, B_PER_W)], iidx_v)

    bias_copies = [
        pltpu.async_copy(
            bias_hbm.at[iidx_v.at[pl.ds(j * IDX_CHUNK, IDX_CHUNK)]],
            bias_v.at[pl.ds(j * IDX_CHUNK, IDX_CHUNK)], sem)
        for j in range(B_PER_W // IDX_CHUNK)
    ]

    def sr_body(j, carry):
        sl = pl.ds(j * LANES, LANES)
        usr_v[sl] = _superrow(uidx_v[sl])
        isr_v[sl] = _superrow(iidx_v[sl])
        return carry

    lax.fori_loop(0, B_PER_W // LANES, sr_body, 0)

    lanes = lax.iota(jnp.int32, LANES)

    for c in bias_copies:
        c.wait()

    for half in range(2):
        hbase = half * HALF
        copies = []
        for j in range(HALF // IDX_CHUNK):
            isl = pl.ds(hbase + j * IDX_CHUNK, IDX_CHUNK)
            dsl = pl.ds(j * IDX_CHUNK, IDX_CHUNK)
            copies.append(pltpu.async_copy(
                uemb_hbm.at[usr_v.at[isl]], ubuf_v.at[dsl, :], sem))
            copies.append(pltpu.async_copy(
                iemb_hbm.at[isr_v.at[isl]], ibuf_v.at[dsl, :], sem))
        for c in copies:
            c.wait()

        def g_body(g, carry):
            sl = pl.ds(hbase + g * LANES, LANES)
            slot = lanes + g * LANES
            uq = ((uidx_v[sl] >> Q_SHIFT) & 3) << 5
            iq = ((iidx_v[sl] >> Q_SHIFT) & 3) << 5
            acc = bias_v[sl]
            for w in range(WORDS):
                uw = plsc.load_gather(ubuf_v, [slot, uq + w])
                iw = plsc.load_gather(ibuf_v, [slot, iq + w])
                ub = plsc.bitcast(uw, jnp.bfloat16)
                ib = plsc.bitcast(iw, jnp.bfloat16)
                u0, u1 = plsc.unpack(ub, format=plsc.PackFormat.INTERLEAVED)
                i0, i1 = plsc.unpack(ib, format=plsc.PackFormat.INTERLEAVED)
                acc = acc + u0 * i0 + u1 * i1
            out_v[sl] = acc
            return carry

        lax.fori_loop(0, G_PER_HALF, g_body, 0)

    pltpu.sync_copy(out_v, out_hbm.at[pl.ds(base, B_PER_W)])


@jax.jit
def kernel(users, items, user_embeddings, item_embeddings, item_biases):
    mesh = plsc.VectorSubcoreMesh(core_axis_name="c", subcore_axis_name="s")
    f = pl.kernel(
        _sc_body,
        out_type=jax.ShapeDtypeStruct((BATCH,), jnp.float32),
        mesh=mesh,
        compiler_params=pltpu.CompilerParams(
            needs_layout_passes=False, use_tc_tiling_on_sc=False),
        scratch_types=[
            pltpu.VMEM((B_PER_W,), jnp.int32),
            pltpu.VMEM((B_PER_W,), jnp.int32),
            pltpu.VMEM((B_PER_W,), jnp.int32),
            pltpu.VMEM((B_PER_W,), jnp.int32),
            pltpu.VMEM((HALF, 128), jnp.int32),
            pltpu.VMEM((HALF, 128), jnp.int32),
            pltpu.VMEM((B_PER_W,), jnp.float32),
            pltpu.VMEM((B_PER_W,), jnp.float32),
            pltpu.SemaphoreType.DMA,
        ],
    )
    return f(users.astype(jnp.int32), items.astype(jnp.int32),
             _pack_table(user_embeddings), _pack_table(item_embeddings),
             item_biases.reshape(-1))

# --- scband reference (transcript-rebuilt; emitter-appended) ---
"""Pipeline reference for scband-bprmf-67619965108449 (READ-ONLY COPY).

The authoritative reference and input builder live on the scoring server;
editing this copy changes nothing except your own understanding.
"""

import jax, jax.numpy as jnp
import numpy as np

NUM_USERS = 1000000
NUM_ITEMS = 1000000
EMBED_DIM = 64
BATCH = 16384


def setup_inputs(seed: int = 0) -> dict:
    key = jax.random.key(seed)
    k1, k2, k3, k4 = jax.random.split(key, 4)
    users = jax.random.randint(k1, (BATCH,), 0, NUM_USERS, dtype=jnp.int64 if jax.config.jax_enable_x64 else jnp.int32)
    items = jax.random.randint(k2, (BATCH,), 0, NUM_ITEMS, dtype=jnp.int64 if jax.config.jax_enable_x64 else jnp.int32)
    user_embeddings = jax.random.normal(k3, (NUM_USERS, EMBED_DIM), dtype=jnp.float32) * 0.01
    item_embeddings = jax.random.normal(k4, (NUM_ITEMS, EMBED_DIM), dtype=jnp.float32) * 0.01
    item_biases = jnp.zeros((NUM_ITEMS, 1), dtype=jnp.float32)
    return {
        "users": users,
        "items": items,
        "user_embeddings": user_embeddings,
        "item_embeddings": item_embeddings,
        "item_biases": item_biases,
    }


def reference(users, items, user_embeddings, item_embeddings, item_biases):
    # Faithful translation of BPRMF.forward
    user_emb = jnp.take(user_embeddings, users, axis=0)           # [B, D]
    item_emb = jnp.take(item_embeddings, items, axis=0)           # [B, D]
    item_bias = jnp.take(item_biases, items, axis=0).squeeze(-1)  # [B]
    scores = jnp.sum(user_emb * item_emb, axis=-1) + item_bias    # [B]
    return scores

if __name__ == "__main__":
    import jax
    _d = setup_inputs()
    print(jax.jit(kernel)(*tuple(_d.values())))

</pallas_src>

<mosaic_0001>
#map = affine_map<(d0, d1) -> (0)>
#map1 = affine_map<(d0, d1) -> (0, 0)>
module attributes {stable_mosaic.version = 14 : i64} {
  func.func @_sc_body(%arg0: i32, %arg1: i32, %arg2: memref<16384xi32, #tpu.memory_space<hbm>>, %arg3: memref<16384xi32, #tpu.memory_space<hbm>>, %arg4: memref<250880x128xi32, #tpu.memory_space<hbm>>, %arg5: memref<250880x128xi32, #tpu.memory_space<hbm>>, %arg6: memref<1000000xf32, #tpu.memory_space<hbm>>, %arg7: memref<16384xf32, #tpu.memory_space<hbm>>, %arg8: memref<512xi32, #tpu.memory_space<vmem>>, %arg9: memref<512xi32, #tpu.memory_space<vmem>>, %arg10: memref<512xi32, #tpu.memory_space<vmem>>, %arg11: memref<512xi32, #tpu.memory_space<vmem>>, %arg12: memref<256x128xi32, #tpu.memory_space<vmem>>, %arg13: memref<256x128xi32, #tpu.memory_space<vmem>>, %arg14: memref<512xf32, #tpu.memory_space<vmem>>, %arg15: memref<512xf32, #tpu.memory_space<vmem>>, %arg16: memref<!tpu.dma_semaphore, #tpu.memory_space<semaphore_mem>>) attributes {dimension_semantics = [#tpu.dimension_semantics<core_parallel>, #tpu.dimension_semantics<subcore_parallel>], iteration_bounds = array<i64: 2, 16>, scalar_prefetch = 0 : i64, scratch_operands = 9 : i64, tpu.core_type = #tpu.core_type<sc_vector_subcore>, window_params = [{transform_indices = #map}, {transform_indices = #map}, {transform_indices = #map1}, {transform_indices = #map1}, {transform_indices = #map}, {transform_indices = #map}]} {
    %mul3A = arith.constant 2 : i32
    %mul3A_0 = arith.muli %arg1, %mul3A : i32
    %add3A = arith.addi %mul3A_0, %arg0 : i32
    %mul3A_1 = arith.constant 512 : i32
    %mul3A_2 = arith.muli %add3A, %mul3A_1 : i32
    "tpu.region"() ({
      %run_scoped3A = tpu.sem_alloc : memref<!tpu.dma_semaphore, #tpu.memory_space<semaphore_mem>>
      %dma_start3A_194 = tpu.memref_slice %arg2[%mul3A_2] : memref<16384xi32, #tpu.memory_space<hbm>> -> memref<512xi32, #tpu.memory_space<hbm>>
      %dma_start3A_195 = tpu.memref_slice %arg2[%mul3A_2] : memref<16384xi32, #tpu.memory_space<hbm>> -> memref<512xi32, #tpu.memory_space<hbm>>
      tpu.enqueue_dma source(%dma_start3A_195 : memref<512xi32, #tpu.memory_space<hbm>>) target(%arg8 : memref<512xi32, #tpu.memory_space<vmem>>) target_semaphore(%run_scoped3A : memref<!tpu.dma_semaphore, #tpu.memory_space<semaphore_mem>>)
      %dma_wait3A_196 = tpu.memref_slice %arg2[%mul3A_2] : memref<16384xi32, #tpu.memory_space<hbm>> -> memref<512xi32, #tpu.memory_space<hbm>>
      %dma_wait3A_197 = tpu.memref_slice %arg2[%mul3A_2] : memref<16384xi32, #tpu.memory_space<hbm>> -> memref<512xi32, #tpu.memory_space<hbm>>
      tpu.wait_dma2 semaphore(%run_scoped3A : memref<!tpu.dma_semaphore, #tpu.memory_space<semaphore_mem>>) src(%dma_wait3A_197 : memref<512xi32, #tpu.memory_space<hbm>>) dst(%arg8 : memref<512xi32, #tpu.memory_space<vmem>>)
      tpu.yield
    }) : () -> ()
    "tpu.region"() ({
      %run_scoped3A = tpu.sem_alloc : memref<!tpu.dma_semaphore, #tpu.memory_space<semaphore_mem>>
      %dma_start3A_194 = tpu.memref_slice %arg3[%mul3A_2] : memref<16384xi32, #tpu.memory_space<hbm>> -> memref<512xi32, #tpu.memory_space<hbm>>
      %dma_start3A_195 = tpu.memref_slice %arg3[%mul3A_2] : memref<16384xi32, #tpu.memory_space<hbm>> -> memref<512xi32, #tpu.memory_space<hbm>>
      tpu.enqueue_dma source(%dma_start3A_195 : memref<512xi32, #tpu.memory_space<hbm>>) target(%arg9 : memref<512xi32, #tpu.memory_space<vmem>>) target_semaphore(%run_scoped3A : memref<!tpu.dma_semaphore, #tpu.memory_space<semaphore_mem>>)
      %dma_wait3A_196 = tpu.memref_slice %arg3[%mul3A_2] : memref<16384xi32, #tpu.memory_space<hbm>> -> memref<512xi32, #tpu.memory_space<hbm>>
      %dma_wait3A_197 = tpu.memref_slice %arg3[%mul3A_2] : memref<16384xi32, #tpu.memory_space<hbm>> -> memref<512xi32, #tpu.memory_space<hbm>>
      tpu.wait_dma2 semaphore(%run_scoped3A : memref<!tpu.dma_semaphore, #tpu.memory_space<semaphore_mem>>) src(%dma_wait3A_197 : memref<512xi32, #tpu.memory_space<hbm>>) dst(%arg9 : memref<512xi32, #tpu.memory_space<vmem>>)
      tpu.yield
    }) : () -> ()
    %dma_start3A = arith.constant 0 : i32
    %dma_start3A_3 = tpu.memref_slice %arg14[%dma_start3A] : memref<512xf32, #tpu.memory_space<vmem>> -> memref<128xf32, #tpu.memory_space<vmem>>
    %dma_start3A_4 = arith.constant 0 : i32
    %dma_start3A_5 = tpu.memref_slice %arg9[%dma_start3A_4] : memref<512xi32, #tpu.memory_space<vmem>> -> memref<128xi32, #tpu.memory_space<vmem>>
    %dma_start3A_6 = arith.constant 0 : i32
    %dma_start3A_7 = tpu.memref_slice %arg6[%dma_start3A_6] : memref<1000000xf32, #tpu.memory_space<hbm>> -> memref<1000000xf32, #tpu.memory_space<hbm>>
    tpu.enqueue_indirect_dma source(%dma_start3A_7 : memref<1000000xf32, #tpu.memory_space<hbm>>) target(%dma_start3A_3 : memref<128xf32, #tpu.memory_space<vmem>>) offsets(%dma_start3A_5 : memref<128xi32, #tpu.memory_space<vmem>>) semaphore(%arg16 : memref<!tpu.dma_semaphore, #tpu.memory_space<semaphore_mem>>)
    %dma_start3A_8 = arith.constant 128 : i32
    %dma_start3A_9 = tpu.memref_slice %arg14[%dma_start3A_8] : memref<512xf32, #tpu.memory_space<vmem>> -> memref<128xf32, #tpu.memory_space<vmem>>
    %dma_start3A_10 = arith.constant 128 : i32
    %dma_start3A_11 = tpu.memref_slice %arg9[%dma_start3A_10] : memref<512xi32, #tpu.memory_space<vmem>> -> memref<128xi32, #tpu.memory_space<vmem>>
    %dma_start3A_12 = arith.constant 0 : i32
    %dma_start3A_13 = tpu.memref_slice %arg6[%dma_start3A_12] : memref<1000000xf32, #tpu.memory_space<hbm>> -> memref<1000000xf32, #tpu.memory_space<hbm>>
    tpu.enqueue_indirect_dma source(%dma_start3A_13 : memref<1000000xf32, #tpu.memory_space<hbm>>) target(%dma_start3A_9 : memref<128xf32, #tpu.memory_space<vmem>>) offsets(%dma_start3A_11 : memref<128xi32, #tpu.memory_space<vmem>>) semaphore(%arg16 : memref<!tpu.dma_semaphore, #tpu.memory_space<semaphore_mem>>)
    %dma_start3A_14 = arith.constant 256 : i32
    %dma_start3A_15 = tpu.memref_slice %arg14[%dma_start3A_14] : memref<512xf32, #tpu.memory_space<vmem>> -> memref<128xf32, #tpu.memory_space<vmem>>
    %dma_start3A_16 = arith.constant 256 : i32
    %dma_start3A_17 = tpu.memref_slice %arg9[%dma_start3A_16] : memref<512xi32, #tpu.memory_space<vmem>> -> memref<128xi32, #tpu.memory_space<vmem>>
    %dma_start3A_18 = arith.constant 0 : i32
    %dma_start3A_19 = tpu.memref_slice %arg6[%dma_start3A_18] : memref<1000000xf32, #tpu.memory_space<hbm>> -> memref<1000000xf32, #tpu.memory_space<hbm>>
    tpu.enqueue_indirect_dma source(%dma_start3A_19 : memref<1000000xf32, #tpu.memory_space<hbm>>) target(%dma_start3A_15 : memref<128xf32, #tpu.memory_space<vmem>>) offsets(%dma_start3A_17 : memref<128xi32, #tpu.memory_space<vmem>>) semaphore(%arg16 : memref<!tpu.dma_semaphore, #tpu.memory_space<semaphore_mem>>)
    %dma_start3A_20 = arith.constant 384 : i32
    %dma_start3A_21 = tpu.memref_slice %arg14[%dma_start3A_20] : memref<512xf32, #tpu.memory_space<vmem>> -> memref<128xf32, #tpu.memory_space<vmem>>
    %dma_start3A_22 = arith.constant 384 : i32
    %dma_start3A_23 = tpu.memref_slice %arg9[%dma_start3A_22] : memref<512xi32, #tpu.memory_space<vmem>> -> memref<128xi32, #tpu.memory_space<vmem>>
    %dma_start3A_24 = arith.constant 0 : i32
    %dma_start3A_25 = tpu.memref_slice %arg6[%dma_start3A_24] : memref<1000000xf32, #tpu.memory_space<hbm>> -> memref<1000000xf32, #tpu.memory_space<hbm>>
    tpu.enqueue_indirect_dma source(%dma_start3A_25 : memref<1000000xf32, #tpu.memory_space<hbm>>) target(%dma_start3A_21 : memref<128xf32, #tpu.memory_space<vmem>>) offsets(%dma_start3A_23 : memref<128xi32, #tpu.memory_space<vmem>>) semaphore(%arg16 : memref<!tpu.dma_semaphore, #tpu.memory_space<semaphore_mem>>)
    %scan3A = arith.constant 0 : i32
    %scan3A_26 = arith.constant 0 : i32
    %scan3A_27 = arith.constant 32 : i32
    %scan3A_28 = arith.addi %scan3A_26, %scan3A_27 : i32
    %scan3A_29 = arith.constant 1 : i32
    scf.for %scan3A_194 = %scan3A_26 to %scan3A_28 step %scan3A_29  : i32 {
      %mul3A_195 = arith.constant 16 : i32
      %mul3A_196 = arith.muli %scan3A_194, %mul3A_195 : i32
      %get3A = arith.index_cast %mul3A_196 : i32 to index
      %get3A_197 = tpu.vector_load %arg8[%get3A] {strides = array<i32>} : memref<512xi32, #tpu.memory_space<vmem>>, vector<16xi32>,
      %shift_right_arithmetic3A = arith.constant 12 : i32
      %shift_right_arithmetic3A_198 = vector.broadcast %shift_right_arithmetic3A : i32 to vector<16xi32>
      %shift_right_arithmetic3A_199 = arith.shrsi %get3A_197, %shift_right_arithmetic3A_198 : vector<16xi32>
      %shift_left3A = arith.constant 10 : i32
      %shift_left3A_200 = vector.broadcast %shift_left3A : i32 to vector<16xi32>
      %shift_left3A_201 = arith.shli %shift_right_arithmetic3A_199, %shift_left3A_200 : vector<16xi32>
      %and3A = arith.constant 1023 : i32
      %and3A_202 = vector.broadcast %and3A : i32 to vector<16xi32>
      %and3A_203 = arith.andi %get3A_197, %and3A_202 : vector<16xi32>
      %or3A = arith.ori %shift_left3A_201, %and3A_203 : vector<16xi32>
      %swap3A = arith.index_cast %mul3A_196 : i32 to index
      %swap3A_204 = tpu.vector_load %arg10[%swap3A] {strides = array<i32>} : memref<512xi32, #tpu.memory_space<vmem>>, vector<16xi32>,
      tpu.vector_store %arg10[%swap3A], %or3A {strides = array<i32>} : memref<512xi32, #tpu.memory_space<vmem>>, vector<16xi32>,
      %get3A_205 = arith.index_cast %mul3A_196 : i32 to index
      %get3A_206 = tpu.vector_load %arg9[%get3A_205] {strides = array<i32>} : memref<512xi32, #tpu.memory_space<vmem>>, vector<16xi32>,
      %shift_right_arithmetic3A_207 = arith.constant 12 : i32
      %shift_right_arithmetic3A_208 = vector.broadcast %shift_right_arithmetic3A_207 : i32 to vector<16xi32>
      %shift_right_arithmetic3A_209 = arith.shrsi %get3A_206, %shift_right_arithmetic3A_208 : vector<16xi32>
      %shift_left3A_210 = arith.constant 10 : i32
      %shift_left3A_211 = vector.broadcast %shift_left3A_210 : i32 to vector<16xi32>
      %shift_left3A_212 = arith.shli %shift_right_arithmetic3A_209, %shift_left3A_211 : vector<16xi32>
      %and3A_213 = arith.constant 1023 : i32
      %and3A_214 = vector.broadcast %and3A_213 : i32 to vector<16xi32>
      %and3A_215 = arith.andi %get3A_206, %and3A_214 : vector<16xi32>
      %or3A_216 = arith.ori %shift_left3A_212, %and3A_215 : vector<16xi32>
      %swap3A_217 = arith.index_cast %mul3A_196 : i32 to index
      %swap3A_218 = tpu.vector_load %arg11[%swap3A_217] {strides = array<i32>} : memref<512xi32, #tpu.memory_space<vmem>>, vector<16xi32>,
      tpu.vector_store %arg11[%swap3A_217], %or3A_216 {strides = array<i32>} : memref<512xi32, #tpu.memory_space<vmem>>, vector<16xi32>,
    }
    %scan3A_30 = arith.constant 32 : i32
    %iota3A = tpu.iota {dimensions = array<i32: 0>} : vector<16xi32>
    %dma_wait3A = arith.constant 0 : i32
    %dma_wait3A_31 = tpu.memref_slice %arg14[%dma_wait3A] : memref<512xf32, #tpu.memory_space<vmem>> -> memref<128xf32, #tpu.memory_space<vmem>>
    %dma_wait3A_32 = arith.constant 0 : i32
    %dma_wait3A_33 = tpu.memref_slice %arg9[%dma_wait3A_32] : memref<512xi32, #tpu.memory_space<vmem>> -> memref<128xi32, #tpu.memory_space<vmem>>
    %dma_wait3A_34 = arith.constant 0 : i32
    %dma_wait3A_35 = tpu.memref_slice %arg6[%dma_wait3A_34] : memref<1000000xf32, #tpu.memory_space<hbm>> -> memref<1000000xf32, #tpu.memory_space<hbm>>
    tpu.wait_indirect_dma semaphore(%arg16 : memref<!tpu.dma_semaphore, #tpu.memory_space<semaphore_mem>>) src(%dma_wait3A_35 : memref<1000000xf32, #tpu.memory_space<hbm>>) dst(%dma_wait3A_31 : memref<128xf32, #tpu.memory_space<vmem>>)
    %dma_wait3A_36 = arith.constant 128 : i32
    %dma_wait3A_37 = tpu.memref_slice %arg14[%dma_wait3A_36] : memref<512xf32, #tpu.memory_space<vmem>> -> memref<128xf32, #tpu.memory_space<vmem>>
    %dma_wait3A_38 = arith.constant 128 : i32
    %dma_wait3A_39 = tpu.memref_slice %arg9[%dma_wait3A_38] : memref<512xi32, #tpu.memory_space<vmem>> -> memref<128xi32, #tpu.memory_space<vmem>>
    %dma_wait3A_40 = arith.constant 0 : i32
    %dma_wait3A_41 = tpu.memref_slice %arg6[%dma_wait3A_40] : memref<1000000xf32, #tpu.memory_space<hbm>> -> memref<1000000xf32, #tpu.memory_space<hbm>>
    tpu.wait_indirect_dma semaphore(%arg16 : memref<!tpu.dma_semaphore, #tpu.memory_space<semaphore_mem>>) src(%dma_wait3A_41 : memref<1000000xf32, #tpu.memory_space<hbm>>) dst(%dma_wait3A_37 : memref<128xf32, #tpu.memory_space<vmem>>)
    %dma_wait3A_42 = arith.constant 256 : i32
    %dma_wait3A_43 = tpu.memref_slice %arg14[%dma_wait3A_42] : memref<512xf32, #tpu.memory_space<vmem>> -> memref<128xf32, #tpu.memory_space<vmem>>
    %dma_wait3A_44 = arith.constant 256 : i32
    %dma_wait3A_45 = tpu.memref_slice %arg9[%dma_wait3A_44] : memref<512xi32, #tpu.memory_space<vmem>> -> memref<128xi32, #tpu.memory_space<vmem>>
    %dma_wait3A_46 = arith.constant 0 : i32
    %dma_wait3A_47 = tpu.memref_slice %arg6[%dma_wait3A_46] : memref<1000000xf32, #tpu.memory_space<hbm>> -> memref<1000000xf32, #tpu.memory_space<hbm>>
    tpu.wait_indirect_dma semaphore(%arg16 : memref<!tpu.dma_semaphore, #tpu.memory_space<semaphore_mem>>) src(%dma_wait3A_47 : memref<1000000xf32, #tpu.memory_space<hbm>>) dst(%dma_wait3A_43 : memref<128xf32, #tpu.memory_space<vmem>>)
    %dma_wait3A_48 = arith.constant 384 : i32
    %dma_wait3A_49 = tpu.memref_slice %arg14[%dma_wait3A_48] : memref<512xf32, #tpu.memory_space<vmem>> -> memref<128xf32, #tpu.memory_space<vmem>>
    %dma_wait3A_50 = arith.constant 384 : i32
    %dma_wait3A_51 = tpu.memref_slice %arg9[%dma_wait3A_50] : memref<512xi32, #tpu.memory_space<vmem>> -> memref<128xi32, #tpu.memory_space<vmem>>
    %dma_wait3A_52 = arith.constant 0 : i32
    %dma_wait3A_53 = tpu.memref_slice %arg6[%dma_wait3A_52] : memref<1000000xf32, #tpu.memory_space<hbm>> -> memref<1000000xf32, #tpu.memory_space<hbm>>
    tpu.wait_indirect_dma semaphore(%arg16 : memref<!tpu.dma_semaphore, #tpu.memory_space<semaphore_mem>>) src(%dma_wait3A_53 : memref<1000000xf32, #tpu.memory_space<hbm>>) dst(%dma_wait3A_49 : memref<128xf32, #tpu.memory_space<vmem>>)
    %dma_start3A_54 = arith.constant 0 : i32
    %dma_start3A_55 = arith.constant 0 : i32
    %dma_start3A_56 = tpu.memref_slice %arg12[%dma_start3A_54, %dma_start3A_55] : memref<256x128xi32, #tpu.memory_space<vmem>> -> memref<128x128xi32, #tpu.memory_space<vmem>>
    %dma_start3A_57 = arith.constant 0 : i32
    %dma_start3A_58 = tpu.memref_slice %arg10[%dma_start3A_57] : memref<512xi32, #tpu.memory_space<vmem>> -> memref<128xi32, #tpu.memory_space<vmem>>
    %dma_start3A_59 = arith.constant 0 : i32
    %dma_start3A_60 = arith.constant 0 : i32
    %dma_start3A_61 = tpu.memref_slice %arg4[%dma_start3A_59, %dma_start3A_60] : memref<250880x128xi32, #tpu.memory_space<hbm>> -> memref<250880x128xi32, #tpu.memory_space<hbm>>
    tpu.enqueue_indirect_dma source(%dma_start3A_61 : memref<250880x128xi32, #tpu.memory_space<hbm>>) target(%dma_start3A_56 : memref<128x128xi32, #tpu.memory_space<vmem>>) offsets(%dma_start3A_58 : memref<128xi32, #tpu.memory_space<vmem>>) semaphore(%arg16 : memref<!tpu.dma_semaphore, #tpu.memory_space<semaphore_mem>>)
    %dma_start3A_62 = arith.constant 0 : i32
    %dma_start3A_63 = arith.constant 0 : i32
    %dma_start3A_64 = tpu.memref_slice %arg13[%dma_start3A_62, %dma_start3A_63] : memref<256x128xi32, #tpu.memory_space<vmem>> -> memref<128x128xi32, #tpu.memory_space<vmem>>
    %dma_start3A_65 = arith.constant 0 : i32
    %dma_start3A_66 = tpu.memref_slice %arg11[%dma_start3A_65] : memref<512xi32, #tpu.memory_space<vmem>> -> memref<128xi32, #tpu.memory_space<vmem>>
    %dma_start3A_67 = arith.constant 0 : i32
    %dma_start3A_68 = arith.constant 0 : i32
    %dma_start3A_69 = tpu.memref_slice %arg5[%dma_start3A_67, %dma_start3A_68] : memref<250880x128xi32, #tpu.memory_space<hbm>> -> memref<250880x128xi32, #tpu.memory_space<hbm>>
    tpu.enqueue_indirect_dma source(%dma_start3A_69 : memref<250880x128xi32, #tpu.memory_space<hbm>>) target(%dma_start3A_64 : memref<128x128xi32, #tpu.memory_space<vmem>>) offsets(%dma_start3A_66 : memref<128xi32, #tpu.memory_space<vmem>>) semaphore(%arg16 : memref<!tpu.dma_semaphore, #tpu.memory_space<semaphore_mem>>)
    %dma_start3A_70 = arith.constant 128 : i32
    %dma_start3A_71 = arith.constant 0 : i32
    %dma_start3A_72 = tpu.memref_slice %arg12[%dma_start3A_70, %dma_start3A_71] : memref<256x128xi32, #tpu.memory_space<vmem>> -> memref<128x128xi32, #tpu.memory_space<vmem>>
    %dma_start3A_73 = arith.constant 128 : i32
    %dma_start3A_74 = tpu.memref_slice %arg10[%dma_start3A_73] : memref<512xi32, #tpu.memory_space<vmem>> -> memref<128xi32, #tpu.memory_space<vmem>>
    %dma_start3A_75 = arith.constant 0 : i32
    %dma_start3A_76 = arith.constant 0 : i32
    %dma_start3A_77 = tpu.memref_slice %arg4[%dma_start3A_75, %dma_start3A_76] : memref<250880x128xi32, #tpu.memory_space<hbm>> -> memref<250880x128xi32, #tpu.memory_space<hbm>>
    tpu.enqueue_indirect_dma source(%dma_start3A_77 : memref<250880x128xi32, #tpu.memory_space<hbm>>) target(%dma_start3A_72 : memref<128x128xi32, #tpu.memory_space<vmem>>) offsets(%dma_start3A_74 : memref<128xi32, #tpu.memory_space<vmem>>) semaphore(%arg16 : memref<!tpu.dma_semaphore, #tpu.memory_space<semaphore_mem>>)
    %dma_start3A_78 = arith.constant 128 : i32
    %dma_start3A_79 = arith.constant 0 : i32
    %dma_start3A_80 = tpu.memref_slice %arg13[%dma_start3A_78, %dma_start3A_79] : memref<256x128xi32, #tpu.memory_space<vmem>> -> memref<128x128xi32, #tpu.memory_space<vmem>>
    %dma_start3A_81 = arith.constant 128 : i32
    %dma_start3A_82 = tpu.memref_slice %arg11[%dma_start3A_81] : memref<512xi32, #tpu.memory_space<vmem>> -> memref<128xi32, #tpu.memory_space<vmem>>
    %dma_start3A_83 = arith.constant 0 : i32
    %dma_start3A_84 = arith.constant 0 : i32
    %dma_start3A_85 = tpu.memref_slice %arg5[%dma_start3A_83, %dma_start3A_84] : memref<250880x128xi32, #tpu.memory_space<hbm>> -> memref<250880x128xi32, #tpu.memory_space<hbm>>
    tpu.enqueue_indirect_dma source(%dma_start3A_85 : memref<250880x128xi32, #tpu.memory_space<hbm>>) target(%dma_start3A_80 : memref<128x128xi32, #tpu.memory_space<vmem>>) offsets(%dma_start3A_82 : memref<128xi32, #tpu.memory_space<vmem>>) semaphore(%arg16 : memref<!tpu.dma_semaphore, #tpu.memory_space<semaphore_mem>>)
    %dma_wait3A_86 = arith.constant 0 : i32
    %dma_wait3A_87 = arith.constant 0 : i32
    %dma_wait3A_88 = tpu.memref_slice %arg12[%dma_wait3A_86, %dma_wait3A_87] : memref<256x128xi32, #tpu.memory_space<vmem>> -> memref<128x128xi32, #tpu.memory_space<vmem>>
    %dma_wait3A_89 = arith.constant 0 : i32
    %dma_wait3A_90 = tpu.memref_slice %arg10[%dma_wait3A_89] : memref<512xi32, #tpu.memory_space<vmem>> -> memref<128xi32, #tpu.memory_space<vmem>>
    %dma_wait3A_91 = arith.constant 0 : i32
    %dma_wait3A_92 = arith.constant 0 : i32
    %dma_wait3A_93 = tpu.memref_slice %arg4[%dma_wait3A_91, %dma_wait3A_92] : memref<250880x128xi32, #tpu.memory_space<hbm>> -> memref<250880x128xi32, #tpu.memory_space<hbm>>
    tpu.wait_indirect_dma semaphore(%arg16 : memref<!tpu.dma_semaphore, #tpu.memory_space<semaphore_mem>>) src(%dma_wait3A_93 : memref<250880x128xi32, #tpu.memory_space<hbm>>) dst(%dma_wait3A_88 : memref<128x128xi32, #tpu.memory_space<vmem>>)
    %dma_wait3A_94 = arith.constant 0 : i32
    %dma_wait3A_95 = arith.constant 0 : i32
    %dma_wait3A_96 = tpu.memref_slice %arg13[%dma_wait3A_94, %dma_wait3A_95] : memref<256x128xi32, #tpu.memory_space<vmem>> -> memref<128x128xi32, #tpu.memory_space<vmem>>
    %dma_wait3A_97 = arith.constant 0 : i32
    %dma_wait3A_98 = tpu.memref_slice %arg11[%dma_wait3A_97] : memref<512xi32, #tpu.memory_space<vmem>> -> memref<128xi32, #tpu.memory_space<vmem>>
    %dma_wait3A_99 = arith.constant 0 : i32
    %dma_wait3A_100 = arith.constant 0 : i32
    %dma_wait3A_101 = tpu.memref_slice %arg5[%dma_wait3A_99, %dma_wait3A_100] : memref<250880x128xi32, #tpu.memory_space<hbm>> -> memref<250880x128xi32, #tpu.memory_space<hbm>>
    tpu.wait_indirect_dma semaphore(%arg16 : memref<!tpu.dma_semaphore, #tpu.memory_space<semaphore_mem>>) src(%dma_wait3A_101 : memref<250880x128xi32, #tpu.memory_space<hbm>>) dst(%dma_wait3A_96 : memref<128x128xi32, #tpu.memory_space<vmem>>)
    %dma_wait3A_102 = arith.constant 128 : i32
    %dma_wait3A_103 = arith.constant 0 : i32
    %dma_wait3A_104 = tpu.memref_slice %arg12[%dma_wait3A_102, %dma_wait3A_103] : memref<256x128xi32, #tpu.memory_space<vmem>> -> memref<128x128xi32, #tpu.memory_space<vmem>>
    %dma_wait3A_105 = arith.constant 128 : i32
    %dma_wait3A_106 = tpu.memref_slice %arg10[%dma_wait3A_105] : memref<512xi32, #tpu.memory_space<vmem>> -> memref<128xi32, #tpu.memory_space<vmem>>
    %dma_wait3A_107 = arith.constant 0 : i32
    %dma_wait3A_108 = arith.constant 0 : i32
    %dma_wait3A_109 = tpu.memref_slice %arg4[%dma_wait3A_107, %dma_wait3A_108] : memref<250880x128xi32, #tpu.memory_space<hbm>> -> memref<250880x128xi32, #tpu.memory_space<hbm>>
    tpu.wait_indirect_dma semaphore(%arg16 : memref<!tpu.dma_semaphore, #tpu.memory_space<semaphore_mem>>) src(%dma_wait3A_109 : memref<250880x128xi32, #tpu.memory_space<hbm>>) dst(%dma_wait3A_104 : memref<128x128xi32, #tpu.memory_space<vmem>>)
    %dma_wait3A_110 = arith.constant 128 : i32
    %dma_wait3A_111 = arith.constant 0 : i32
    %dma_wait3A_112 = tpu.memref_slice %arg13[%dma_wait3A_110, %dma_wait3A_111] : memref<256x128xi32, #tpu.memory_space<vmem>> -> memref<128x128xi32, #tpu.memory_space<vmem>>
    %dma_wait3A_113 = arith.constant 128 : i32
    %dma_wait3A_114 = tpu.memref_slice %arg11[%dma_wait3A_113] : memref<512xi32, #tpu.memory_space<vmem>> -> memref<128xi32, #tpu.memory_space<vmem>>
    %dma_wait3A_115 = arith.constant 0 : i32
    %dma_wait3A_116 = arith.constant 0 : i32
    %dma_wait3A_117 = tpu.memref_slice %arg5[%dma_wait3A_115, %dma_wait3A_116] : memref<250880x128xi32, #tpu.memory_space<hbm>> -> memref<250880x128xi32, #tpu.memory_space<hbm>>
    tpu.wait_indirect_dma semaphore(%arg16 : memref<!tpu.dma_semaphore, #tpu.memory_space<semaphore_mem>>) src(%dma_wait3A_117 : memref<250880x128xi32, #tpu.memory_space<hbm>>) dst(%dma_wait3A_112 : memref<128x128xi32, #tpu.memory_space<vmem>>)
    %scan3A_118 = arith.constant 0 : i32
    %scan3A_119 = arith.constant 0 : i32
    %scan3A_120 = arith.constant 16 : i32
    %scan3A_121 = arith.addi %scan3A_119, %scan3A_120 : i32
    %scan3A_122 = arith.constant 1 : i32
    scf.for %scan3A_194 = %scan3A_119 to %scan3A_121 step %scan3A_122  : i32 {
      %mul3A_195 = arith.constant 16 : i32
      %mul3A_196 = arith.muli %scan3A_194, %mul3A_195 : i32
      %add3A_197 = arith.constant 0 : i32
      %add3A_198 = arith.addi %add3A_197, %mul3A_196 : i32
      %mul3A_199 = arith.constant 16 : i32
      %mul3A_200 = arith.muli %scan3A_194, %mul3A_199 : i32
      %add3A_201 = vector.broadcast %mul3A_200 : i32 to vector<16xi32>
      %add3A_202 = arith.addi %iota3A, %add3A_201 : vector<16xi32>
      %get3A = arith.index_cast %add3A_198 : i32 to index
      %get3A_203 = tpu.vector_load %arg8[%get3A] {strides = array<i32>} : memref<512xi32, #tpu.memory_space<vmem>>, vector<16xi32>,
      %shift_right_arithmetic3A = arith.constant 10 : i32
      %shift_right_arithmetic3A_204 = vector.broadcast %shift_right_arithmetic3A : i32 to vector<16xi32>
      %shift_right_arithmetic3A_205 = arith.shrsi %get3A_203, %shift_right_arithmetic3A_204 : vector<16xi32>
      %and3A = arith.constant 3 : i32
      %and3A_206 = vector.broadcast %and3A : i32 to vector<16xi32>
      %and3A_207 = arith.andi %shift_right_arithmetic3A_205, %and3A_206 : vector<16xi32>
      %shift_left3A = arith.constant 5 : i32
      %shift_left3A_208 = vector.broadcast %shift_left3A : i32 to vector<16xi32>
      %shift_left3A_209 = arith.shli %and3A_207, %shift_left3A_208 : vector<16xi32>
      %get3A_210 = arith.index_cast %add3A_198 : i32 to index
      %get3A_211 = tpu.vector_load %arg9[%get3A_210] {strides = array<i32>} : memref<512xi32, #tpu.memory_space<vmem>>, vector<16xi32>,
      %shift_right_arithmetic3A_212 = arith.constant 10 : i32
      %shift_right_arithmetic3A_213 = vector.broadcast %shift_right_arithmetic3A_212 : i32 to vector<16xi32>
      %shift_right_arithmetic3A_214 = arith.shrsi %get3A_211, %shift_right_arithmetic3A_213 : vector<16xi32>
      %and3A_215 = arith.constant 3 : i32
      %and3A_216 = vector.broadcast %and3A_215 : i32 to vector<16xi32>
      %and3A_217 = arith.andi %shift_right_arithmetic3A_214, %and3A_216 : vector<16xi32>
      %shift_left3A_218 = arith.constant 5 : i32
      %shift_left3A_219 = vector.broadcast %shift_left3A_218 : i32 to vector<16xi32>
      %shift_left3A_220 = arith.shli %and3A_217, %shift_left3A_219 : vector<16xi32>
      %get3A_221 = arith.index_cast %add3A_198 : i32 to index
      %get3A_222 = tpu.vector_load %arg14[%get3A_221] {strides = array<i32>} : memref<512xf32, #tpu.memory_space<vmem>>, vector<16xf32>,
      %add3A_223 = arith.constant 0 : i32
      %add3A_224 = vector.broadcast %add3A_223 : i32 to vector<16xi32>
      %add3A_225 = arith.addi %shift_left3A_209, %add3A_224 : vector<16xi32>
      %gather3A = tpu.vector_load_idx %arg12[%add3A_202, %add3A_225] : memref<256x128xi32, #tpu.memory_space<vmem>>[vector<16xi32>, vector<16xi32>], vector<16xi32>,
      %add3A_226 = arith.constant 0 : i32
      %add3A_227 = vector.broadcast %add3A_226 : i32 to vector<16xi32>
      %add3A_228 = arith.addi %shift_left3A_220, %add3A_227 : vector<16xi32>
      %gather3A_229 = tpu.vector_load_idx %arg13[%add3A_202, %add3A_228] : memref<256x128xi32, #tpu.memory_space<vmem>>[vector<16xi32>, vector<16xi32>], vector<16xi32>,
      %bitcast3A = vector.bitcast %gather3A : vector<16xi32> to vector<32xbf16>
      %bitcast3A_230 = vector.bitcast %gather3A_229 : vector<16xi32> to vector<32xbf16>
      %unpack3A = tpu.unpack_subelements %bitcast3A, 0 {pack_format = #tpu.pack_format<interleaved>} : vector<32xbf16> -> vector<16xf32>
      %unpack3A_231 = tpu.unpack_subelements %bitcast3A, 1 {pack_format = #tpu.pack_format<interleaved>} : vector<32xbf16> -> vector<16xf32>
      %unpack3A_232 = tpu.unpack_subelements %bitcast3A_230, 0 {pack_format = #tpu.pack_format<interleaved>} : vector<32xbf16> -> vector<16xf32>
      %unpack3A_233 = tpu.unpack_subelements %bitcast3A_230, 1 {pack_format = #tpu.pack_format<interleaved>} : vector<32xbf16> -> vector<16xf32>
      %mul3A_234 = arith.mulf %unpack3A, %unpack3A_232 : vector<16xf32>
      %add3A_235 = arith.addf %get3A_222, %mul3A_234 : vector<16xf32>
      %mul3A_236 = arith.mulf %unpack3A_231, %unpack3A_233 : vector<16xf32>
      %add3A_237 = arith.addf %add3A_235, %mul3A_236 : vector<16xf32>
      %add3A_238 = arith.constant 1 : i32
      %add3A_239 = vector.broadcast %add3A_238 : i32 to vector<16xi32>
      %add3A_240 = arith.addi %shift_left3A_209, %add3A_239 : vector<16xi32>
      %gather3A_241 = tpu.vector_load_idx %arg12[%add3A_202, %add3A_240] : memref<256x128xi32, #tpu.memory_space<vmem>>[vector<16xi32>, vector<16xi32>], vector<16xi32>,
      %add3A_242 = arith.constant 1 : i32
      %add3A_243 = vector.broadcast %add3A_242 : i32 to vector<16xi32>
      %add3A_244 = arith.addi %shift_left3A_220, %add3A_243 : vector<16xi32>
      %gather3A_245 = tpu.vector_load_idx %arg13[%add3A_202, %add3A_244] : memref<256x128xi32, #tpu.memory_space<vmem>>[vector<16xi32>, vector<16xi32>], vector<16xi32>,
      %bitcast3A_246 = vector.bitcast %gather3A_241 : vector<16xi32> to vector<32xbf16>
      %bitcast3A_247 = vector.bitcast %gather3A_245 : vector<16xi32> to vector<32xbf16>
      %unpack3A_248 = tpu.unpack_subelements %bitcast3A_246, 0 {pack_format = #tpu.pack_format<interleaved>} : vector<32xbf16> -> vector<16xf32>
      %unpack3A_249 = tpu.unpack_subelements %bitcast3A_246, 1 {pack_format = #tpu.pack_format<interleaved>} : vector<32xbf16> -> vector<16xf32>
      %unpack3A_250 = tpu.unpack_subelements %bitcast3A_247, 0 {pack_format = #tpu.pack_format<interleaved>} : vector<32xbf16> -> vector<16xf32>
      %unpack3A_251 = tpu.unpack_subelements %bitcast3A_247, 1 {pack_format = #tpu.pack_format<interleaved>} : vector<32xbf16> -> vector<16xf32>
      %mul3A_252 = arith.mulf %unpack3A_248, %unpack3A_250 : vector<16xf32>
      %add3A_253 = arith.addf %add3A_237, %mul3A_252 : vector<16xf32>
      %mul3A_254 = arith.mulf %unpack3A_249, %unpack3A_251 : vector<16xf32>
      %add3A_255 = arith.addf %add3A_253, %mul3A_254 : vector<16xf32>
      %add3A_256 = arith.constant 2 : i32
      %add3A_257 = vector.broadcast %add3A_256 : i32 to vector<16xi32>
      %add3A_258 = arith.addi %shift_left3A_209, %add3A_257 : vector<16xi32>
      %gather3A_259 = tpu.vector_load_idx %arg12[%add3A_202, %add3A_258] : memref<256x128xi32, #tpu.memory_space<vmem>>[vector<16xi32>, vector<16xi32>], vector<16xi32>,
      %add3A_260 = arith.constant 2 : i32
      %add3A_261 = vector.broadcast %add3A_260 : i32 to vector<16xi32>
      %add3A_262 = arith.addi %shift_left3A_220, %add3A_261 : vector<16xi32>
      %gather3A_263 = tpu.vector_load_idx %arg13[%add3A_202, %add3A_262] : memref<256x128xi32, #tpu.memory_space<vmem>>[vector<16xi32>, vector<16xi32>], vector<16xi32>,
      %bitcast3A_264 = vector.bitcast %gather3A_259 : vector<16xi32> to vector<32xbf16>
      %bitcast3A_265 = vector.bitcast %gather3A_263 : vector<16xi32> to vector<32xbf16>
      %unpack3A_266 = tpu.unpack_subelements %bitcast3A_264, 0 {pack_format = #tpu.pack_format<interleaved>} : vector<32xbf16> -> vector<16xf32>
      %unpack3A_267 = tpu.unpack_subelements %bitcast3A_264, 1 {pack_format = #tpu.pack_format<interleaved>} : vector<32xbf16> -> vector<16xf32>
      %unpack3A_268 = tpu.unpack_subelements %bitcast3A_265, 0 {pack_format = #tpu.pack_format<interleaved>} : vector<32xbf16> -> vector<16xf32>
      %unpack3A_269 = tpu.unpack_subelements %bitcast3A_265, 1 {pack_format = #tpu.pack_format<interleaved>} : vector<32xbf16> -> vector<16xf32>
      %mul3A_270 = arith.mulf %unpack3A_266, %unpack3A_268 : vector<16xf32>
      %add3A_271 = arith.addf %add3A_255, %mul3A_270 : vector<16xf32>
      %mul3A_272 = arith.mulf %unpack3A_267, %unpack3A_269 : vector<16xf32>
      %add3A_273 = arith.addf %add3A_271, %mul3A_272 : vector<16xf32>
      %add3A_274 = arith.constant 3 : i32
      %add3A_275 = vector.broadcast %add3A_274 : i32 to vector<16xi32>
      %add3A_276 = arith.addi %shift_left3A_209, %add3A_275 : vector<16xi32>
      %gather3A_277 = tpu.vector_load_idx %arg12[%add3A_202, %add3A_276] : memref<256x128xi32, #tpu.memory_space<vmem>>[vector<16xi32>, vector<16xi32>], vector<16xi32>,
      %add3A_278 = arith.constant 3 : i32
      %add3A_279 = vector.broadcast %add3A_278 : i32 to vector<16xi32>
      %add3A_280 = arith.addi %shift_left3A_220, %add3A_279 : vector<16xi32>
      %gather3A_281 = tpu.vector_load_idx %arg13[%add3A_202, %add3A_280] : memref<256x128xi32, #tpu.memory_space<vmem>>[vector<16xi32>, vector<16xi32>], vector<16xi32>,
      %bitcast3A_282 = vector.bitcast %gather3A_277 : vector<16xi32> to vector<32xbf16>
      %bitcast3A_283 = vector.bitcast %gather3A_281 : vector<16xi32> to vector<32xbf16>
      %unpack3A_284 = tpu.unpack_subelements %bitcast3A_282, 0 {pack_format = #tpu.pack_format<interleaved>} : vector<32xbf16> -> vector<16xf32>
      %unpack3A_285 = tpu.unpack_subelements %bitcast3A_282, 1 {pack_format = #tpu.pack_format<interleaved>} : vector<32xbf16> -> vector<16xf32>
      %unpack3A_286 = tpu.unpack_subelements %bitcast3A_283, 0 {pack_format = #tpu.pack_format<interleaved>} : vector<32xbf16> -> vector<16xf32>
      %unpack3A_287 = tpu.unpack_subelements %bitcast3A_283, 1 {pack_format = #tpu.pack_format<interleaved>} : vector<32xbf16> -> vector<16xf32>
      %mul3A_288 = arith.mulf %unpack3A_284, %unpack3A_286 : vector<16xf32>
      %add3A_289 = arith.addf %add3A_273, %mul3A_288 : vector<16xf32>
      %mul3A_290 = arith.mulf %unpack3A_285, %unpack3A_287 : vector<16xf32>
      %add3A_291 = arith.addf %add3A_289, %mul3A_290 : vector<16xf32>
      %add3A_292 = arith.constant 4 : i32
      %add3A_293 = vector.broadcast %add3A_292 : i32 to vector<16xi32>
      %add3A_294 = arith.addi %shift_left3A_209, %add3A_293 : vector<16xi32>
      %gather3A_295 = tpu.vector_load_idx %arg12[%add3A_202, %add3A_294] : memref<256x128xi32, #tpu.memory_space<vmem>>[vector<16xi32>, vector<16xi32>], vector<16xi32>,
      %add3A_296 = arith.constant 4 : i32
      %add3A_297 = vector.broadcast %add3A_296 : i32 to vector<16xi32>
      %add3A_298 = arith.addi %shift_left3A_220, %add3A_297 : vector<16xi32>
      %gather3A_299 = tpu.vector_load_idx %arg13[%add3A_202, %add3A_298] : memref<256x128xi32, #tpu.memory_space<vmem>>[vector<16xi32>, vector<16xi32>], vector<16xi32>,
      %bitcast3A_300 = vector.bitcast %gather3A_295 : vector<16xi32> to vector<32xbf16>
      %bitcast3A_301 = vector.bitcast %gather3A_299 : vector<16xi32> to vector<32xbf16>
      %unpack3A_302 = tpu.unpack_subelements %bitcast3A_300, 0 {pack_format = #tpu.pack_format<interleaved>} : vector<32xbf16> -> vector<16xf32>
      %unpack3A_303 = tpu.unpack_subelements %bitcast3A_300, 1 {pack_format = #tpu.pack_format<interleaved>} : vector<32xbf16> -> vector<16xf32>
      %unpack3A_304 = tpu.unpack_subelements %bitcast3A_301, 0 {pack_format = #tpu.pack_format<interleaved>} : vector<32xbf16> -> vector<16xf32>
      %unpack3A_305 = tpu.unpack_subelements %bitcast3A_301, 1 {pack_format = #tpu.pack_format<interleaved>} : vector<32xbf16> -> vector<16xf32>
      %mul3A_306 = arith.mulf %unpack3A_302, %unpack3A_304 : vector<16xf32>
      %add3A_307 = arith.addf %add3A_291, %mul3A_306 : vector<16xf32>
      %mul3A_308 = arith.mulf %unpack3A_303, %unpack3A_305 : vector<16xf32>
      %add3A_309 = arith.addf %add3A_307, %mul3A_308 : vector<16xf32>
      %add3A_310 = arith.constant 5 : i32
      %add3A_311 = vector.broadcast %add3A_310 : i32 to vector<16xi32>
      %add3A_312 = arith.addi %shift_left3A_209, %add3A_311 : vector<16xi32>
      %gather3A_313 = tpu.vector_load_idx %arg12[%add3A_202, %add3A_312] : memref<256x128xi32, #tpu.memory_space<vmem>>[vector<16xi32>, vector<16xi32>], vector<16xi32>,
      %add3A_314 = arith.constant 5 : i32
      %add3A_315 = vector.broadcast %add3A_314 : i32 to vector<16xi32>
      %add3A_316 = arith.addi %shift_left3A_220, %add3A_315 : vector<16xi32>
      %gather3A_317 = tpu.vector_load_idx %arg13[%add3A_202, %add3A_316] : memref<256x128xi32, #tpu.memory_space<vmem>>[vector<16xi32>, vector<16xi32>], vector<16xi32>,
      %bitcast3A_318 = vector.bitcast %gather3A_313 : vector<16xi32> to vector<32xbf16>
      %bitcast3A_319 = vector.bitcast %gather3A_317 : vector<16xi32> to vector<32xbf16>
      %unpack3A_320 = tpu.unpack_subelements %bitcast3A_318, 0 {pack_format = #tpu.pack_format<interleaved>} : vector<32xbf16> -> vector<16xf32>
      %unpack3A_321 = tpu.unpack_subelements %bitcast3A_318, 1 {pack_format = #tpu.pack_format<interleaved>} : vector<32xbf16> -> vector<16xf32>
      %unpack3A_322 = tpu.unpack_subelements %bitcast3A_319, 0 {pack_format = #tpu.pack_format<interleaved>} : vector<32xbf16> -> vector<16xf32>
      %unpack3A_323 = tpu.unpack_subelements %bitcast3A_319, 1 {pack_format = #tpu.pack_format<interleaved>} : vector<32xbf16> -> vector<16xf32>
      %mul3A_324 = arith.mulf %unpack3A_320, %unpack3A_322 : vector<16xf32>
      %add3A_325 = arith.addf %add3A_309, %mul3A_324 : vector<16xf32>
      %mul3A_326 = arith.mulf %unpack3A_321, %unpack3A_323 : vector<16xf32>
      %add3A_327 = arith.addf %add3A_325, %mul3A_326 : vector<16xf32>
      %add3A_328 = arith.constant 6 : i32
      %add3A_329 = vector.broadcast %add3A_328 : i32 to vector<16xi32>
      %add3A_330 = arith.addi %shift_left3A_209, %add3A_329 : vector<16xi32>
      %gather3A_331 = tpu.vector_load_idx %arg12[%add3A_202, %add3A_330] : memref<256x128xi32, #tpu.memory_space<vmem>>[vector<16xi32>, vector<16xi32>], vector<16xi32>,
      %add3A_332 = arith.constant 6 : i32
      %add3A_333 = vector.broadcast %add3A_332 : i32 to vector<16xi32>
      %add3A_334 = arith.addi %shift_left3A_220, %add3A_333 : vector<16xi32>
      %gather3A_335 = tpu.vector_load_idx %arg13[%add3A_202, %add3A_334] : memref<256x128xi32, #tpu.memory_space<vmem>>[vector<16xi32>, vector<16xi32>], vector<16xi32>,
      %bitcast3A_336 = vector.bitcast %gather3A_331 : vector<16xi32> to vector<32xbf16>
      %bitcast3A_337 = vector.bitcast %gather3A_335 : vector<16xi32> to vector<32xbf16>
      %unpack3A_338 = tpu.unpack_subelements %bitcast3A_336, 0 {pack_format = #tpu.pack_format<interleaved>} : vector<32xbf16> -> vector<16xf32>
      %unpack3A_339 = tpu.unpack_subelements %bitcast3A_336, 1 {pack_format = #tpu.pack_format<interleaved>} : vector<32xbf16> -> vector<16xf32>
      %unpack3A_340 = tpu.unpack_subelements %bitcast3A_337, 0 {pack_format = #tpu.pack_format<interleaved>} : vector<32xbf16> -> vector<16xf32>
      %unpack3A_341 = tpu.unpack_subelements %bitcast3A_337, 1 {pack_format = #tpu.pack_format<interleaved>} : vector<32xbf16> -> vector<16xf32>
      %mul3A_342 = arith.mulf %unpack3A_338, %unpack3A_340 : vector<16xf32>
      %add3A_343 = arith.addf %add3A_327, %mul3A_342 : vector<16xf32>
      %mul3A_344 = arith.mulf %unpack3A_339, %unpack3A_341 : vector<16xf32>
      %add3A_345 = arith.addf %add3A_343, %mul3A_344 : vector<16xf32>
      %add3A_346 = arith.constant 7 : i32
      %add3A_347 = vector.broadcast %add3A_346 : i32 to vector<16xi32>
      %add3A_348 = arith.addi %shift_left3A_209, %add3A_347 : vector<16xi32>
      %gather3A_349 = tpu.vector_load_idx %arg12[%add3A_202, %add3A_348] : memref<256x128xi32, #tpu.memory_space<vmem>>[vector<16xi32>, vector<16xi32>], vector<16xi32>,
      %add3A_350 = arith.constant 7 : i32
      %add3A_351 = vector.broadcast %add3A_350 : i32 to vector<16xi32>
      %add3A_352 = arith.addi %shift_left3A_220, %add3A_351 : vector<16xi32>
      %gather3A_353 = tpu.vector_load_idx %arg13[%add3A_202, %add3A_352] : memref<256x128xi32, #tpu.memory_space<vmem>>[vector<16xi32>, vector<16xi32>], vector<16xi32>,
      %bitcast3A_354 = vector.bitcast %gather3A_349 : vector<16xi32> to vector<32xbf16>
      %bitcast3A_355 = vector.bitcast %gather3A_353 : vector<16xi32> to vector<32xbf16>
      %unpack3A_356 = tpu.unpack_subelements %bitcast3A_354, 0 {pack_format = #tpu.pack_format<interleaved>} : vector<32xbf16> -> vector<16xf32>
      %unpack3A_357 = tpu.unpack_subelements %bitcast3A_354, 1 {pack_format = #tpu.pack_format<interleaved>} : vector<32xbf16> -> vector<16xf32>
      %unpack3A_358 = tpu.unpack_subelements %bitcast3A_355, 0 {pack_format = #tpu.pack_format<interleaved>} : vector<32xbf16> -> vector<16xf32>
      %unpack3A_359 = tpu.unpack_subelements %bitcast3A_355, 1 {pack_format = #tpu.pack_format<interleaved>} : vector<32xbf16> -> vector<16xf32>
      %mul3A_360 = arith.mulf %unpack3A_356, %unpack3A_358 : vector<16xf32>
      %add3A_361 = arith.addf %add3A_345, %mul3A_360 : vector<16xf32>
      %mul3A_362 = arith.mulf %unpack3A_357, %unpack3A_359 : vector<16xf32>
      %add3A_363 = arith.addf %add3A_361, %mul3A_362 : vector<16xf32>
      %add3A_364 = arith.constant 8 : i32
      %add3A_365 = vector.broadcast %add3A_364 : i32 to vector<16xi32>
      %add3A_366 = arith.addi %shift_left3A_209, %add3A_365 : vector<16xi32>
      %gather3A_367 = tpu.vector_load_idx %arg12[%add3A_202, %add3A_366] : memref<256x128xi32, #tpu.memory_space<vmem>>[vector<16xi32>, vector<16xi32>], vector<16xi32>,
      %add3A_368 = arith.constant 8 : i32
      %add3A_369 = vector.broadcast %add3A_368 : i32 to vector<16xi32>
      %add3A_370 = arith.addi %shift_left3A_220, %add3A_369 : vector<16xi32>
      %gather3A_371 = tpu.vector_load_idx %arg13[%add3A_202, %add3A_370] : memref<256x128xi32, #tpu.memory_space<vmem>>[vector<16xi32>, vector<16xi32>], vector<16xi32>,
      %bitcast3A_372 = vector.bitcast %gather3A_367 : vector<16xi32> to vector<32xbf16>
      %bitcast3A_373 = vector.bitcast %gather3A_371 : vector<16xi32> to vector<32xbf16>
      %unpack3A_374 = tpu.unpack_subelements %bitcast3A_372, 0 {pack_format = #tpu.pack_format<interleaved>} : vector<32xbf16> -> vector<16xf32>
      %unpack3A_375 = tpu.unpack_subelements %bitcast3A_372, 1 {pack_format = #tpu.pack_format<interleaved>} : vector<32xbf16> -> vector<16xf32>
      %unpack3A_376 = tpu.unpack_subelements %bitcast3A_373, 0 {pack_format = #tpu.pack_format<interleaved>} : vector<32xbf16> -> vector<16xf32>
      %unpack3A_377 = tpu.unpack_subelements %bitcast3A_373, 1 {pack_format = #tpu.pack_format<interleaved>} : vector<32xbf16> -> vector<16xf32>
      %mul3A_378 = arith.mulf %unpack3A_374, %unpack3A_376 : vector<16xf32>
      %add3A_379 = arith.addf %add3A_363, %mul3A_378 : vector<16xf32>
      %mul3A_380 = arith.mulf %unpack3A_375, %unpack3A_377 : vector<16xf32>
      %add3A_381 = arith.addf %add3A_379, %mul3A_380 : vector<16xf32>
      %add3A_382 = arith.constant 9 : i32
      %add3A_383 = vector.broadcast %add3A_382 : i32 to vector<16xi32>
      %add3A_384 = arith.addi %shift_left3A_209, %add3A_383 : vector<16xi32>
      %gather3A_385 = tpu.vector_load_idx %arg12[%add3A_202, %add3A_384] : memref<256x128xi32, #tpu.memory_space<vmem>>[vector<16xi32>, vector<16xi32>], vector<16xi32>,
      %add3A_386 = arith.constant 9 : i32
      %add3A_387 = vector.broadcast %add3A_386 : i32 to vector<16xi32>
      %add3A_388 = arith.addi %shift_left3A_220, %add3A_387 : vector<16xi32>
      %gather3A_389 = tpu.vector_load_idx %arg13[%add3A_202, %add3A_388] : memref<256x128xi32, #tpu.memory_space<vmem>>[vector<16xi32>, vector<16xi32>], vector<16xi32>,
      %bitcast3A_390 = vector.bitcast %gather3A_385 : vector<16xi32> to vector<32xbf16>
      %bitcast3A_391 = vector.bitcast %gather3A_389 : vector<16xi32> to vector<32xbf16>
      %unpack3A_392 = tpu.unpack_subelements %bitcast3A_390, 0 {pack_format = #tpu.pack_format<interleaved>} : vector<32xbf16> -> vector<16xf32>
      %unpack3A_393 = tpu.unpack_subelements %bitcast3A_390, 1 {pack_format = #tpu.pack_format<interleaved>} : vector<32xbf16> -> vector<16xf32>
      %unpack3A_394 = tpu.unpack_subelements %bitcast3A_391, 0 {pack_format = #tpu.pack_format<interleaved>} : vector<32xbf16> -> vector<16xf32>
      %unpack3A_395 = tpu.unpack_subelements %bitcast3A_391, 1 {pack_format = #tpu.pack_format<interleaved>} : vector<32xbf16> -> vector<16xf32>
      %mul3A_396 = arith.mulf %unpack3A_392, %unpack3A_394 : vector<16xf32>
      %add3A_397 = arith.addf %add3A_381, %mul3A_396 : vector<16xf32>
      %mul3A_398 = arith.mulf %unpack3A_393, %unpack3A_395 : vector<16xf32>
      %add3A_399 = arith.addf %add3A_397, %mul3A_398 : vector<16xf32>
      %add3A_400 = arith.constant 10 : i32
      %add3A_401 = vector.broadcast %add3A_400 : i32 to vector<16xi32>
      %add3A_402 = arith.addi %shift_left3A_209, %add3A_401 : vector<16xi32>
      %gather3A_403 = tpu.vector_load_idx %arg12[%add3A_202, %add3A_402] : memref<256x128xi32, #tpu.memory_space<vmem>>[vector<16xi32>, vector<16xi32>], vector<16xi32>,
      %add3A_404 = arith.constant 10 : i32
      %add3A_405 = vector.broadcast %add3A_404 : i32 to vector<16xi32>
      %add3A_406 = arith.addi %shift_left3A_220, %add3A_405 : vector<16xi32>
      %gather3A_407 = tpu.vector_load_idx %arg13[%add3A_202, %add3A_406] : memref<256x128xi32, #tpu.memory_space<vmem>>[vector<16xi32>, vector<16xi32>], vector<16xi32>,
      %bitcast3A_408 = vector.bitcast %gather3A_403 : vector<16xi32> to vector<32xbf16>
      %bitcast3A_409 = vector.bitcast %gather3A_407 : vector<16xi32> to vector<32xbf16>
      %unpack3A_410 = tpu.unpack_subelements %bitcast3A_408, 0 {pack_format = #tpu.pack_format<interleaved>} : vector<32xbf16> -> vector<16xf32>
      %unpack3A_411 = tpu.unpack_subelements %bitcast3A_408, 1 {pack_format = #tpu.pack_format<interleaved>} : vector<32xbf16> -> vector<16xf32>
      %unpack3A_412 = tpu.unpack_subelements %bitcast3A_409, 0 {pack_format = #tpu.pack_format<interleaved>} : vector<32xbf16> -> vector<16xf32>
      %unpack3A_413 = tpu.unpack_subelements %bitcast3A_409, 1 {pack_format = #tpu.pack_format<interleaved>} : vector<32xbf16> -> vector<16xf32>
      %mul3A_414 = arith.mulf %unpack3A_410, %unpack3A_412 : vector<16xf32>
      %add3A_415 = arith.addf %add3A_399, %mul3A_414 : vector<16xf32>
      %mul3A_416 = arith.mulf %unpack3A_411, %unpack3A_413 : vector<16xf32>
      %add3A_417 = arith.addf %add3A_415, %mul3A_416 : vector<16xf32>
      %add3A_418 = arith.constant 11 : i32
      %add3A_419 = vector.broadcast %add3A_418 : i32 to vector<16xi32>
      %add3A_420 = arith.addi %shift_left3A_209, %add3A_419 : vector<16xi32>
      %gather3A_421 = tpu.vector_load_idx %arg12[%add3A_202, %add3A_420] : memref<256x128xi32, #tpu.memory_space<vmem>>[vector<16xi32>, vector<16xi32>], vector<16xi32>,
      %add3A_422 = arith.constant 11 : i32
      %add3A_423 = vector.broadcast %add3A_422 : i32 to vector<16xi32>
      %add3A_424 = arith.addi %shift_left3A_220, %add3A_423 : vector<16xi32>
      %gather3A_425 = tpu.vector_load_idx %arg13[%add3A_202, %add3A_424] : memref<256x128xi32, #tpu.memory_space<vmem>>[vector<16xi32>, vector<16xi32>], vector<16xi32>,
      %bitcast3A_426 = vector.bitcast %gather3A_421 : vector<16xi32> to vector<32xbf16>
      %bitcast3A_427 = vector.bitcast %gather3A_425 : vector<16xi32> to vector<32xbf16>
      %unpack3A_428 = tpu.unpack_subelements %bitcast3A_426, 0 {pack_format = #tpu.pack_format<interleaved>} : vector<32xbf16> -> vector<16xf32>
      %unpack3A_429 = tpu.unpack_subelements %bitcast3A_426, 1 {pack_format = #tpu.pack_format<interleaved>} : vector<32xbf16> -> vector<16xf32>
      %unpack3A_430 = tpu.unpack_subelements %bitcast3A_427, 0 {pack_format = #tpu.pack_format<interleaved>} : vector<32xbf16> -> vector<16xf32>
      %unpack3A_431 = tpu.unpack_subelements %bitcast3A_427, 1 {pack_format = #tpu.pack_format<interleaved>} : vector<32xbf16> -> vector<16xf32>
      %mul3A_432 = arith.mulf %unpack3A_428, %unpack3A_430 : vector<16xf32>
      %add3A_433 = arith.addf %add3A_417, %mul3A_432 : vector<16xf32>
      %mul3A_434 = arith.mulf %unpack3A_429, %unpack3A_431 : vector<16xf32>
      %add3A_435 = arith.addf %add3A_433, %mul3A_434 : vector<16xf32>
      %add3A_436 = arith.constant 12 : i32
      %add3A_437 = vector.broadcast %add3A_436 : i32 to vector<16xi32>
      %add3A_438 = arith.addi %shift_left3A_209, %add3A_437 : vector<16xi32>
      %gather3A_439 = tpu.vector_load_idx %arg12[%add3A_202, %add3A_438] : memref<256x128xi32, #tpu.memory_space<vmem>>[vector<16xi32>, vector<16xi32>], vector<16xi32>,
      %add3A_440 = arith.constant 12 : i32
      %add3A_441 = vector.broadcast %add3A_440 : i32 to vector<16xi32>
      %add3A_442 = arith.addi %shift_left3A_220, %add3A_441 : vector<16xi32>
      %gather3A_443 = tpu.vector_load_idx %arg13[%add3A_202, %add3A_442] : memref<256x128xi32, #tpu.memory_space<vmem>>[vector<16xi32>, vector<16xi32>], vector<16xi32>,
      %bitcast3A_444 = vector.bitcast %gather3A_439 : vector<16xi32> to vector<32xbf16>
      %bitcast3A_445 = vector.bitcast %gather3A_443 : vector<16xi32> to vector<32xbf16>
      %unpack3A_446 = tpu.unpack_subelements %bitcast3A_444, 0 {pack_format = #tpu.pack_format<interleaved>} : vector<32xbf16> -> vector<16xf32>
      %unpack3A_447 = tpu.unpack_subelements %bitcast3A_444, 1 {pack_format = #tpu.pack_format<interleaved>} : vector<32xbf16> -> vector<16xf32>
      %unpack3A_448 = tpu.unpack_subelements %bitcast3A_445, 0 {pack_format = #tpu.pack_format<interleaved>} : vector<32xbf16> -> vector<16xf32>
      %unpack3A_449 = tpu.unpack_subelements %bitcast3A_445, 1 {pack_format = #tpu.pack_format<interleaved>} : vector<32xbf16> -> vector<16xf32>
      %mul3A_450 = arith.mulf %unpack3A_446, %unpack3A_448 : vector<16xf32>
      %add3A_451 = arith.addf %add3A_435, %mul3A_450 : vector<16xf32>
      %mul3A_452 = arith.mulf %unpack3A_447, %unpack3A_449 : vector<16xf32>
      %add3A_453 = arith.addf %add3A_451, %mul3A_452 : vector<16xf32>
      %add3A_454 = arith.constant 13 : i32
      %add3A_455 = vector.broadcast %add3A_454 : i32 to vector<16xi32>
      %add3A_456 = arith.addi %shift_left3A_209, %add3A_455 : vector<16xi32>
      %gather3A_457 = tpu.vector_load_idx %arg12[%add3A_202, %add3A_456] : memref<256x128xi32, #tpu.memory_space<vmem>>[vector<16xi32>, vector<16xi32>], vector<16xi32>,
      %add3A_458 = arith.constant 13 : i32
      %add3A_459 = vector.broadcast %add3A_458 : i32 to vector<16xi32>
      %add3A_460 = arith.addi %shift_left3A_220, %add3A_459 : vector<16xi32>
      %gather3A_461 = tpu.vector_load_idx %arg13[%add3A_202, %add3A_460] : memref<256x128xi32, #tpu.memory_space<vmem>>[vector<16xi32>, vector<16xi32>], vector<16xi32>,
      %bitcast3A_462 = vector.bitcast %gather3A_457 : vector<16xi32> to vector<32xbf16>
      %bitcast3A_463 = vector.bitcast %gather3A_461 : vector<16xi32> to vector<32xbf16>
      %unpack3A_464 = tpu.unpack_subelements %bitcast3A_462, 0 {pack_format = #tpu.pack_format<interleaved>} : vector<32xbf16> -> vector<16xf32>
      %unpack3A_465 = tpu.unpack_subelements %bitcast3A_462, 1 {pack_format = #tpu.pack_format<interleaved>} : vector<32xbf16> -> vector<16xf32>
      %unpack3A_466 = tpu.unpack_subelements %bitcast3A_463, 0 {pack_format = #tpu.pack_format<interleaved>} : vector<32xbf16> -> vector<16xf32>
      %unpack3A_467 = tpu.unpack_subelements %bitcast3A_463, 1 {pack_format = #tpu.pack_format<interleaved>} : vector<32xbf16> -> vector<16xf32>
      %mul3A_468 = arith.mulf %unpack3A_464, %unpack3A_466 : vector<16xf32>
      %add3A_469 = arith.addf %add3A_453, %mul3A_468 : vector<16xf32>
      %mul3A_470 = arith.mulf %unpack3A_465, %unpack3A_467 : vector<16xf32>
      %add3A_471 = arith.addf %add3A_469, %mul3A_470 : vector<16xf32>
      %add3A_472 = arith.constant 14 : i32
      %add3A_473 = vector.broadcast %add3A_472 : i32 to vector<16xi32>
      %add3A_474 = arith.addi %shift_left3A_209, %add3A_473 : vector<16xi32>
      %gather3A_475 = tpu.vector_load_idx %arg12[%add3A_202, %add3A_474] : memref<256x128xi32, #tpu.memory_space<vmem>>[vector<16xi32>, vector<16xi32>], vector<16xi32>,
      %add3A_476 = arith.constant 14 : i32
      %add3A_477 = vector.broadcast %add3A_476 : i32 to vector<16xi32>
      %add3A_478 = arith.addi %shift_left3A_220, %add3A_477 : vector<16xi32>
      %gather3A_479 = tpu.vector_load_idx %arg13[%add3A_202, %add3A_478] : memref<256x128xi32, #tpu.memory_space<vmem>>[vector<16xi32>, vector<16xi32>], vector<16xi32>,
      %bitcast3A_480 = vector.bitcast %gather3A_475 : vector<16xi32> to vector<32xbf16>
      %bitcast3A_481 = vector.bitcast %gather3A_479 : vector<16xi32> to vector<32xbf16>
      %unpack3A_482 = tpu.unpack_subelements %bitcast3A_480, 0 {pack_format = #tpu.pack_format<interleaved>} : vector<32xbf16> -> vector<16xf32>
      %unpack3A_483 = tpu.unpack_subelements %bitcast3A_480, 1 {pack_format = #tpu.pack_format<interleaved>} : vector<32xbf16> -> vector<16xf32>
      %unpack3A_484 = tpu.unpack_subelements %bitcast3A_481, 0 {pack_format = #tpu.pack_format<interleaved>} : vector<32xbf16> -> vector<16xf32>
      %unpack3A_485 = tpu.unpack_subelements %bitcast3A_481, 1 {pack_format = #tpu.pack_format<interleaved>} : vector<32xbf16> -> vector<16xf32>
      %mul3A_486 = arith.mulf %unpack3A_482, %unpack3A_484 : vector<16xf32>
      %add3A_487 = arith.addf %add3A_471, %mul3A_486 : vector<16xf32>
      %mul3A_488 = arith.mulf %unpack3A_483, %unpack3A_485 : vector<16xf32>
      %add3A_489 = arith.addf %add3A_487, %mul3A_488 : vector<16xf32>
      %add3A_490 = arith.constant 15 : i32
      %add3A_491 = vector.broadcast %add3A_490 : i32 to vector<16xi32>
      %add3A_492 = arith.addi %shift_left3A_209, %add3A_491 : vector<16xi32>
      %gather3A_493 = tpu.vector_load_idx %arg12[%add3A_202, %add3A_492] : memref<256x128xi32, #tpu.memory_space<vmem>>[vector<16xi32>, vector<16xi32>], vector<16xi32>,
      %add3A_494 = arith.constant 15 : i32
      %add3A_495 = vector.broadcast %add3A_494 : i32 to vector<16xi32>
      %add3A_496 = arith.addi %shift_left3A_220, %add3A_495 : vector<16xi32>
      %gather3A_497 = tpu.vector_load_idx %arg13[%add3A_202, %add3A_496] : memref<256x128xi32, #tpu.memory_space<vmem>>[vector<16xi32>, vector<16xi32>], vector<16xi32>,
      %bitcast3A_498 = vector.bitcast %gather3A_493 : vector<16xi32> to vector<32xbf16>
      %bitcast3A_499 = vector.bitcast %gather3A_497 : vector<16xi32> to vector<32xbf16>
      %unpack3A_500 = tpu.unpack_subelements %bitcast3A_498, 0 {pack_format = #tpu.pack_format<interleaved>} : vector<32xbf16> -> vector<16xf32>
      %unpack3A_501 = tpu.unpack_subelements %bitcast3A_498, 1 {pack_format = #tpu.pack_format<interleaved>} : vector<32xbf16> -> vector<16xf32>
      %unpack3A_502 = tpu.unpack_subelements %bitcast3A_499, 0 {pack_format = #tpu.pack_format<interleaved>} : vector<32xbf16> -> vector<16xf32>
      %unpack3A_503 = tpu.unpack_subelements %bitcast3A_499, 1 {pack_format = #tpu.pack_format<interleaved>} : vector<32xbf16> -> vector<16xf32>
      %mul3A_504 = arith.mulf %unpack3A_500, %unpack3A_502 : vector<16xf32>
      %add3A_505 = arith.addf %add3A_489, %mul3A_504 : vector<16xf32>
      %mul3A_506 = arith.mulf %unpack3A_501, %unpack3A_503 : vector<16xf32>
      %add3A_507 = arith.addf %add3A_505, %mul3A_506 : vector<16xf32>
      %add3A_508 = arith.constant 16 : i32
      %add3A_509 = vector.broadcast %add3A_508 : i32 to vector<16xi32>
      %add3A_510 = arith.addi %shift_left3A_209, %add3A_509 : vector<16xi32>
      %gather3A_511 = tpu.vector_load_idx %arg12[%add3A_202, %add3A_510] : memref<256x128xi32, #tpu.memory_space<vmem>>[vector<16xi32>, vector<16xi32>], vector<16xi32>,
      %add3A_512 = arith.constant 16 : i32
      %add3A_513 = vector.broadcast %add3A_512 : i32 to vector<16xi32>
      %add3A_514 = arith.addi %shift_left3A_220, %add3A_513 : vector<16xi32>
      %gather3A_515 = tpu.vector_load_idx %arg13[%add3A_202, %add3A_514] : memref<256x128xi32, #tpu.memory_space<vmem>>[vector<16xi32>, vector<16xi32>], vector<16xi32>,
      %bitcast3A_516 = vector.bitcast %gather3A_511 : vector<16xi32> to vector<32xbf16>
      %bitcast3A_517 = vector.bitcast %gather3A_515 : vector<16xi32> to vector<32xbf16>
      %unpack3A_518 = tpu.unpack_subelements %bitcast3A_516, 0 {pack_format = #tpu.pack_format<interleaved>} : vector<32xbf16> -> vector<16xf32>
      %unpack3A_519 = tpu.unpack_subelements %bitcast3A_516, 1 {pack_format = #tpu.pack_format<interleaved>} : vector<32xbf16> -> vector<16xf32>
      %unpack3A_520 = tpu.unpack_subelements %bitcast3A_517, 0 {pack_format = #tpu.pack_format<interleaved>} : vector<32xbf16> -> vector<16xf32>
      %unpack3A_521 = tpu.unpack_subelements %bitcast3A_517, 1 {pack_format = #tpu.pack_format<interleaved>} : vector<32xbf16> -> vector<16xf32>
      %mul3A_522 = arith.mulf %unpack3A_518, %unpack3A_520 : vector<16xf32>
      %add3A_523 = arith.addf %add3A_507, %mul3A_522 : vector<16xf32>
      %mul3A_524 = arith.mulf %unpack3A_519, %unpack3A_521 : vector<16xf32>
      %add3A_525 = arith.addf %add3A_523, %mul3A_524 : vector<16xf32>
      %add3A_526 = arith.constant 17 : i32
      %add3A_527 = vector.broadcast %add3A_526 : i32 to vector<16xi32>
      %add3A_528 = arith.addi %shift_left3A_209, %add3A_527 : vector<16xi32>
      %gather3A_529 = tpu.vector_load_idx %arg12[%add3A_202, %add3A_528] : memref<256x128xi32, #tpu.memory_space<vmem>>[vector<16xi32>, vector<16xi32>], vector<16xi32>,
      %add3A_530 = arith.constant 17 : i32
      %add3A_531 = vector.broadcast %add3A_530 : i32 to vector<16xi32>
      %add3A_532 = arith.addi %shift_left3A_220, %add3A_531 : vector<16xi32>
      %gather3A_533 = tpu.vector_load_idx %arg13[%add3A_202, %add3A_532] : memref<256x128xi32, #tpu.memory_space<vmem>>[vector<16xi32>, vector<16xi32>], vector<16xi32>,
      %bitcast3A_534 = vector.bitcast %gather3A_529 : vector<16xi32> to vector<32xbf16>
      %bitcast3A_535 = vector.bitcast %gather3A_533 : vector<16xi32> to vector<32xbf16>
      %unpack3A_536 = tpu.unpack_subelements %bitcast3A_534, 0 {pack_format = #tpu.pack_format<interleaved>} : vector<32xbf16> -> vector<16xf32>
      %unpack3A_537 = tpu.unpack_subelements %bitcast3A_534, 1 {pack_format = #tpu.pack_format<interleaved>} : vector<32xbf16> -> vector<16xf32>
      %unpack3A_538 = tpu.unpack_subelements %bitcast3A_535, 0 {pack_format = #tpu.pack_format<interleaved>} : vector<32xbf16> -> vector<16xf32>
      %unpack3A_539 = tpu.unpack_subelements %bitcast3A_535, 1 {pack_format = #tpu.pack_format<interleaved>} : vector<32xbf16> -> vector<16xf32>
      %mul3A_540 = arith.mulf %unpack3A_536, %unpack3A_538 : vector<16xf32>
      %add3A_541 = arith.addf %add3A_525, %mul3A_540 : vector<16xf32>
      %mul3A_542 = arith.mulf %unpack3A_537, %unpack3A_539 : vector<16xf32>
      %add3A_543 = arith.addf %add3A_541, %mul3A_542 : vector<16xf32>
      %add3A_544 = arith.constant 18 : i32
      %add3A_545 = vector.broadcast %add3A_544 : i32 to vector<16xi32>
      %add3A_546 = arith.addi %shift_left3A_209, %add3A_545 : vector<16xi32>
      %gather3A_547 = tpu.vector_load_idx %arg12[%add3A_202, %add3A_546] : memref<256x128xi32, #tpu.memory_space<vmem>>[vector<16xi32>, vector<16xi32>], vector<16xi32>,
      %add3A_548 = arith.constant 18 : i32
      %add3A_549 = vector.broadcast %add3A_548 : i32 to vector<16xi32>
      %add3A_550 = arith.addi %shift_left3A_220, %add3A_549 : vector<16xi32>
      %gather3A_551 = tpu.vector_load_idx %arg13[%add3A_202, %add3A_550] : memref<256x128xi32, #tpu.memory_space<vmem>>[vector<16xi32>, vector<16xi32>], vector<16xi32>,
      %bitcast3A_552 = vector.bitcast %gather3A_547 : vector<16xi32> to vector<32xbf16>
      %bitcast3A_553 = vector.bitcast %gather3A_551 : vector<16xi32> to vector<32xbf16>
      %unpack3A_554 = tpu.unpack_subelements %bitcast3A_552, 0 {pack_format = #tpu.pack_format<interleaved>} : vector<32xbf16> -> vector<16xf32>
      %unpack3A_555 = tpu.unpack_subelements %bitcast3A_552, 1 {pack_format = #tpu.pack_format<interleaved>} : vector<32xbf16> -> vector<16xf32>
      %unpack3A_556 = tpu.unpack_subelements %bitcast3A_553, 0 {pack_format = #tpu.pack_format<interleaved>} : vector<32xbf16> -> vector<16xf32>
      %unpack3A_557 = tpu.unpack_subelements %bitcast3A_553, 1 {pack_format = #tpu.pack_format<interleaved>} : vector<32xbf16> -> vector<16xf32>
      %mul3A_558 = arith.mulf %unpack3A_554, %unpack3A_556 : vector<16xf32>
      %add3A_559 = arith.addf %add3A_543, %mul3A_558 : vector<16xf32>
      %mul3A_560 = arith.mulf %unpack3A_555, %unpack3A_557 : vector<16xf32>
      %add3A_561 = arith.addf %add3A_559, %mul3A_560 : vector<16xf32>
      %add3A_562 = arith.constant 19 : i32
      %add3A_563 = vector.broadcast %add3A_562 : i32 to vector<16xi32>
      %add3A_564 = arith.addi %shift_left3A_209, %add3A_563 : vector<16xi32>
      %gather3A_565 = tpu.vector_load_idx %arg12[%add3A_202, %add3A_564] : memref<256x128xi32, #tpu.memory_space<vmem>>[vector<16xi32>, vector<16xi32>], vector<16xi32>,
      %add3A_566 = arith.constant 19 : i32
      %add3A_567 = vector.broadcast %add3A_566 : i32 to vector<16xi32>
      %add3A_568 = arith.addi %shift_left3A_220, %add3A_567 : vector<16xi32>
      %gather3A_569 = tpu.vector_load_idx %arg13[%add3A_202, %add3A_568] : memref<256x128xi32, #tpu.memory_space<vmem>>[vector<16xi32>, vector<16xi32>], vector<16xi32>,
      %bitcast3A_570 = vector.bitcast %gather3A_565 : vector<16xi32> to vector<32xbf16>
      %bitcast3A_571 = vector.bitcast %gather3A_569 : vector<16xi32> to vector<32xbf16>
      %unpack3A_572 = tpu.unpack_subelements %bitcast3A_570, 0 {pack_format = #tpu.pack_format<interleaved>} : vector<32xbf16> -> vector<16xf32>
      %unpack3A_573 = tpu.unpack_subelements %bitcast3A_570, 1 {pack_format = #tpu.pack_format<interleaved>} : vector<32xbf16> -> vector<16xf32>
      %unpack3A_574 = tpu.unpack_subelements %bitcast3A_571, 0 {pack_format = #tpu.pack_format<interleaved>} : vector<32xbf16> -> vector<16xf32>
      %unpack3A_575 = tpu.unpack_subelements %bitcast3A_571, 1 {pack_format = #tpu.pack_format<interleaved>} : vector<32xbf16> -> vector<16xf32>
      %mul3A_576 = arith.mulf %unpack3A_572, %unpack3A_574 : vector<16xf32>
      %add3A_577 = arith.addf %add3A_561, %mul3A_576 : vector<16xf32>
      %mul3A_578 = arith.mulf %unpack3A_573, %unpack3A_575 : vector<16xf32>
      %add3A_579 = arith.addf %add3A_577, %mul3A_578 : vector<16xf32>
      %add3A_580 = arith.constant 20 : i32
      %add3A_581 = vector.broadcast %add3A_580 : i32 to vector<16xi32>
      %add3A_582 = arith.addi %shift_left3A_209, %add3A_581 : vector<16xi32>
      %gather3A_583 = tpu.vector_load_idx %arg12[%add3A_202, %add3A_582] : memref<256x128xi32, #tpu.memory_space<vmem>>[vector<16xi32>, vector<16xi32>], vector<16xi32>,
      %add3A_584 = arith.constant 20 : i32
      %add3A_585 = vector.broadcast %add3A_584 : i32 to vector<16xi32>
      %add3A_586 = arith.addi %shift_left3A_220, %add3A_585 : vector<16xi32>
      %gather3A_587 = tpu.vector_load_idx %arg13[%add3A_202, %add3A_586] : memref<256x128xi32, #tpu.memory_space<vmem>>[vector<16xi32>, vector<16xi32>], vector<16xi32>,
      %bitcast3A_588 = vector.bitcast %gather3A_583 : vector<16xi32> to vector<32xbf16>
      %bitcast3A_589 = vector.bitcast %gather3A_587 : vector<16xi32> to vector<32xbf16>
      %unpack3A_590 = tpu.unpack_subelements %bitcast3A_588, 0 {pack_format = #tpu.pack_format<interleaved>} : vector<32xbf16> -> vector<16xf32>
      %unpack3A_591 = tpu.unpack_subelements %bitcast3A_588, 1 {pack_format = #tpu.pack_format<interleaved>} : vector<32xbf16> -> vector<16xf32>
      %unpack3A_592 = tpu.unpack_subelements %bitcast3A_589, 0 {pack_format = #tpu.pack_format<interleaved>} : vector<32xbf16> -> vector<16xf32>
      %unpack3A_593 = tpu.unpack_subelements %bitcast3A_589, 1 {pack_format = #tpu.pack_format<interleaved>} : vector<32xbf16> -> vector<16xf32>
      %mul3A_594 = arith.mulf %unpack3A_590, %unpack3A_592 : vector<16xf32>
      %add3A_595 = arith.addf %add3A_579, %mul3A_594 : vector<16xf32>
      %mul3A_596 = arith.mulf %unpack3A_591, %unpack3A_593 : vector<16xf32>
      %add3A_597 = arith.addf %add3A_595, %mul3A_596 : vector<16xf32>
      %add3A_598 = arith.constant 21 : i32
      %add3A_599 = vector.broadcast %add3A_598 : i32 to vector<16xi32>
      %add3A_600 = arith.addi %shift_left3A_209, %add3A_599 : vector<16xi32>
      %gather3A_601 = tpu.vector_load_idx %arg12[%add3A_202, %add3A_600] : memref<256x128xi32, #tpu.memory_space<vmem>>[vector<16xi32>, vector<16xi32>], vector<16xi32>,
      %add3A_602 = arith.constant 21 : i32
      %add3A_603 = vector.broadcast %add3A_602 : i32 to vector<16xi32>
      %add3A_604 = arith.addi %shift_left3A_220, %add3A_603 : vector<16xi32>
      %gather3A_605 = tpu.vector_load_idx %arg13[%add3A_202, %add3A_604] : memref<256x128xi32, #tpu.memory_space<vmem>>[vector<16xi32>, vector<16xi32>], vector<16xi32>,
      %bitcast3A_606 = vector.bitcast %gather3A_601 : vector<16xi32> to vector<32xbf16>
      %bitcast3A_607 = vector.bitcast %gather3A_605 : vector<16xi32> to vector<32xbf16>
      %unpack3A_608 = tpu.unpack_subelements %bitcast3A_606, 0 {pack_format = #tpu.pack_format<interleaved>} : vector<32xbf16> -> vector<16xf32>
      %unpack3A_609 = tpu.unpack_subelements %bitcast3A_606, 1 {pack_format = #tpu.pack_format<interleaved>} : vector<32xbf16> -> vector<16xf32>
      %unpack3A_610 = tpu.unpack_subelements %bitcast3A_607, 0 {pack_format = #tpu.pack_format<interleaved>} : vector<32xbf16> -> vector<16xf32>
      %unpack3A_611 = tpu.unpack_subelements %bitcast3A_607, 1 {pack_format = #tpu.pack_format<interleaved>} : vector<32xbf16> -> vector<16xf32>
      %mul3A_612 = arith.mulf %unpack3A_608, %unpack3A_610 : vector<16xf32>
      %add3A_613 = arith.addf %add3A_597, %mul3A_612 : vector<16xf32>
      %mul3A_614 = arith.mulf %unpack3A_609, %unpack3A_611 : vector<16xf32>
      %add3A_615 = arith.addf %add3A_613, %mul3A_614 : vector<16xf32>
      %add3A_616 = arith.constant 22 : i32
      %add3A_617 = vector.broadcast %add3A_616 : i32 to vector<16xi32>
      %add3A_618 = arith.addi %shift_left3A_209, %add3A_617 : vector<16xi32>
      %gather3A_619 = tpu.vector_load_idx %arg12[%add3A_202, %add3A_618] : memref<256x128xi32, #tpu.memory_space<vmem>>[vector<16xi32>, vector<16xi32>], vector<16xi32>,
      %add3A_620 = arith.constant 22 : i32
      %add3A_621 = vector.broadcast %add3A_620 : i32 to vector<16xi32>
      %add3A_622 = arith.addi %shift_left3A_220, %add3A_621 : vector<16xi32>
      %gather3A_623 = tpu.vector_load_idx %arg13[%add3A_202, %add3A_622] : memref<256x128xi32, #tpu.memory_space<vmem>>[vector<16xi32>, vector<16xi32>], vector<16xi32>,
      %bitcast3A_624 = vector.bitcast %gather3A_619 : vector<16xi32> to vector<32xbf16>
      %bitcast3A_625 = vector.bitcast %gather3A_623 : vector<16xi32> to vector<32xbf16>
      %unpack3A_626 = tpu.unpack_subelements %bitcast3A_624, 0 {pack_format = #tpu.pack_format<interleaved>} : vector<32xbf16> -> vector<16xf32>
      %unpack3A_627 = tpu.unpack_subelements %bitcast3A_624, 1 {pack_format = #tpu.pack_format<interleaved>} : vector<32xbf16> -> vector<16xf32>
      %unpack3A_628 = tpu.unpack_subelements %bitcast3A_625, 0 {pack_format = #tpu.pack_format<interleaved>} : vector<32xbf16> -> vector<16xf32>
      %unpack3A_629 = tpu.unpack_subelements %bitcast3A_625, 1 {pack_format = #tpu.pack_format<interleaved>} : vector<32xbf16> -> vector<16xf32>
      %mul3A_630 = arith.mulf %unpack3A_626, %unpack3A_628 : vector<16xf32>
      %add3A_631 = arith.addf %add3A_615, %mul3A_630 : vector<16xf32>
      %mul3A_632 = arith.mulf %unpack3A_627, %unpack3A_629 : vector<16xf32>
      %add3A_633 = arith.addf %add3A_631, %mul3A_632 : vector<16xf32>
      %add3A_634 = arith.constant 23 : i32
      %add3A_635 = vector.broadcast %add3A_634 : i32 to vector<16xi32>
      %add3A_636 = arith.addi %shift_left3A_209, %add3A_635 : vector<16xi32>
      %gather3A_637 = tpu.vector_load_idx %arg12[%add3A_202, %add3A_636] : memref<256x128xi32, #tpu.memory_space<vmem>>[vector<16xi32>, vector<16xi32>], vector<16xi32>,
      %add3A_638 = arith.constant 23 : i32
      %add3A_639 = vector.broadcast %add3A_638 : i32 to vector<16xi32>
      %add3A_640 = arith.addi %shift_left3A_220, %add3A_639 : vector<16xi32>
      %gather3A_641 = tpu.vector_load_idx %arg13[%add3A_202, %add3A_640] : memref<256x128xi32, #tpu.memory_space<vmem>>[vector<16xi32>, vector<16xi32>], vector<16xi32>,
      %bitcast3A_642 = vector.bitcast %gather3A_637 : vector<16xi32> to vector<32xbf16>
      %bitcast3A_643 = vector.bitcast %gather3A_641 : vector<16xi32> to vector<32xbf16>
      %unpack3A_644 = tpu.unpack_subelements %bitcast3A_642, 0 {pack_format = #tpu.pack_format<interleaved>} : vector<32xbf16> -> vector<16xf32>
      %unpack3A_645 = tpu.unpack_subelements %bitcast3A_642, 1 {pack_format = #tpu.pack_format<interleaved>} : vector<32xbf16> -> vector<16xf32>
      %unpack3A_646 = tpu.unpack_subelements %bitcast3A_643, 0 {pack_format = #tpu.pack_format<interleaved>} : vector<32xbf16> -> vector<16xf32>
      %unpack3A_647 = tpu.unpack_subelements %bitcast3A_643, 1 {pack_format = #tpu.pack_format<interleaved>} : vector<32xbf16> -> vector<16xf32>
      %mul3A_648 = arith.mulf %unpack3A_644, %unpack3A_646 : vector<16xf32>
      %add3A_649 = arith.addf %add3A_633, %mul3A_648 : vector<16xf32>
      %mul3A_650 = arith.mulf %unpack3A_645, %unpack3A_647 : vector<16xf32>
      %add3A_651 = arith.addf %add3A_649, %mul3A_650 : vector<16xf32>
      %add3A_652 = arith.constant 24 : i32
      %add3A_653 = vector.broadcast %add3A_652 : i32 to vector<16xi32>
      %add3A_654 = arith.addi %shift_left3A_209, %add3A_653 : vector<16xi32>
      %gather3A_655 = tpu.vector_load_idx %arg12[%add3A_202, %add3A_654] : memref<256x128xi32, #tpu.memory_space<vmem>>[vector<16xi32>, vector<16xi32>], vector<16xi32>,
      %add3A_656 = arith.constant 24 : i32
      %add3A_657 = vector.broadcast %add3A_656 : i32 to vector<16xi32>
      %add3A_658 = arith.addi %shift_left3A_220, %add3A_657 : vector<16xi32>
      %gather3A_659 = tpu.vector_load_idx %arg13[%add3A_202, %add3A_658] : memref<256x128xi32, #tpu.memory_space<vmem>>[vector<16xi32>, vector<16xi32>], vector<16xi32>,
      %bitcast3A_660 = vector.bitcast %gather3A_655 : vector<16xi32> to vector<32xbf16>
      %bitcast3A_661 = vector.bitcast %gather3A_659 : vector<16xi32> to vector<32xbf16>
      %unpack3A_662 = tpu.unpack_subelements %bitcast3A_660, 0 {pack_format = #tpu.pack_format<interleaved>} : vector<32xbf16> -> vector<16xf32>
      %unpack3A_663 = tpu.unpack_subelements %bitcast3A_660, 1 {pack_format = #tpu.pack_format<interleaved>} : vector<32xbf16> -> vector<16xf32>
      %unpack3A_664 = tpu.unpack_subelements %bitcast3A_661, 0 {pack_format = #tpu.pack_format<interleaved>} : vector<32xbf16> -> vector<16xf32>
      %unpack3A_665 = tpu.unpack_subelements %bitcast3A_661, 1 {pack_format = #tpu.pack_format<interleaved>} : vector<32xbf16> -> vector<16xf32>
      %mul3A_666 = arith.mulf %unpack3A_662, %unpack3A_664 : vector<16xf32>
      %add3A_667 = arith.addf %add3A_651, %mul3A_666 : vector<16xf32>
      %mul3A_668 = arith.mulf %unpack3A_663, %unpack3A_665 : vector<16xf32>
      %add3A_669 = arith.addf %add3A_667, %mul3A_668 : vector<16xf32>
      %add3A_670 = arith.constant 25 : i32
      %add3A_671 = vector.broadcast %add3A_670 : i32 to vector<16xi32>
      %add3A_672 = arith.addi %shift_left3A_209, %add3A_671 : vector<16xi32>
      %gather3A_673 = tpu.vector_load_idx %arg12[%add3A_202, %add3A_672] : memref<256x128xi32, #tpu.memory_space<vmem>>[vector<16xi32>, vector<16xi32>], vector<16xi32>,
      %add3A_674 = arith.constant 25 : i32
      %add3A_675 = vector.broadcast %add3A_674 : i32 to vector<16xi32>
      %add3A_676 = arith.addi %shift_left3A_220, %add3A_675 : vector<16xi32>
      %gather3A_677 = tpu.vector_load_idx %arg13[%add3A_202, %add3A_676] : memref<256x128xi32, #tpu.memory_space<vmem>>[vector<16xi32>, vector<16xi32>], vector<16xi32>,
      %bitcast3A_678 = vector.bitcast %gather3A_673 : vector<16xi32> to vector<32xbf16>
      %bitcast3A_679 = vector.bitcast %gather3A_677 : vector<16xi32> to vector<32xbf16>
      %unpack3A_680 = tpu.unpack_subelements %bitcast3A_678, 0 {pack_format = #tpu.pack_format<interleaved>} : vector<32xbf16> -> vector<16xf32>
      %unpack3A_681 = tpu.unpack_subelements %bitcast3A_678, 1 {pack_format = #tpu.pack_format<interleaved>} : vector<32xbf16> -> vector<16xf32>
      %unpack3A_682 = tpu.unpack_subelements %bitcast3A_679, 0 {pack_format = #tpu.pack_format<interleaved>} : vector<32xbf16> -> vector<16xf32>
      %unpack3A_683 = tpu.unpack_subelements %bitcast3A_679, 1 {pack_format = #tpu.pack_format<interleaved>} : vector<32xbf16> -> vector<16xf32>
      %mul3A_684 = arith.mulf %unpack3A_680, %unpack3A_682 : vector<16xf32>
      %add3A_685 = arith.addf %add3A_669, %mul3A_684 : vector<16xf32>
      %mul3A_686 = arith.mulf %unpack3A_681, %unpack3A_683 : vector<16xf32>
      %add3A_687 = arith.addf %add3A_685, %mul3A_686 : vector<16xf32>
      %add3A_688 = arith.constant 26 : i32
      %add3A_689 = vector.broadcast %add3A_688 : i32 to vector<16xi32>
      %add3A_690 = arith.addi %shift_left3A_209, %add3A_689 : vector<16xi32>
      %gather3A_691 = tpu.vector_load_idx %arg12[%add3A_202, %add3A_690] : memref<256x128xi32, #tpu.memory_space<vmem>>[vector<16xi32>, vector<16xi32>], vector<16xi32>,
      %add3A_692 = arith.constant 26 : i32
      %add3A_693 = vector.broadcast %add3A_692 : i32 to vector<16xi32>
      %add3A_694 = arith.addi %shift_left3A_220, %add3A_693 : vector<16xi32>
      %gather3A_695 = tpu.vector_load_idx %arg13[%add3A_202, %add3A_694] : memref<256x128xi32, #tpu.memory_space<vmem>>[vector<16xi32>, vector<16xi32>], vector<16xi32>,
      %bitcast3A_696 = vector.bitcast %gather3A_691 : vector<16xi32> to vector<32xbf16>
      %bitcast3A_697 = vector.bitcast %gather3A_695 : vector<16xi32> to vector<32xbf16>
      %unpack3A_698 = tpu.unpack_subelements %bitcast3A_696, 0 {pack_format = #tpu.pack_format<interleaved>} : vector<32xbf16> -> vector<16xf32>
      %unpack3A_699 = tpu.unpack_subelements %bitcast3A_696, 1 {pack_format = #tpu.pack_format<interleaved>} : vector<32xbf16> -> vector<16xf32>
      %unpack3A_700 = tpu.unpack_subelements %bitcast3A_697, 0 {pack_format = #tpu.pack_format<interleaved>} : vector<32xbf16> -> vector<16xf32>
      %unpack3A_701 = tpu.unpack_subelements %bitcast3A_697, 1 {pack_format = #tpu.pack_format<interleaved>} : vector<32xbf16> -> vector<16xf32>
      %mul3A_702 = arith.mulf %unpack3A_698, %unpack3A_700 : vector<16xf32>
      %add3A_703 = arith.addf %add3A_687, %mul3A_702 : vector<16xf32>
      %mul3A_704 = arith.mulf %unpack3A_699, %unpack3A_701 : vector<16xf32>
      %add3A_705 = arith.addf %add3A_703, %mul3A_704 : vector<16xf32>
      %add3A_706 = arith.constant 27 : i32
      %add3A_707 = vector.broadcast %add3A_706 : i32 to vector<16xi32>
      %add3A_708 = arith.addi %shift_left3A_209, %add3A_707 : vector<16xi32>
      %gather3A_709 = tpu.vector_load_idx %arg12[%add3A_202, %add3A_708] : memref<256x128xi32, #tpu.memory_space<vmem>>[vector<16xi32>, vector<16xi32>], vector<16xi32>,
      %add3A_710 = arith.constant 27 : i32
      %add3A_711 = vector.broadcast %add3A_710 : i32 to vector<16xi32>
      %add3A_712 = arith.addi %shift_left3A_220, %add3A_711 : vector<16xi32>
      %gather3A_713 = tpu.vector_load_idx %arg13[%add3A_202, %add3A_712] : memref<256x128xi32, #tpu.memory_space<vmem>>[vector<16xi32>, vector<16xi32>], vector<16xi32>,
      %bitcast3A_714 = vector.bitcast %gather3A_709 : vector<16xi32> to vector<32xbf16>
      %bitcast3A_715 = vector.bitcast %gather3A_713 : vector<16xi32> to vector<32xbf16>
      %unpack3A_716 = tpu.unpack_subelements %bitcast3A_714, 0 {pack_format = #tpu.pack_format<interleaved>} : vector<32xbf16> -> vector<16xf32>
      %unpack3A_717 = tpu.unpack_subelements %bitcast3A_714, 1 {pack_format = #tpu.pack_format<interleaved>} : vector<32xbf16> -> vector<16xf32>
      %unpack3A_718 = tpu.unpack_subelements %bitcast3A_715, 0 {pack_format = #tpu.pack_format<interleaved>} : vector<32xbf16> -> vector<16xf32>
      %unpack3A_719 = tpu.unpack_subelements %bitcast3A_715, 1 {pack_format = #tpu.pack_format<interleaved>} : vector<32xbf16> -> vector<16xf32>
      %mul3A_720 = arith.mulf %unpack3A_716, %unpack3A_718 : vector<16xf32>
      %add3A_721 = arith.addf %add3A_705, %mul3A_720 : vector<16xf32>
      %mul3A_722 = arith.mulf %unpack3A_717, %unpack3A_719 : vector<16xf32>
      %add3A_723 = arith.addf %add3A_721, %mul3A_722 : vector<16xf32>
      %add3A_724 = arith.constant 28 : i32
      %add3A_725 = vector.broadcast %add3A_724 : i32 to vector<16xi32>
      %add3A_726 = arith.addi %shift_left3A_209, %add3A_725 : vector<16xi32>
      %gather3A_727 = tpu.vector_load_idx %arg12[%add3A_202, %add3A_726] : memref<256x128xi32, #tpu.memory_space<vmem>>[vector<16xi32>, vector<16xi32>], vector<16xi32>,
      %add3A_728 = arith.constant 28 : i32
      %add3A_729 = vector.broadcast %add3A_728 : i32 to vector<16xi32>
      %add3A_730 = arith.addi %shift_left3A_220, %add3A_729 : vector<16xi32>
      %gather3A_731 = tpu.vector_load_idx %arg13[%add3A_202, %add3A_730] : memref<256x128xi32, #tpu.memory_space<vmem>>[vector<16xi32>, vector<16xi32>], vector<16xi32>,
      %bitcast3A_732 = vector.bitcast %gather3A_727 : vector<16xi32> to vector<32xbf16>
      %bitcast3A_733 = vector.bitcast %gather3A_731 : vector<16xi32> to vector<32xbf16>
      %unpack3A_734 = tpu.unpack_subelements %bitcast3A_732, 0 {pack_format = #tpu.pack_format<interleaved>} : vector<32xbf16> -> vector<16xf32>
      %unpack3A_735 = tpu.unpack_subelements %bitcast3A_732, 1 {pack_format = #tpu.pack_format<interleaved>} : vector<32xbf16> -> vector<16xf32>
      %unpack3A_736 = tpu.unpack_subelements %bitcast3A_733, 0 {pack_format = #tpu.pack_format<interleaved>} : vector<32xbf16> -> vector<16xf32>
      %unpack3A_737 = tpu.unpack_subelements %bitcast3A_733, 1 {pack_format = #tpu.pack_format<interleaved>} : vector<32xbf16> -> vector<16xf32>
      %mul3A_738 = arith.mulf %unpack3A_734, %unpack3A_736 : vector<16xf32>
      %add3A_739 = arith.addf %add3A_723, %mul3A_738 : vector<16xf32>
      %mul3A_740 = arith.mulf %unpack3A_735, %unpack3A_737 : vector<16xf32>
      %add3A_741 = arith.addf %add3A_739, %mul3A_740 : vector<16xf32>
      %add3A_742 = arith.constant 29 : i32
      %add3A_743 = vector.broadcast %add3A_742 : i32 to vector<16xi32>
      %add3A_744 = arith.addi %shift_left3A_209, %add3A_743 : vector<16xi32>
      %gather3A_745 = tpu.vector_load_idx %arg12[%add3A_202, %add3A_744] : memref<256x128xi32, #tpu.memory_space<vmem>>[vector<16xi32>, vector<16xi32>], vector<16xi32>,
      %add3A_746 = arith.constant 29 : i32
      %add3A_747 = vector.broadcast %add3A_746 : i32 to vector<16xi32>
      %add3A_748 = arith.addi %shift_left3A_220, %add3A_747 : vector<16xi32>
      %gather3A_749 = tpu.vector_load_idx %arg13[%add3A_202, %add3A_748] : memref<256x128xi32, #tpu.memory_space<vmem>>[vector<16xi32>, vector<16xi32>], vector<16xi32>,
      %bitcast3A_750 = vector.bitcast %gather3A_745 : vector<16xi32> to vector<32xbf16>
      %bitcast3A_751 = vector.bitcast %gather3A_749 : vector<16xi32> to vector<32xbf16>
      %unpack3A_752 = tpu.unpack_subelements %bitcast3A_750, 0 {pack_format = #tpu.pack_format<interleaved>} : vector<32xbf16> -> vector<16xf32>
      %unpack3A_753 = tpu.unpack_subelements %bitcast3A_750, 1 {pack_format = #tpu.pack_format<interleaved>} : vector<32xbf16> -> vector<16xf32>
      %unpack3A_754 = tpu.unpack_subelements %bitcast3A_751, 0 {pack_format = #tpu.pack_format<interleaved>} : vector<32xbf16> -> vector<16xf32>
      %unpack3A_755 = tpu.unpack_subelements %bitcast3A_751, 1 {pack_format = #tpu.pack_format<interleaved>} : vector<32xbf16> -> vector<16xf32>
      %mul3A_756 = arith.mulf %unpack3A_752, %unpack3A_754 : vector<16xf32>
      %add3A_757 = arith.addf %add3A_741, %mul3A_756 : vector<16xf32>
      %mul3A_758 = arith.mulf %unpack3A_753, %unpack3A_755 : vector<16xf32>
      %add3A_759 = arith.addf %add3A_757, %mul3A_758 : vector<16xf32>
      %add3A_760 = arith.constant 30 : i32
      %add3A_761 = vector.broadcast %add3A_760 : i32 to vector<16xi32>
      %add3A_762 = arith.addi %shift_left3A_209, %add3A_761 : vector<16xi32>
      %gather3A_763 = tpu.vector_load_idx %arg12[%add3A_202, %add3A_762] : memref<256x128xi32, #tpu.memory_space<vmem>>[vector<16xi32>, vector<16xi32>], vector<16xi32>,
      %add3A_764 = arith.constant 30 : i32
      %add3A_765 = vector.broadcast %add3A_764 : i32 to vector<16xi32>
      %add3A_766 = arith.addi %shift_left3A_220, %add3A_765 : vector<16xi32>
      %gather3A_767 = tpu.vector_load_idx %arg13[%add3A_202, %add3A_766] : memref<256x128xi32, #tpu.memory_space<vmem>>[vector<16xi32>, vector<16xi32>], vector<16xi32>,
      %bitcast3A_768 = vector.bitcast %gather3A_763 : vector<16xi32> to vector<32xbf16>
      %bitcast3A_769 = vector.bitcast %gather3A_767 : vector<16xi32> to vector<32xbf16>
      %unpack3A_770 = tpu.unpack_subelements %bitcast3A_768, 0 {pack_format = #tpu.pack_format<interleaved>} : vector<32xbf16> -> vector<16xf32>
      %unpack3A_771 = tpu.unpack_subelements %bitcast3A_768, 1 {pack_format = #tpu.pack_format<interleaved>} : vector<32xbf16> -> vector<16xf32>
      %unpack3A_772 = tpu.unpack_subelements %bitcast3A_769, 0 {pack_format = #tpu.pack_format<interleaved>} : vector<32xbf16> -> vector<16xf32>
      %unpack3A_773 = tpu.unpack_subelements %bitcast3A_769, 1 {pack_format = #tpu.pack_format<interleaved>} : vector<32xbf16> -> vector<16xf32>
      %mul3A_774 = arith.mulf %unpack3A_770, %unpack3A_772 : vector<16xf32>
      %add3A_775 = arith.addf %add3A_759, %mul3A_774 : vector<16xf32>
      %mul3A_776 = arith.mulf %unpack3A_771, %unpack3A_773 : vector<16xf32>
      %add3A_777 = arith.addf %add3A_775, %mul3A_776 : vector<16xf32>
      %add3A_778 = arith.constant 31 : i32
      %add3A_779 = vector.broadcast %add3A_778 : i32 to vector<16xi32>
      %add3A_780 = arith.addi %shift_left3A_209, %add3A_779 : vector<16xi32>
      %gather3A_781 = tpu.vector_load_idx %arg12[%add3A_202, %add3A_780] : memref<256x128xi32, #tpu.memory_space<vmem>>[vector<16xi32>, vector<16xi32>], vector<16xi32>,
      %add3A_782 = arith.constant 31 : i32
      %add3A_783 = vector.broadcast %add3A_782 : i32 to vector<16xi32>
      %add3A_784 = arith.addi %shift_left3A_220, %add3A_783 : vector<16xi32>
      %gather3A_785 = tpu.vector_load_idx %arg13[%add3A_202, %add3A_784] : memref<256x128xi32, #tpu.memory_space<vmem>>[vector<16xi32>, vector<16xi32>], vector<16xi32>,
      %bitcast3A_786 = vector.bitcast %gather3A_781 : vector<16xi32> to vector<32xbf16>
      %bitcast3A_787 = vector.bitcast %gather3A_785 : vector<16xi32> to vector<32xbf16>
      %unpack3A_788 = tpu.unpack_subelements %bitcast3A_786, 0 {pack_format = #tpu.pack_format<interleaved>} : vector<32xbf16> -> vector<16xf32>
      %unpack3A_789 = tpu.unpack_subelements %bitcast3A_786, 1 {pack_format = #tpu.pack_format<interleaved>} : vector<32xbf16> -> vector<16xf32>
      %unpack3A_790 = tpu.unpack_subelements %bitcast3A_787, 0 {pack_format = #tpu.pack_format<interleaved>} : vector<32xbf16> -> vector<16xf32>
      %unpack3A_791 = tpu.unpack_subelements %bitcast3A_787, 1 {pack_format = #tpu.pack_format<interleaved>} : vector<32xbf16> -> vector<16xf32>
      %mul3A_792 = arith.mulf %unpack3A_788, %unpack3A_790 : vector<16xf32>
      %add3A_793 = arith.addf %add3A_777, %mul3A_792 : vector<16xf32>
      %mul3A_794 = arith.mulf %unpack3A_789, %unpack3A_791 : vector<16xf32>
      %add3A_795 = arith.addf %add3A_793, %mul3A_794 : vector<16xf32>
      %swap3A = arith.index_cast %add3A_198 : i32 to index
      %swap3A_796 = tpu.vector_load %arg15[%swap3A] {strides = array<i32>} : memref<512xf32, #tpu.memory_space<vmem>>, vector<16xf32>,
      tpu.vector_store %arg15[%swap3A], %add3A_795 {strides = array<i32>} : memref<512xf32, #tpu.memory_space<vmem>>, vector<16xf32>,
    }
    %scan3A_123 = arith.constant 16 : i32
    %dma_start3A_124 = arith.constant 0 : i32
    %dma_start3A_125 = arith.constant 0 : i32
    %dma_start3A_126 = tpu.memref_slice %arg12[%dma_start3A_124, %dma_start3A_125] : memref<256x128xi32, #tpu.memory_space<vmem>> -> memref<128x128xi32, #tpu.memory_space<vmem>>
    %dma_start3A_127 = arith.constant 256 : i32
    %dma_start3A_128 = tpu.memref_slice %arg10[%dma_start3A_127] : memref<512xi32, #tpu.memory_space<vmem>> -> memref<128xi32, #tpu.memory_space<vmem>>
    %dma_start3A_129 = arith.constant 0 : i32
    %dma_start3A_130 = arith.constant 0 : i32
    %dma_start3A_131 = tpu.memref_slice %arg4[%dma_start3A_129, %dma_start3A_130] : memref<250880x128xi32, #tpu.memory_space<hbm>> -> memref<250880x128xi32, #tpu.memory_space<hbm>>
    tpu.enqueue_indirect_dma source(%dma_start3A_131 : memref<250880x128xi32, #tpu.memory_space<hbm>>) target(%dma_start3A_126 : memref<128x128xi32, #tpu.memory_space<vmem>>) offsets(%dma_start3A_128 : memref<128xi32, #tpu.memory_space<vmem>>) semaphore(%arg16 : memref<!tpu.dma_semaphore, #tpu.memory_space<semaphore_mem>>)
    %dma_start3A_132 = arith.constant 0 : i32
    %dma_start3A_133 = arith.constant 0 : i32
    %dma_start3A_134 = tpu.memref_slice %arg13[%dma_start3A_132, %dma_start3A_133] : memref<256x128xi32, #tpu.memory_space<vmem>> -> memref<128x128xi32, #tpu.memory_space<vmem>>
    %dma_start3A_135 = arith.constant 256 : i32
    %dma_start3A_136 = tpu.memref_slice %arg11[%dma_start3A_135] : memref<512xi32, #tpu.memory_space<vmem>> -> memref<128xi32, #tpu.memory_space<vmem>>
    %dma_start3A_137 = arith.constant 0 : i32
    %dma_start3A_138 = arith.constant 0 : i32
    %dma_start3A_139 = tpu.memref_slice %arg5[%dma_start3A_137, %dma_start3A_138] : memref<250880x128xi32, #tpu.memory_space<hbm>> -> memref<250880x128xi32, #tpu.memory_space<hbm>>
    tpu.enqueue_indirect_dma source(%dma_start3A_139 : memref<250880x128xi32, #tpu.memory_space<hbm>>) target(%dma_start3A_134 : memref<128x128xi32, #tpu.memory_space<vmem>>) offsets(%dma_start3A_136 : memref<128xi32, #tpu.memory_space<vmem>>) semaphore(%arg16 : memref<!tpu.dma_semaphore, #tpu.memory_space<semaphore_mem>>)
    %dma_start3A_140 = arith.constant 128 : i32
    %dma_start3A_141 = arith.constant 0 : i32
    %dma_start3A_142 = tpu.memref_slice %arg12[%dma_start3A_140, %dma_start3A_141] : memref<256x128xi32, #tpu.memory_space<vmem>> -> memref<128x128xi32, #tpu.memory_space<vmem>>
    %dma_start3A_143 = arith.constant 384 : i32
    %dma_start3A_144 = tpu.memref_slice %arg10[%dma_start3A_143] : memref<512xi32, #tpu.memory_space<vmem>> -> memref<128xi32, #tpu.memory_space<vmem>>
    %dma_start3A_145 = arith.constant 0 : i32
    %dma_start3A_146 = arith.constant 0 : i32
    %dma_start3A_147 = tpu.memref_slice %arg4[%dma_start3A_145, %dma_start3A_146] : memref<250880x128xi32, #tpu.memory_space<hbm>> -> memref<250880x128xi32, #tpu.memory_space<hbm>>
    tpu.enqueue_indirect_dma source(%dma_start3A_147 : memref<250880x128xi32, #tpu.memory_space<hbm>>) target(%dma_start3A_142 : memref<128x128xi32, #tpu.memory_space<vmem>>) offsets(%dma_start3A_144 : memref<128xi32, #tpu.memory_space<vmem>>) semaphore(%arg16 : memref<!tpu.dma_semaphore, #tpu.memory_space<semaphore_mem>>)
    %dma_start3A_148 = arith.constant 128 : i32
    %dma_start3A_149 = arith.constant 0 : i32
    %dma_start3A_150 = tpu.memref_slice %arg13[%dma_start3A_148, %dma_start3A_149] : memref<256x128xi32, #tpu.memory_space<vmem>> -> memref<128x128xi32, #tpu.memory_space<vmem>>
    %dma_start3A_151 = arith.constant 384 : i32
    %dma_start3A_152 = tpu.memref_slice %arg11[%dma_start3A_151] : memref<512xi32, #tpu.memory_space<vmem>> -> memref<128xi32, #tpu.memory_space<vmem>>
    %dma_start3A_153 = arith.constant 0 : i32
    %dma_start3A_154 = arith.constant 0 : i32
    %dma_start3A_155 = tpu.memref_slice %arg5[%dma_start3A_153, %dma_start3A_154] : memref<250880x128xi32, #tpu.memory_space<hbm>> -> memref<250880x128xi32, #tpu.memory_space<hbm>>
    tpu.enqueue_indirect_dma source(%dma_start3A_155 : memref<250880x128xi32, #tpu.memory_space<hbm>>) target(%dma_start3A_150 : memref<128x128xi32, #tpu.memory_space<vmem>>) offsets(%dma_start3A_152 : memref<128xi32, #tpu.memory_space<vmem>>) semaphore(%arg16 : memref<!tpu.dma_semaphore, #tpu.memory_space<semaphore_mem>>)
    %dma_wait3A_156 = arith.constant 0 : i32
    %dma_wait3A_157 = arith.constant 0 : i32
    %dma_wait3A_158 = tpu.memref_slice %arg12[%dma_wait3A_156, %dma_wait3A_157] : memref<256x128xi32, #tpu.memory_space<vmem>> -> memref<128x128xi32, #tpu.memory_space<vmem>>
    %dma_wait3A_159 = arith.constant 256 : i32
    %dma_wait3A_160 = tpu.memref_slice %arg10[%dma_wait3A_159] : memref<512xi32, #tpu.memory_space<vmem>> -> memref<128xi32, #tpu.memory_space<vmem>>
    %dma_wait3A_161 = arith.constant 0 : i32
    %dma_wait3A_162 = arith.constant 0 : i32
    %dma_wait3A_163 = tpu.memref_slice %arg4[%dma_wait3A_161, %dma_wait3A_162] : memref<250880x128xi32, #tpu.memory_space<hbm>> -> memref<250880x128xi32, #tpu.memory_space<hbm>>
    tpu.wait_indirect_dma semaphore(%arg16 : memref<!tpu.dma_semaphore, #tpu.memory_space<semaphore_mem>>) src(%dma_wait3A_163 : memref<250880x128xi32, #tpu.memory_space<hbm>>) dst(%dma_wait3A_158 : memref<128x128xi32, #tpu.memory_space<vmem>>)
    %dma_wait3A_164 = arith.constant 0 : i32
    %dma_wait3A_165 = arith.constant 0 : i32
    %dma_wait3A_166 = tpu.memref_slice %arg13[%dma_wait3A_164, %dma_wait3A_165] : memref<256x128xi32, #tpu.memory_space<vmem>> -> memref<128x128xi32, #tpu.memory_space<vmem>>
    %dma_wait3A_167 = arith.constant 256 : i32
    %dma_wait3A_168 = tpu.memref_slice %arg11[%dma_wait3A_167] : memref<512xi32, #tpu.memory_space<vmem>> -> memref<128xi32, #tpu.memory_space<vmem>>
    %dma_wait3A_169 = arith.constant 0 : i32
    %dma_wait3A_170 = arith.constant 0 : i32
    %dma_wait3A_171 = tpu.memref_slice %arg5[%dma_wait3A_169, %dma_wait3A_170] : memref<250880x128xi32, #tpu.memory_space<hbm>> -> memref<250880x128xi32, #tpu.memory_space<hbm>>
    tpu.wait_indirect_dma semaphore(%arg16 : memref<!tpu.dma_semaphore, #tpu.memory_space<semaphore_mem>>) src(%dma_wait3A_171 : memref<250880x128xi32, #tpu.memory_space<hbm>>) dst(%dma_wait3A_166 : memref<128x128xi32, #tpu.memory_space<vmem>>)
    %dma_wait3A_172 = arith.constant 128 : i32
    %dma_wait3A_173 = arith.constant 0 : i32
    %dma_wait3A_174 = tpu.memref_slice %arg12[%dma_wait3A_172, %dma_wait3A_173] : memref<256x128xi32, #tpu.memory_space<vmem>> -> memref<128x128xi32, #tpu.memory_space<vmem>>
    %dma_wait3A_175 = arith.constant 384 : i32
    %dma_wait3A_176 = tpu.memref_slice %arg10[%dma_wait3A_175] : memref<512xi32, #tpu.memory_space<vmem>> -> memref<128xi32, #tpu.memory_space<vmem>>
    %dma_wait3A_177 = arith.constant 0 : i32
    %dma_wait3A_178 = arith.constant 0 : i32
    %dma_wait3A_179 = tpu.memref_slice %arg4[%dma_wait3A_177, %dma_wait3A_178] : memref<250880x128xi32, #tpu.memory_space<hbm>> -> memref<250880x128xi32, #tpu.memory_space<hbm>>
    tpu.wait_indirect_dma semaphore(%arg16 : memref<!tpu.dma_semaphore, #tpu.memory_space<semaphore_mem>>) src(%dma_wait3A_179 : memref<250880x128xi32, #tpu.memory_space<hbm>>) dst(%dma_wait3A_174 : memref<128x128xi32, #tpu.memory_space<vmem>>)
    %dma_wait3A_180 = arith.constant 128 : i32
    %dma_wait3A_181 = arith.constant 0 : i32
    %dma_wait3A_182 = tpu.memref_slice %arg13[%dma_wait3A_180, %dma_wait3A_181] : memref<256x128xi32, #tpu.memory_space<vmem>> -> memref<128x128xi32, #tpu.memory_space<vmem>>
    %dma_wait3A_183 = arith.constant 384 : i32
    %dma_wait3A_184 = tpu.memref_slice %arg11[%dma_wait3A_183] : memref<512xi32, #tpu.memory_space<vmem>> -> memref<128xi32, #tpu.memory_space<vmem>>
    %dma_wait3A_185 = arith.constant 0 : i32
    %dma_wait3A_186 = arith.constant 0 : i32
    %dma_wait3A_187 = tpu.memref_slice %arg5[%dma_wait3A_185, %dma_wait3A_186] : memref<250880x128xi32, #tpu.memory_space<hbm>> -> memref<250880x128xi32, #tpu.memory_space<hbm>>
    tpu.wait_indirect_dma semaphore(%arg16 : memref<!tpu.dma_semaphore, #tpu.memory_space<semaphore_mem>>) src(%dma_wait3A_187 : memref<250880x128xi32, #tpu.memory_space<hbm>>) dst(%dma_wait3A_182 : memref<128x128xi32, #tpu.memory_space<vmem>>)
    %scan3A_188 = arith.constant 0 : i32
    %scan3A_189 = arith.constant 0 : i32
    %scan3A_190 = arith.constant 16 : i32
    %scan3A_191 = arith.addi %scan3A_189, %scan3A_190 : i32
    %scan3A_192 = arith.constant 1 : i32
    scf.for %scan3A_194 = %scan3A_189 to %scan3A_191 step %scan3A_192  : i32 {
      %mul3A_195 = arith.constant 16 : i32
      %mul3A_196 = arith.muli %scan3A_194, %mul3A_195 : i32
      %add3A_197 = arith.constant 256 : i32
      %add3A_198 = arith.addi %add3A_197, %mul3A_196 : i32
      %mul3A_199 = arith.constant 16 : i32
      %mul3A_200 = arith.muli %scan3A_194, %mul3A_199 : i32
      %add3A_201 = vector.broadcast %mul3A_200 : i32 to vector<16xi32>
      %add3A_202 = arith.addi %iota3A, %add3A_201 : vector<16xi32>
      %get3A = arith.index_cast %add3A_198 : i32 to index
      %get3A_203 = tpu.vector_load %arg8[%get3A] {strides = array<i32>} : memref<512xi32, #tpu.memory_space<vmem>>, vector<16xi32>,
      %shift_right_arithmetic3A = arith.constant 10 : i32
      %shift_right_arithmetic3A_204 = vector.broadcast %shift_right_arithmetic3A : i32 to vector<16xi32>
      %shift_right_arithmetic3A_205 = arith.shrsi %get3A_203, %shift_right_arithmetic3A_204 : vector<16xi32>
      %and3A = arith.constant 3 : i32
      %and3A_206 = vector.broadcast %and3A : i32 to vector<16xi32>
      %and3A_207 = arith.andi %shift_right_arithmetic3A_205, %and3A_206 : vector<16xi32>
      %shift_left3A = arith.constant 5 : i32
      %shift_left3A_208 = vector.broadcast %shift_left3A : i32 to vector<16xi32>
      %shift_left3A_209 = arith.shli %and3A_207, %shift_left3A_208 : vector<16xi32>
      %get3A_210 = arith.index_cast %add3A_198 : i32 to index
      %get3A_211 = tpu.vector_load %arg9[%get3A_210] {strides = array<i32>} : memref<512xi32, #tpu.memory_space<vmem>>, vector<16xi32>,
      %shift_right_arithmetic3A_212 = arith.constant 10 : i32
      %shift_right_arithmetic3A_213 = vector.broadcast %shift_right_arithmetic3A_212 : i32 to vector<16xi32>
      %shift_right_arithmetic3A_214 = arith.shrsi %get3A_211, %shift_right_arithmetic3A_213 : vector<16xi32>
      %and3A_215 = arith.constant 3 : i32
      %and3A_216 = vector.broadcast %and3A_215 : i32 to vector<16xi32>
      %and3A_217 = arith.andi %shift_right_arithmetic3A_214, %and3A_216 : vector<16xi32>
      %shift_left3A_218 = arith.constant 5 : i32
      %shift_left3A_219 = vector.broadcast %shift_left3A_218 : i32 to vector<16xi32>
      %shift_left3A_220 = arith.shli %and3A_217, %shift_left3A_219 : vector<16xi32>
      %get3A_221 = arith.index_cast %add3A_198 : i32 to index
      %get3A_222 = tpu.vector_load %arg14[%get3A_221] {strides = array<i32>} : memref<512xf32, #tpu.memory_space<vmem>>, vector<16xf32>,
      %add3A_223 = arith.constant 0 : i32
      %add3A_224 = vector.broadcast %add3A_223 : i32 to vector<16xi32>
      %add3A_225 = arith.addi %shift_left3A_209, %add3A_224 : vector<16xi32>
      %gather3A = tpu.vector_load_idx %arg12[%add3A_202, %add3A_225] : memref<256x128xi32, #tpu.memory_space<vmem>>[vector<16xi32>, vector<16xi32>], vector<16xi32>,
      %add3A_226 = arith.constant 0 : i32
      %add3A_227 = vector.broadcast %add3A_226 : i32 to vector<16xi32>
      %add3A_228 = arith.addi %shift_left3A_220, %add3A_227 : vector<16xi32>
      %gather3A_229 = tpu.vector_load_idx %arg13[%add3A_202, %add3A_228] : memref<256x128xi32, #tpu.memory_space<vmem>>[vector<16xi32>, vector<16xi32>], vector<16xi32>,
      %bitcast3A = vector.bitcast %gather3A : vector<16xi32> to vector<32xbf16>
      %bitcast3A_230 = vector.bitcast %gather3A_229 : vector<16xi32> to vector<32xbf16>
      %unpack3A = tpu.unpack_subelements %bitcast3A, 0 {pack_format = #tpu.pack_format<interleaved>} : vector<32xbf16> -> vector<16xf32>
      %unpack3A_231 = tpu.unpack_subelements %bitcast3A, 1 {pack_format = #tpu.pack_format<interleaved>} : vector<32xbf16> -> vector<16xf32>
      %unpack3A_232 = tpu.unpack_subelements %bitcast3A_230, 0 {pack_format = #tpu.pack_format<interleaved>} : vector<32xbf16> -> vector<16xf32>
      %unpack3A_233 = tpu.unpack_subelements %bitcast3A_230, 1 {pack_format = #tpu.pack_format<interleaved>} : vector<32xbf16> -> vector<16xf32>
      %mul3A_234 = arith.mulf %unpack3A, %unpack3A_232 : vector<16xf32>
      %add3A_235 = arith.addf %get3A_222, %mul3A_234 : vector<16xf32>
      %mul3A_236 = arith.mulf %unpack3A_231, %unpack3A_233 : vector<16xf32>
      %add3A_237 = arith.addf %add3A_235, %mul3A_236 : vector<16xf32>
      %add3A_238 = arith.constant 1 : i32
      %add3A_239 = vector.broadcast %add3A_238 : i32 to vector<16xi32>
      %add3A_240 = arith.addi %shift_left3A_209, %add3A_239 : vector<16xi32>
      %gather3A_241 = tpu.vector_load_idx %arg12[%add3A_202, %add3A_240] : memref<256x128xi32, #tpu.memory_space<vmem>>[vector<16xi32>, vector<16xi32>], vector<16xi32>,
      %add3A_242 = arith.constant 1 : i32
      %add3A_243 = vector.broadcast %add3A_242 : i32 to vector<16xi32>
      %add3A_244 = arith.addi %shift_left3A_220, %add3A_243 : vector<16xi32>
      %gather3A_245 = tpu.vector_load_idx %arg13[%add3A_202, %add3A_244] : memref<256x128xi32, #tpu.memory_space<vmem>>[vector<16xi32>, vector<16xi32>], vector<16xi32>,
      %bitcast3A_246 = vector.bitcast %gather3A_241 : vector<16xi32> to vector<32xbf16>
      %bitcast3A_247 = vector.bitcast %gather3A_245 : vector<16xi32> to vector<32xbf16>
      %unpack3A_248 = tpu.unpack_subelements %bitcast3A_246, 0 {pack_format = #tpu.pack_format<interleaved>} : vector<32xbf16> -> vector<16xf32>
      %unpack3A_249 = tpu.unpack_subelements %bitcast3A_246, 1 {pack_format = #tpu.pack_format<interleaved>} : vector<32xbf16> -> vector<16xf32>
      %unpack3A_250 = tpu.unpack_subelements %bitcast3A_247, 0 {pack_format = #tpu.pack_format<interleaved>} : vector<32xbf16> -> vector<16xf32>
      %unpack3A_251 = tpu.unpack_subelements %bitcast3A_247, 1 {pack_format = #tpu.pack_format<interleaved>} : vector<32xbf16> -> vector<16xf32>
      %mul3A_252 = arith.mulf %unpack3A_248, %unpack3A_250 : vector<16xf32>
      %add3A_253 = arith.addf %add3A_237, %mul3A_252 : vector<16xf32>
      %mul3A_254 = arith.mulf %unpack3A_249, %unpack3A_251 : vector<16xf32>
      %add3A_255 = arith.addf %add3A_253, %mul3A_254 : vector<16xf32>
      %add3A_256 = arith.constant 2 : i32
      %add3A_257 = vector.broadcast %add3A_256 : i32 to vector<16xi32>
      %add3A_258 = arith.addi %shift_left3A_209, %add3A_257 : vector<16xi32>
      %gather3A_259 = tpu.vector_load_idx %arg12[%add3A_202, %add3A_258] : memref<256x128xi32, #tpu.memory_space<vmem>>[vector<16xi32>, vector<16xi32>], vector<16xi32>,
      %add3A_260 = arith.constant 2 : i32
      %add3A_261 = vector.broadcast %add3A_260 : i32 to vector<16xi32>
      %add3A_262 = arith.addi %shift_left3A_220, %add3A_261 : vector<16xi32>
      %gather3A_263 = tpu.vector_load_idx %arg13[%add3A_202, %add3A_262] : memref<256x128xi32, #tpu.memory_space<vmem>>[vector<16xi32>, vector<16xi32>], vector<16xi32>,
      %bitcast3A_264 = vector.bitcast %gather3A_259 : vector<16xi32> to vector<32xbf16>
      %bitcast3A_265 = vector.bitcast %gather3A_263 : vector<16xi32> to vector<32xbf16>
      %unpack3A_266 = tpu.unpack_subelements %bitcast3A_264, 0 {pack_format = #tpu.pack_format<interleaved>} : vector<32xbf16> -> vector<16xf32>
      %unpack3A_267 = tpu.unpack_subelements %bitcast3A_264, 1 {pack_format = #tpu.pack_format<interleaved>} : vector<32xbf16> -> vector<16xf32>
      %unpack3A_268 = tpu.unpack_subelements %bitcast3A_265, 0 {pack_format = #tpu.pack_format<interleaved>} : vector<32xbf16> -> vector<16xf32>
      %unpack3A_269 = tpu.unpack_subelements %bitcast3A_265, 1 {pack_format = #tpu.pack_format<interleaved>} : vector<32xbf16> -> vector<16xf32>
      %mul3A_270 = arith.mulf %unpack3A_266, %unpack3A_268 : vector<16xf32>
      %add3A_271 = arith.addf %add3A_255, %mul3A_270 : vector<16xf32>
      %mul3A_272 = arith.mulf %unpack3A_267, %unpack3A_269 : vector<16xf32>
      %add3A_273 = arith.addf %add3A_271, %mul3A_272 : vector<16xf32>
      %add3A_274 = arith.constant 3 : i32
      %add3A_275 = vector.broadcast %add3A_274 : i32 to vector<16xi32>
      %add3A_276 = arith.addi %shift_left3A_209, %add3A_275 : vector<16xi32>
      %gather3A_277 = tpu.vector_load_idx %arg12[%add3A_202, %add3A_276] : memref<256x128xi32, #tpu.memory_space<vmem>>[vector<16xi32>, vector<16xi32>], vector<16xi32>,
      %add3A_278 = arith.constant 3 : i32
      %add3A_279 = vector.broadcast %add3A_278 : i32 to vector<16xi32>
      %add3A_280 = arith.addi %shift_left3A_220, %add3A_279 : vector<16xi32>
      %gather3A_281 = tpu.vector_load_idx %arg13[%add3A_202, %add3A_280] : memref<256x128xi32, #tpu.memory_space<vmem>>[vector<16xi32>, vector<16xi32>], vector<16xi32>,
      %bitcast3A_282 = vector.bitcast %gather3A_277 : vector<16xi32> to vector<32xbf16>
      %bitcast3A_283 = vector.bitcast %gather3A_281 : vector<16xi32> to vector<32xbf16>
      %unpack3A_284 = tpu.unpack_subelements %bitcast3A_282, 0 {pack_format = #tpu.pack_format<interleaved>} : vector<32xbf16> -> vector<16xf32>
      %unpack3A_285 = tpu.unpack_subelements %bitcast3A_282, 1 {pack_format = #tpu.pack_format<interleaved>} : vector<32xbf16> -> vector<16xf32>
      %unpack3A_286 = tpu.unpack_subelements %bitcast3A_283, 0 {pack_format = #tpu.pack_format<interleaved>} : vector<32xbf16> -> vector<16xf32>
      %unpack3A_287 = tpu.unpack_subelements %bitcast3A_283, 1 {pack_format = #tpu.pack_format<interleaved>} : vector<32xbf16> -> vector<16xf32>
      %mul3A_288 = arith.mulf %unpack3A_284, %unpack3A_286 : vector<16xf32>
      %add3A_289 = arith.addf %add3A_273, %mul3A_288 : vector<16xf32>
      %mul3A_290 = arith.mulf %unpack3A_285, %unpack3A_287 : vector<16xf32>
      %add3A_291 = arith.addf %add3A_289, %mul3A_290 : vector<16xf32>
      %add3A_292 = arith.constant 4 : i32
      %add3A_293 = vector.broadcast %add3A_292 : i32 to vector<16xi32>
      %add3A_294 = arith.addi %shift_left3A_209, %add3A_293 : vector<16xi32>
      %gather3A_295 = tpu.vector_load_idx %arg12[%add3A_202, %add3A_294] : memref<256x128xi32, #tpu.memory_space<vmem>>[vector<16xi32>, vector<16xi32>], vector<16xi32>,
      %add3A_296 = arith.constant 4 : i32
      %add3A_297 = vector.broadcast %add3A_296 : i32 to vector<16xi32>
      %add3A_298 = arith.addi %shift_left3A_220, %add3A_297 : vector<16xi32>
      %gather3A_299 = tpu.vector_load_idx %arg13[%add3A_202, %add3A_298] : memref<256x128xi32, #tpu.memory_space<vmem>>[vector<16xi32>, vector<16xi32>], vector<16xi32>,
      %bitcast3A_300 = vector.bitcast %gather3A_295 : vector<16xi32> to vector<32xbf16>
      %bitcast3A_301 = vector.bitcast %gather3A_299 : vector<16xi32> to vector<32xbf16>
      %unpack3A_302 = tpu.unpack_subelements %bitcast3A_300, 0 {pack_format = #tpu.pack_format<interleaved>} : vector<32xbf16> -> vector<16xf32>
      %unpack3A_303 = tpu.unpack_subelements %bitcast3A_300, 1 {pack_format = #tpu.pack_format<interleaved>} : vector<32xbf16> -> vector<16xf32>
      %unpack3A_304 = tpu.unpack_subelements %bitcast3A_301, 0 {pack_format = #tpu.pack_format<interleaved>} : vector<32xbf16> -> vector<16xf32>
      %unpack3A_305 = tpu.unpack_subelements %bitcast3A_301, 1 {pack_format = #tpu.pack_format<interleaved>} : vector<32xbf16> -> vector<16xf32>
      %mul3A_306 = arith.mulf %unpack3A_302, %unpack3A_304 : vector<16xf32>
      %add3A_307 = arith.addf %add3A_291, %mul3A_306 : vector<16xf32>
      %mul3A_308 = arith.mulf %unpack3A_303, %unpack3A_305 : vector<16xf32>
      %add3A_309 = arith.addf %add3A_307, %mul3A_308 : vector<16xf32>
      %add3A_310 = arith.constant 5 : i32
      %add3A_311 = vector.broadcast %add3A_310 : i32 to vector<16xi32>
      %add3A_312 = arith.addi %shift_left3A_209, %add3A_311 : vector<16xi32>
      %gather3A_313 = tpu.vector_load_idx %arg12[%add3A_202, %add3A_312] : memref<256x128xi32, #tpu.memory_space<vmem>>[vector<16xi32>, vector<16xi32>], vector<16xi32>,
      %add3A_314 = arith.constant 5 : i32
      %add3A_315 = vector.broadcast %add3A_314 : i32 to vector<16xi32>
      %add3A_316 = arith.addi %shift_left3A_220, %add3A_315 : vector<16xi32>
      %gather3A_317 = tpu.vector_load_idx %arg13[%add3A_202, %add3A_316] : memref<256x128xi32, #tpu.memory_space<vmem>>[vector<16xi32>, vector<16xi32>], vector<16xi32>,
      %bitcast3A_318 = vector.bitcast %gather3A_313 : vector<16xi32> to vector<32xbf16>
      %bitcast3A_319 = vector.bitcast %gather3A_317 : vector<16xi32> to vector<32xbf16>
      %unpack3A_320 = tpu.unpack_subelements %bitcast3A_318, 0 {pack_format = #tpu.pack_format<interleaved>} : vector<32xbf16> -> vector<16xf32>
      %unpack3A_321 = tpu.unpack_subelements %bitcast3A_318, 1 {pack_format = #tpu.pack_format<interleaved>} : vector<32xbf16> -> vector<16xf32>
      %unpack3A_322 = tpu.unpack_subelements %bitcast3A_319, 0 {pack_format = #tpu.pack_format<interleaved>} : vector<32xbf16> -> vector<16xf32>
      %unpack3A_323 = tpu.unpack_subelements %bitcast3A_319, 1 {pack_format = #tpu.pack_format<interleaved>} : vector<32xbf16> -> vector<16xf32>
      %mul3A_324 = arith.mulf %unpack3A_320, %unpack3A_322 : vector<16xf32>
      %add3A_325 = arith.addf %add3A_309, %mul3A_324 : vector<16xf32>
      %mul3A_326 = arith.mulf %unpack3A_321, %unpack3A_323 : vector<16xf32>
      %add3A_327 = arith.addf %add3A_325, %mul3A_326 : vector<16xf32>
      %add3A_328 = arith.constant 6 : i32
      %add3A_329 = vector.broadcast %add3A_328 : i32 to vector<16xi32>
      %add3A_330 = arith.addi %shift_left3A_209, %add3A_329 : vector<16xi32>
      %gather3A_331 = tpu.vector_load_idx %arg12[%add3A_202, %add3A_330] : memref<256x128xi32, #tpu.memory_space<vmem>>[vector<16xi32>, vector<16xi32>], vector<16xi32>,
      %add3A_332 = arith.constant 6 : i32
      %add3A_333 = vector.broadcast %add3A_332 : i32 to vector<16xi32>
      %add3A_334 = arith.addi %shift_left3A_220, %add3A_333 : vector<16xi32>
      %gather3A_335 = tpu.vector_load_idx %arg13[%add3A_202, %add3A_334] : memref<256x128xi32, #tpu.memory_space<vmem>>[vector<16xi32>, vector<16xi32>], vector<16xi32>,
      %bitcast3A_336 = vector.bitcast %gather3A_331 : vector<16xi32> to vector<32xbf16>
      %bitcast3A_337 = vector.bitcast %gather3A_335 : vector<16xi32> to vector<32xbf16>
      %unpack3A_338 = tpu.unpack_subelements %bitcast3A_336, 0 {pack_format = #tpu.pack_format<interleaved>} : vector<32xbf16> -> vector<16xf32>
      %unpack3A_339 = tpu.unpack_subelements %bitcast3A_336, 1 {pack_format = #tpu.pack_format<interleaved>} : vector<32xbf16> -> vector<16xf32>
      %unpack3A_340 = tpu.unpack_subelements %bitcast3A_337, 0 {pack_format = #tpu.pack_format<interleaved>} : vector<32xbf16> -> vector<16xf32>
      %unpack3A_341 = tpu.unpack_subelements %bitcast3A_337, 1 {pack_format = #tpu.pack_format<interleaved>} : vector<32xbf16> -> vector<16xf32>
      %mul3A_342 = arith.mulf %unpack3A_338, %unpack3A_340 : vector<16xf32>
      %add3A_343 = arith.addf %add3A_327, %mul3A_342 : vector<16xf32>
      %mul3A_344 = arith.mulf %unpack3A_339, %unpack3A_341 : vector<16xf32>
      %add3A_345 = arith.addf %add3A_343, %mul3A_344 : vector<16xf32>
      %add3A_346 = arith.constant 7 : i32
      %add3A_347 = vector.broadcast %add3A_346 : i32 to vector<16xi32>
      %add3A_348 = arith.addi %shift_left3A_209, %add3A_347 : vector<16xi32>
      %gather3A_349 = tpu.vector_load_idx %arg12[%add3A_202, %add3A_348] : memref<256x128xi32, #tpu.memory_space<vmem>>[vector<16xi32>, vector<16xi32>], vector<16xi32>,
      %add3A_350 = arith.constant 7 : i32
      %add3A_351 = vector.broadcast %add3A_350 : i32 to vector<16xi32>
      %add3A_352 = arith.addi %shift_left3A_220, %add3A_351 : vector<16xi32>
      %gather3A_353 = tpu.vector_load_idx %arg13[%add3A_202, %add3A_352] : memref<256x128xi32, #tpu.memory_space<vmem>>[vector<16xi32>, vector<16xi32>], vector<16xi32>,
      %bitcast3A_354 = vector.bitcast %gather3A_349 : vector<16xi32> to vector<32xbf16>
      %bitcast3A_355 = vector.bitcast %gather3A_353 : vector<16xi32> to vector<32xbf16>
      %unpack3A_356 = tpu.unpack_subelements %bitcast3A_354, 0 {pack_format = #tpu.pack_format<interleaved>} : vector<32xbf16> -> vector<16xf32>
      %unpack3A_357 = tpu.unpack_subelements %bitcast3A_354, 1 {pack_format = #tpu.pack_format<interleaved>} : vector<32xbf16> -> vector<16xf32>
      %unpack3A_358 = tpu.unpack_subelements %bitcast3A_355, 0 {pack_format = #tpu.pack_format<interleaved>} : vector<32xbf16> -> vector<16xf32>
      %unpack3A_359 = tpu.unpack_subelements %bitcast3A_355, 1 {pack_format = #tpu.pack_format<interleaved>} : vector<32xbf16> -> vector<16xf32>
      %mul3A_360 = arith.mulf %unpack3A_356, %unpack3A_358 : vector<16xf32>
      %add3A_361 = arith.addf %add3A_345, %mul3A_360 : vector<16xf32>
      %mul3A_362 = arith.mulf %unpack3A_357, %unpack3A_359 : vector<16xf32>
      %add3A_363 = arith.addf %add3A_361, %mul3A_362 : vector<16xf32>
      %add3A_364 = arith.constant 8 : i32
      %add3A_365 = vector.broadcast %add3A_364 : i32 to vector<16xi32>
      %add3A_366 = arith.addi %shift_left3A_209, %add3A_365 : vector<16xi32>
      %gather3A_367 = tpu.vector_load_idx %arg12[%add3A_202, %add3A_366] : memref<256x128xi32, #tpu.memory_space<vmem>>[vector<16xi32>, vector<16xi32>], vector<16xi32>,
      %add3A_368 = arith.constant 8 : i32
      %add3A_369 = vector.broadcast %add3A_368 : i32 to vector<16xi32>
      %add3A_370 = arith.addi %shift_left3A_220, %add3A_369 : vector<16xi32>
      %gather3A_371 = tpu.vector_load_idx %arg13[%add3A_202, %add3A_370] : memref<256x128xi32, #tpu.memory_space<vmem>>[vector<16xi32>, vector<16xi32>], vector<16xi32>,
      %bitcast3A_372 = vector.bitcast %gather3A_367 : vector<16xi32> to vector<32xbf16>
      %bitcast3A_373 = vector.bitcast %gather3A_371 : vector<16xi32> to vector<32xbf16>
      %unpack3A_374 = tpu.unpack_subelements %bitcast3A_372, 0 {pack_format = #tpu.pack_format<interleaved>} : vector<32xbf16> -> vector<16xf32>
      %unpack3A_375 = tpu.unpack_subelements %bitcast3A_372, 1 {pack_format = #tpu.pack_format<interleaved>} : vector<32xbf16> -> vector<16xf32>
      %unpack3A_376 = tpu.unpack_subelements %bitcast3A_373, 0 {pack_format = #tpu.pack_format<interleaved>} : vector<32xbf16> -> vector<16xf32>
      %unpack3A_377 = tpu.unpack_subelements %bitcast3A_373, 1 {pack_format = #tpu.pack_format<interleaved>} : vector<32xbf16> -> vector<16xf32>
      %mul3A_378 = arith.mulf %unpack3A_374, %unpack3A_376 : vector<16xf32>
      %add3A_379 = arith.addf %add3A_363, %mul3A_378 : vector<16xf32>
      %mul3A_380 = arith.mulf %unpack3A_375, %unpack3A_377 : vector<16xf32>
      %add3A_381 = arith.addf %add3A_379, %mul3A_380 : vector<16xf32>
      %add3A_382 = arith.constant 9 : i32
      %add3A_383 = vector.broadcast %add3A_382 : i32 to vector<16xi32>
      %add3A_384 = arith.addi %shift_left3A_209, %add3A_383 : vector<16xi32>
      %gather3A_385 = tpu.vector_load_idx %arg12[%add3A_202, %add3A_384] : memref<256x128xi32, #tpu.memory_space<vmem>>[vector<16xi32>, vector<16xi32>], vector<16xi32>,
      %add3A_386 = arith.constant 9 : i32
      %add3A_387 = vector.broadcast %add3A_386 : i32 to vector<16xi32>
      %add3A_388 = arith.addi %shift_left3A_220, %add3A_387 : vector<16xi32>
      %gather3A_389 = tpu.vector_load_idx %arg13[%add3A_202, %add3A_388] : memref<256x128xi32, #tpu.memory_space<vmem>>[vector<16xi32>, vector<16xi32>], vector<16xi32>,
      %bitcast3A_390 = vector.bitcast %gather3A_385 : vector<16xi32> to vector<32xbf16>
      %bitcast3A_391 = vector.bitcast %gather3A_389 : vector<16xi32> to vector<32xbf16>
      %unpack3A_392 = tpu.unpack_subelements %bitcast3A_390, 0 {pack_format = #tpu.pack_format<interleaved>} : vector<32xbf16> -> vector<16xf32>
      %unpack3A_393 = tpu.unpack_subelements %bitcast3A_390, 1 {pack_format = #tpu.pack_format<interleaved>} : vector<32xbf16> -> vector<16xf32>
      %unpack3A_394 = tpu.unpack_subelements %bitcast3A_391, 0 {pack_format = #tpu.pack_format<interleaved>} : vector<32xbf16> -> vector<16xf32>
      %unpack3A_395 = tpu.unpack_subelements %bitcast3A_391, 1 {pack_format = #tpu.pack_format<interleaved>} : vector<32xbf16> -> vector<16xf32>
      %mul3A_396 = arith.mulf %unpack3A_392, %unpack3A_394 : vector<16xf32>
      %add3A_397 = arith.addf %add3A_381, %mul3A_396 : vector<16xf32>
      %mul3A_398 = arith.mulf %unpack3A_393, %unpack3A_395 : vector<16xf32>
      %add3A_399 = arith.addf %add3A_397, %mul3A_398 : vector<16xf32>
      %add3A_400 = arith.constant 10 : i32
      %add3A_401 = vector.broadcast %add3A_400 : i32 to vector<16xi32>
      %add3A_402 = arith.addi %shift_left3A_209, %add3A_401 : vector<16xi32>
      %gather3A_403 = tpu.vector_load_idx %arg12[%add3A_202, %add3A_402] : memref<256x128xi32, #tpu.memory_space<vmem>>[vector<16xi32>, vector<16xi32>], vector<16xi32>,
      %add3A_404 = arith.constant 10 : i32
      %add3A_405 = vector.broadcast %add3A_404 : i32 to vector<16xi32>
      %add3A_406 = arith.addi %shift_left3A_220, %add3A_405 : vector<16xi32>
      %gather3A_407 = tpu.vector_load_idx %arg13[%add3A_202, %add3A_406] : memref<256x128xi32, #tpu.memory_space<vmem>>[vector<16xi32>, vector<16xi32>], vector<16xi32>,
      %bitcast3A_408 = vector.bitcast %gather3A_403 : vector<16xi32> to vector<32xbf16>
      %bitcast3A_409 = vector.bitcast %gather3A_407 : vector<16xi32> to vector<32xbf16>
      %unpack3A_410 = tpu.unpack_subelements %bitcast3A_408, 0 {pack_format = #tpu.pack_format<interleaved>} : vector<32xbf16> -> vector<16xf32>
      %unpack3A_411 = tpu.unpack_subelements %bitcast3A_408, 1 {pack_format = #tpu.pack_format<interleaved>} : vector<32xbf16> -> vector<16xf32>
      %unpack3A_412 = tpu.unpack_subelements %bitcast3A_409, 0 {pack_format = #tpu.pack_format<interleaved>} : vector<32xbf16> -> vector<16xf32>
      %unpack3A_413 = tpu.unpack_subelements %bitcast3A_409, 1 {pack_format = #tpu.pack_format<interleaved>} : vector<32xbf16> -> vector<16xf32>
      %mul3A_414 = arith.mulf %unpack3A_410, %unpack3A_412 : vector<16xf32>
      %add3A_415 = arith.addf %add3A_399, %mul3A_414 : vector<16xf32>
      %mul3A_416 = arith.mulf %unpack3A_411, %unpack3A_413 : vector<16xf32>
      %add3A_417 = arith.addf %add3A_415, %mul3A_416 : vector<16xf32>
      %add3A_418 = arith.constant 11 : i32
      %add3A_419 = vector.broadcast %add3A_418 : i32 to vector<16xi32>
      %add3A_420 = arith.addi %shift_left3A_209, %add3A_419 : vector<16xi32>
      %gather3A_421 = tpu.vector_load_idx %arg12[%add3A_202, %add3A_420] : memref<256x128xi32, #tpu.memory_space<vmem>>[vector<16xi32>, vector<16xi32>], vector<16xi32>,
      %add3A_422 = arith.constant 11 : i32
      %add3A_423 = vector.broadcast %add3A_422 : i32 to vector<16xi32>
      %add3A_424 = arith.addi %shift_left3A_220, %add3A_423 : vector<16xi32>
      %gather3A_425 = tpu.vector_load_idx %arg13[%add3A_202, %add3A_424] : memref<256x128xi32, #tpu.memory_space<vmem>>[vector<16xi32>, vector<16xi32>], vector<16xi32>,
      %bitcast3A_426 = vector.bitcast %gather3A_421 : vector<16xi32> to vector<32xbf16>
      %bitcast3A_427 = vector.bitcast %gather3A_425 : vector<16xi32> to vector<32xbf16>
      %unpack3A_428 = tpu.unpack_subelements %bitcast3A_426, 0 {pack_format = #tpu.pack_format<interleaved>} : vector<32xbf16> -> vector<16xf32>
      %unpack3A_429 = tpu.unpack_subelements %bitcast3A_426, 1 {pack_format = #tpu.pack_format<interleaved>} : vector<32xbf16> -> vector<16xf32>
      %unpack3A_430 = tpu.unpack_subelements %bitcast3A_427, 0 {pack_format = #tpu.pack_format<interleaved>} : vector<32xbf16> -> vector<16xf32>
      %unpack3A_431 = tpu.unpack_subelements %bitcast3A_427, 1 {pack_format = #tpu.pack_format<interleaved>} : vector<32xbf16> -> vector<16xf32>
      %mul3A_432 = arith.mulf %unpack3A_428, %unpack3A_430 : vector<16xf32>
      %add3A_433 = arith.addf %add3A_417, %mul3A_432 : vector<16xf32>
      %mul3A_434 = arith.mulf %unpack3A_429, %unpack3A_431 : vector<16xf32>
      %add3A_435 = arith.addf %add3A_433, %mul3A_434 : vector<16xf32>
      %add3A_436 = arith.constant 12 : i32
      %add3A_437 = vector.broadcast %add3A_436 : i32 to vector<16xi32>
      %add3A_438 = arith.addi %shift_left3A_209, %add3A_437 : vector<16xi32>
      %gather3A_439 = tpu.vector_load_idx %arg12[%add3A_202, %add3A_438] : memref<256x128xi32, #tpu.memory_space<vmem>>[vector<16xi32>, vector<16xi32>], vector<16xi32>,
      %add3A_440 = arith.constant 12 : i32
      %add3A_441 = vector.broadcast %add3A_440 : i32 to vector<16xi32>
      %add3A_442 = arith.addi %shift_left3A_220, %add3A_441 : vector<16xi32>
      %gather3A_443 = tpu.vector_load_idx %arg13[%add3A_202, %add3A_442] : memref<256x128xi32, #tpu.memory_space<vmem>>[vector<16xi32>, vector<16xi32>], vector<16xi32>,
      %bitcast3A_444 = vector.bitcast %gather3A_439 : vector<16xi32> to vector<32xbf16>
      %bitcast3A_445 = vector.bitcast %gather3A_443 : vector<16xi32> to vector<32xbf16>
      %unpack3A_446 = tpu.unpack_subelements %bitcast3A_444, 0 {pack_format = #tpu.pack_format<interleaved>} : vector<32xbf16> -> vector<16xf32>
      %unpack3A_447 = tpu.unpack_subelements %bitcast3A_444, 1 {pack_format = #tpu.pack_format<interleaved>} : vector<32xbf16> -> vector<16xf32>
      %unpack3A_448 = tpu.unpack_subelements %bitcast3A_445, 0 {pack_format = #tpu.pack_format<interleaved>} : vector<32xbf16> -> vector<16xf32>
      %unpack3A_449 = tpu.unpack_subelements %bitcast3A_445, 1 {pack_format = #tpu.pack_format<interleaved>} : vector<32xbf16> -> vector<16xf32>
      %mul3A_450 = arith.mulf %unpack3A_446, %unpack3A_448 : vector<16xf32>
      %add3A_451 = arith.addf %add3A_435, %mul3A_450 : vector<16xf32>
      %mul3A_452 = arith.mulf %unpack3A_447, %unpack3A_449 : vector<16xf32>
      %add3A_453 = arith.addf %add3A_451, %mul3A_452 : vector<16xf32>
      %add3A_454 = arith.constant 13 : i32
      %add3A_455 = vector.broadcast %add3A_454 : i32 to vector<16xi32>
      %add3A_456 = arith.addi %shift_left3A_209, %add3A_455 : vector<16xi32>
      %gather3A_457 = tpu.vector_load_idx %arg12[%add3A_202, %add3A_456] : memref<256x128xi32, #tpu.memory_space<vmem>>[vector<16xi32>, vector<16xi32>], vector<16xi32>,
      %add3A_458 = arith.constant 13 : i32
      %add3A_459 = vector.broadcast %add3A_458 : i32 to vector<16xi32>
      %add3A_460 = arith.addi %shift_left3A_220, %add3A_459 : vector<16xi32>
      %gather3A_461 = tpu.vector_load_idx %arg13[%add3A_202, %add3A_460] : memref<256x128xi32, #tpu.memory_space<vmem>>[vector<16xi32>, vector<16xi32>], vector<16xi32>,
      %bitcast3A_462 = vector.bitcast %gather3A_457 : vector<16xi32> to vector<32xbf16>
      %bitcast3A_463 = vector.bitcast %gather3A_461 : vector<16xi32> to vector<32xbf16>
      %unpack3A_464 = tpu.unpack_subelements %bitcast3A_462, 0 {pack_format = #tpu.pack_format<interleaved>} : vector<32xbf16> -> vector<16xf32>
      %unpack3A_465 = tpu.unpack_subelements %bitcast3A_462, 1 {pack_format = #tpu.pack_format<interleaved>} : vector<32xbf16> -> vector<16xf32>
      %unpack3A_466 = tpu.unpack_subelements %bitcast3A_463, 0 {pack_format = #tpu.pack_format<interleaved>} : vector<32xbf16> -> vector<16xf32>
      %unpack3A_467 = tpu.unpack_subelements %bitcast3A_463, 1 {pack_format = #tpu.pack_format<interleaved>} : vector<32xbf16> -> vector<16xf32>
      %mul3A_468 = arith.mulf %unpack3A_464, %unpack3A_466 : vector<16xf32>
      %add3A_469 = arith.addf %add3A_453, %mul3A_468 : vector<16xf32>
      %mul3A_470 = arith.mulf %unpack3A_465, %unpack3A_467 : vector<16xf32>
      %add3A_471 = arith.addf %add3A_469, %mul3A_470 : vector<16xf32>
      %add3A_472 = arith.constant 14 : i32
      %add3A_473 = vector.broadcast %add3A_472 : i32 to vector<16xi32>
      %add3A_474 = arith.addi %shift_left3A_209, %add3A_473 : vector<16xi32>
      %gather3A_475 = tpu.vector_load_idx %arg12[%add3A_202, %add3A_474] : memref<256x128xi32, #tpu.memory_space<vmem>>[vector<16xi32>, vector<16xi32>], vector<16xi32>,
      %add3A_476 = arith.constant 14 : i32
      %add3A_477 = vector.broadcast %add3A_476 : i32 to vector<16xi32>
      %add3A_478 = arith.addi %shift_left3A_220, %add3A_477 : vector<16xi32>
      %gather3A_479 = tpu.vector_load_idx %arg13[%add3A_202, %add3A_478] : memref<256x128xi32, #tpu.memory_space<vmem>>[vector<16xi32>, vector<16xi32>], vector<16xi32>,
      %bitcast3A_480 = vector.bitcast %gather3A_475 : vector<16xi32> to vector<32xbf16>
      %bitcast3A_481 = vector.bitcast %gather3A_479 : vector<16xi32> to vector<32xbf16>
      %unpack3A_482 = tpu.unpack_subelements %bitcast3A_480, 0 {pack_format = #tpu.pack_format<interleaved>} : vector<32xbf16> -> vector<16xf32>
      %unpack3A_483 = tpu.unpack_subelements %bitcast3A_480, 1 {pack_format = #tpu.pack_format<interleaved>} : vector<32xbf16> -> vector<16xf32>
      %unpack3A_484 = tpu.unpack_subelements %bitcast3A_481, 0 {pack_format = #tpu.pack_format<interleaved>} : vector<32xbf16> -> vector<16xf32>
      %unpack3A_485 = tpu.unpack_subelements %bitcast3A_481, 1 {pack_format = #tpu.pack_format<interleaved>} : vector<32xbf16> -> vector<16xf32>
      %mul3A_486 = arith.mulf %unpack3A_482, %unpack3A_484 : vector<16xf32>
      %add3A_487 = arith.addf %add3A_471, %mul3A_486 : vector<16xf32>
      %mul3A_488 = arith.mulf %unpack3A_483, %unpack3A_485 : vector<16xf32>
      %add3A_489 = arith.addf %add3A_487, %mul3A_488 : vector<16xf32>
      %add3A_490 = arith.constant 15 : i32
      %add3A_491 = vector.broadcast %add3A_490 : i32 to vector<16xi32>
      %add3A_492 = arith.addi %shift_left3A_209, %add3A_491 : vector<16xi32>
      %gather3A_493 = tpu.vector_load_idx %arg12[%add3A_202, %add3A_492] : memref<256x128xi32, #tpu.memory_space<vmem>>[vector<16xi32>, vector<16xi32>], vector<16xi32>,
      %add3A_494 = arith.constant 15 : i32
      %add3A_495 = vector.broadcast %add3A_494 : i32 to vector<16xi32>
      %add3A_496 = arith.addi %shift_left3A_220, %add3A_495 : vector<16xi32>
      %gather3A_497 = tpu.vector_load_idx %arg13[%add3A_202, %add3A_496] : memref<256x128xi32, #tpu.memory_space<vmem>>[vector<16xi32>, vector<16xi32>], vector<16xi32>,
      %bitcast3A_498 = vector.bitcast %gather3A_493 : vector<16xi32> to vector<32xbf16>
      %bitcast3A_499 = vector.bitcast %gather3A_497 : vector<16xi32> to vector<32xbf16>
      %unpack3A_500 = tpu.unpack_subelements %bitcast3A_498, 0 {pack_format = #tpu.pack_format<interleaved>} : vector<32xbf16> -> vector<16xf32>
      %unpack3A_501 = tpu.unpack_subelements %bitcast3A_498, 1 {pack_format = #tpu.pack_format<interleaved>} : vector<32xbf16> -> vector<16xf32>
      %unpack3A_502 = tpu.unpack_subelements %bitcast3A_499, 0 {pack_format = #tpu.pack_format<interleaved>} : vector<32xbf16> -> vector<16xf32>
      %unpack3A_503 = tpu.unpack_subelements %bitcast3A_499, 1 {pack_format = #tpu.pack_format<interleaved>} : vector<32xbf16> -> vector<16xf32>
      %mul3A_504 = arith.mulf %unpack3A_500, %unpack3A_502 : vector<16xf32>
      %add3A_505 = arith.addf %add3A_489, %mul3A_504 : vector<16xf32>
      %mul3A_506 = arith.mulf %unpack3A_501, %unpack3A_503 : vector<16xf32>
      %add3A_507 = arith.addf %add3A_505, %mul3A_506 : vector<16xf32>
      %add3A_508 = arith.constant 16 : i32
      %add3A_509 = vector.broadcast %add3A_508 : i32 to vector<16xi32>
      %add3A_510 = arith.addi %shift_left3A_209, %add3A_509 : vector<16xi32>
      %gather3A_511 = tpu.vector_load_idx %arg12[%add3A_202, %add3A_510] : memref<256x128xi32, #tpu.memory_space<vmem>>[vector<16xi32>, vector<16xi32>], vector<16xi32>,
      %add3A_512 = arith.constant 16 : i32
      %add3A_513 = vector.broadcast %add3A_512 : i32 to vector<16xi32>
      %add3A_514 = arith.addi %shift_left3A_220, %add3A_513 : vector<16xi32>
      %gather3A_515 = tpu.vector_load_idx %arg13[%add3A_202, %add3A_514] : memref<256x128xi32, #tpu.memory_space<vmem>>[vector<16xi32>, vector<16xi32>], vector<16xi32>,
      %bitcast3A_516 = vector.bitcast %gather3A_511 : vector<16xi32> to vector<32xbf16>
      %bitcast3A_517 = vector.bitcast %gather3A_515 : vector<16xi32> to vector<32xbf16>
      %unpack3A_518 = tpu.unpack_subelements %bitcast3A_516, 0 {pack_format = #tpu.pack_format<interleaved>} : vector<32xbf16> -> vector<16xf32>
      %unpack3A_519 = tpu.unpack_subelements %bitcast3A_516, 1 {pack_format = #tpu.pack_format<interleaved>} : vector<32xbf16> -> vector<16xf32>
      %unpack3A_520 = tpu.unpack_subelements %bitcast3A_517, 0 {pack_format = #tpu.pack_format<interleaved>} : vector<32xbf16> -> vector<16xf32>
      %unpack3A_521 = tpu.unpack_subelements %bitcast3A_517, 1 {pack_format = #tpu.pack_format<interleaved>} : vector<32xbf16> -> vector<16xf32>
      %mul3A_522 = arith.mulf %unpack3A_518, %unpack3A_520 : vector<16xf32>
      %add3A_523 = arith.addf %add3A_507, %mul3A_522 : vector<16xf32>
      %mul3A_524 = arith.mulf %unpack3A_519, %unpack3A_521 : vector<16xf32>
      %add3A_525 = arith.addf %add3A_523, %mul3A_524 : vector<16xf32>
      %add3A_526 = arith.constant 17 : i32
      %add3A_527 = vector.broadcast %add3A_526 : i32 to vector<16xi32>
      %add3A_528 = arith.addi %shift_left3A_209, %add3A_527 : vector<16xi32>
      %gather3A_529 = tpu.vector_load_idx %arg12[%add3A_202, %add3A_528] : memref<256x128xi32, #tpu.memory_space<vmem>>[vector<16xi32>, vector<16xi32>], vector<16xi32>,
      %add3A_530 = arith.constant 17 : i32
      %add3A_531 = vector.broadcast %add3A_530 : i32 to vector<16xi32>
      %add3A_532 = arith.addi %shift_left3A_220, %add3A_531 : vector<16xi32>
      %gather3A_533 = tpu.vector_load_idx %arg13[%add3A_202, %add3A_532] : memref<256x128xi32, #tpu.memory_space<vmem>>[vector<16xi32>, vector<16xi32>], vector<16xi32>,
      %bitcast3A_534 = vector.bitcast %gather3A_529 : vector<16xi32> to vector<32xbf16>
      %bitcast3A_535 = vector.bitcast %gather3A_533 : vector<16xi32> to vector<32xbf16>
      %unpack3A_536 = tpu.unpack_subelements %bitcast3A_534, 0 {pack_format = #tpu.pack_format<interleaved>} : vector<32xbf16> -> vector<16xf32>
      %unpack3A_537 = tpu.unpack_subelements %bitcast3A_534, 1 {pack_format = #tpu.pack_format<interleaved>} : vector<32xbf16> -> vector<16xf32>
      %unpack3A_538 = tpu.unpack_subelements %bitcast3A_535, 0 {pack_format = #tpu.pack_format<interleaved>} : vector<32xbf16> -> vector<16xf32>
      %unpack3A_539 = tpu.unpack_subelements %bitcast3A_535, 1 {pack_format = #tpu.pack_format<interleaved>} : vector<32xbf16> -> vector<16xf32>
      %mul3A_540 = arith.mulf %unpack3A_536, %unpack3A_538 : vector<16xf32>
      %add3A_541 = arith.addf %add3A_525, %mul3A_540 : vector<16xf32>
      %mul3A_542 = arith.mulf %unpack3A_537, %unpack3A_539 : vector<16xf32>
      %add3A_543 = arith.addf %add3A_541, %mul3A_542 : vector<16xf32>
      %add3A_544 = arith.constant 18 : i32
      %add3A_545 = vector.broadcast %add3A_544 : i32 to vector<16xi32>
      %add3A_546 = arith.addi %shift_left3A_209, %add3A_545 : vector<16xi32>
      %gather3A_547 = tpu.vector_load_idx %arg12[%add3A_202, %add3A_546] : memref<256x128xi32, #tpu.memory_space<vmem>>[vector<16xi32>, vector<16xi32>], vector<16xi32>,
      %add3A_548 = arith.constant 18 : i32
      %add3A_549 = vector.broadcast %add3A_548 : i32 to vector<16xi32>
      %add3A_550 = arith.addi %shift_left3A_220, %add3A_549 : vector<16xi32>
      %gather3A_551 = tpu.vector_load_idx %arg13[%add3A_202, %add3A_550] : memref<256x128xi32, #tpu.memory_space<vmem>>[vector<16xi32>, vector<16xi32>], vector<16xi32>,
      %bitcast3A_552 = vector.bitcast %gather3A_547 : vector<16xi32> to vector<32xbf16>
      %bitcast3A_553 = vector.bitcast %gather3A_551 : vector<16xi32> to vector<32xbf16>
      %unpack3A_554 = tpu.unpack_subelements %bitcast3A_552, 0 {pack_format = #tpu.pack_format<interleaved>} : vector<32xbf16> -> vector<16xf32>
      %unpack3A_555 = tpu.unpack_subelements %bitcast3A_552, 1 {pack_format = #tpu.pack_format<interleaved>} : vector<32xbf16> -> vector<16xf32>
      %unpack3A_556 = tpu.unpack_subelements %bitcast3A_553, 0 {pack_format = #tpu.pack_format<interleaved>} : vector<32xbf16> -> vector<16xf32>
      %unpack3A_557 = tpu.unpack_subelements %bitcast3A_553, 1 {pack_format = #tpu.pack_format<interleaved>} : vector<32xbf16> -> vector<16xf32>
      %mul3A_558 = arith.mulf %unpack3A_554, %unpack3A_556 : vector<16xf32>
      %add3A_559 = arith.addf %add3A_543, %mul3A_558 : vector<16xf32>
      %mul3A_560 = arith.mulf %unpack3A_555, %unpack3A_557 : vector<16xf32>
      %add3A_561 = arith.addf %add3A_559, %mul3A_560 : vector<16xf32>
      %add3A_562 = arith.constant 19 : i32
      %add3A_563 = vector.broadcast %add3A_562 : i32 to vector<16xi32>
      %add3A_564 = arith.addi %shift_left3A_209, %add3A_563 : vector<16xi32>
      %gather3A_565 = tpu.vector_load_idx %arg12[%add3A_202, %add3A_564] : memref<256x128xi32, #tpu.memory_space<vmem>>[vector<16xi32>, vector<16xi32>], vector<16xi32>,
      %add3A_566 = arith.constant 19 : i32
      %add3A_567 = vector.broadcast %add3A_566 : i32 to vector<16xi32>
      %add3A_568 = arith.addi %shift_left3A_220, %add3A_567 : vector<16xi32>
      %gather3A_569 = tpu.vector_load_idx %arg13[%add3A_202, %add3A_568] : memref<256x128xi32, #tpu.memory_space<vmem>>[vector<16xi32>, vector<16xi32>], vector<16xi32>,
      %bitcast3A_570 = vector.bitcast %gather3A_565 : vector<16xi32> to vector<32xbf16>
      %bitcast3A_571 = vector.bitcast %gather3A_569 : vector<16xi32> to vector<32xbf16>
      %unpack3A_572 = tpu.unpack_subelements %bitcast3A_570, 0 {pack_format = #tpu.pack_format<interleaved>} : vector<32xbf16> -> vector<16xf32>
      %unpack3A_573 = tpu.unpack_subelements %bitcast3A_570, 1 {pack_format = #tpu.pack_format<interleaved>} : vector<32xbf16> -> vector<16xf32>
      %unpack3A_574 = tpu.unpack_subelements %bitcast3A_571, 0 {pack_format = #tpu.pack_format<interleaved>} : vector<32xbf16> -> vector<16xf32>
      %unpack3A_575 = tpu.unpack_subelements %bitcast3A_571, 1 {pack_format = #tpu.pack_format<interleaved>} : vector<32xbf16> -> vector<16xf32>
      %mul3A_576 = arith.mulf %unpack3A_572, %unpack3A_574 : vector<16xf32>
      %add3A_577 = arith.addf %add3A_561, %mul3A_576 : vector<16xf32>
      %mul3A_578 = arith.mulf %unpack3A_573, %unpack3A_575 : vector<16xf32>
      %add3A_579 = arith.addf %add3A_577, %mul3A_578 : vector<16xf32>
      %add3A_580 = arith.constant 20 : i32
      %add3A_581 = vector.broadcast %add3A_580 : i32 to vector<16xi32>
      %add3A_582 = arith.addi %shift_left3A_209, %add3A_581 : vector<16xi32>
      %gather3A_583 = tpu.vector_load_idx %arg12[%add3A_202, %add3A_582] : memref<256x128xi32, #tpu.memory_space<vmem>>[vector<16xi32>, vector<16xi32>], vector<16xi32>,
      %add3A_584 = arith.constant 20 : i32
      %add3A_585 = vector.broadcast %add3A_584 : i32 to vector<16xi32>
      %add3A_586 = arith.addi %shift_left3A_220, %add3A_585 : vector<16xi32>
      %gather3A_587 = tpu.vector_load_idx %arg13[%add3A_202, %add3A_586] : memref<256x128xi32, #tpu.memory_space<vmem>>[vector<16xi32>, vector<16xi32>], vector<16xi32>,
      %bitcast3A_588 = vector.bitcast %gather3A_583 : vector<16xi32> to vector<32xbf16>
      %bitcast3A_589 = vector.bitcast %gather3A_587 : vector<16xi32> to vector<32xbf16>
      %unpack3A_590 = tpu.unpack_subelements %bitcast3A_588, 0 {pack_format = #tpu.pack_format<interleaved>} : vector<32xbf16> -> vector<16xf32>
      %unpack3A_591 = tpu.unpack_subelements %bitcast3A_588, 1 {pack_format = #tpu.pack_format<interleaved>} : vector<32xbf16> -> vector<16xf32>
      %unpack3A_592 = tpu.unpack_subelements %bitcast3A_589, 0 {pack_format = #tpu.pack_format<interleaved>} : vector<32xbf16> -> vector<16xf32>
      %unpack3A_593 = tpu.unpack_subelements %bitcast3A_589, 1 {pack_format = #tpu.pack_format<interleaved>} : vector<32xbf16> -> vector<16xf32>
      %mul3A_594 = arith.mulf %unpack3A_590, %unpack3A_592 : vector<16xf32>
      %add3A_595 = arith.addf %add3A_579, %mul3A_594 : vector<16xf32>
      %mul3A_596 = arith.mulf %unpack3A_591, %unpack3A_593 : vector<16xf32>
      %add3A_597 = arith.addf %add3A_595, %mul3A_596 : vector<16xf32>
      %add3A_598 = arith.constant 21 : i32
      %add3A_599 = vector.broadcast %add3A_598 : i32 to vector<16xi32>
      %add3A_600 = arith.addi %shift_left3A_209, %add3A_599 : vector<16xi32>
      %gather3A_601 = tpu.vector_load_idx %arg12[%add3A_202, %add3A_600] : memref<256x128xi32, #tpu.memory_space<vmem>>[vector<16xi32>, vector<16xi32>], vector<16xi32>,
      %add3A_602 = arith.constant 21 : i32
      %add3A_603 = vector.broadcast %add3A_602 : i32 to vector<16xi32>
      %add3A_604 = arith.addi %shift_left3A_220, %add3A_603 : vector<16xi32>
      %gather3A_605 = tpu.vector_load_idx %arg13[%add3A_202, %add3A_604] : memref<256x128xi32, #tpu.memory_space<vmem>>[vector<16xi32>, vector<16xi32>], vector<16xi32>,
      %bitcast3A_606 = vector.bitcast %gather3A_601 : vector<16xi32> to vector<32xbf16>
      %bitcast3A_607 = vector.bitcast %gather3A_605 : vector<16xi32> to vector<32xbf16>
      %unpack3A_608 = tpu.unpack_subelements %bitcast3A_606, 0 {pack_format = #tpu.pack_format<interleaved>} : vector<32xbf16> -> vector<16xf32>
      %unpack3A_609 = tpu.unpack_subelements %bitcast3A_606, 1 {pack_format = #tpu.pack_format<interleaved>} : vector<32xbf16> -> vector<16xf32>
      %unpack3A_610 = tpu.unpack_subelements %bitcast3A_607, 0 {pack_format = #tpu.pack_format<interleaved>} : vector<32xbf16> -> vector<16xf32>
      %unpack3A_611 = tpu.unpack_subelements %bitcast3A_607, 1 {pack_format = #tpu.pack_format<interleaved>} : vector<32xbf16> -> vector<16xf32>
      %mul3A_612 = arith.mulf %unpack3A_608, %unpack3A_610 : vector<16xf32>
      %add3A_613 = arith.addf %add3A_597, %mul3A_612 : vector<16xf32>
      %mul3A_614 = arith.mulf %unpack3A_609, %unpack3A_611 : vector<16xf32>
      %add3A_615 = arith.addf %add3A_613, %mul3A_614 : vector<16xf32>
      %add3A_616 = arith.constant 22 : i32
      %add3A_617 = vector.broadcast %add3A_616 : i32 to vector<16xi32>
      %add3A_618 = arith.addi %shift_left3A_209, %add3A_617 : vector<16xi32>
      %gather3A_619 = tpu.vector_load_idx %arg12[%add3A_202, %add3A_618] : memref<256x128xi32, #tpu.memory_space<vmem>>[vector<16xi32>, vector<16xi32>], vector<16xi32>,
      %add3A_620 = arith.constant 22 : i32
      %add3A_621 = vector.broadcast %add3A_620 : i32 to vector<16xi32>
      %add3A_622 = arith.addi %shift_left3A_220, %add3A_621 : vector<16xi32>
      %gather3A_623 = tpu.vector_load_idx %arg13[%add3A_202, %add3A_622] : memref<256x128xi32, #tpu.memory_space<vmem>>[vector<16xi32>, vector<16xi32>], vector<16xi32>,
      %bitcast3A_624 = vector.bitcast %gather3A_619 : vector<16xi32> to vector<32xbf16>
      %bitcast3A_625 = vector.bitcast %gather3A_623 : vector<16xi32> to vector<32xbf16>
      %unpack3A_626 = tpu.unpack_subelements %bitcast3A_624, 0 {pack_format = #tpu.pack_format<interleaved>} : vector<32xbf16> -> vector<16xf32>
      %unpack3A_627 = tpu.unpack_subelements %bitcast3A_624, 1 {pack_format = #tpu.pack_format<interleaved>} : vector<32xbf16> -> vector<16xf32>
      %unpack3A_628 = tpu.unpack_subelements %bitcast3A_625, 0 {pack_format = #tpu.pack_format<interleaved>} : vector<32xbf16> -> vector<16xf32>
      %unpack3A_629 = tpu.unpack_subelements %bitcast3A_625, 1 {pack_format = #tpu.pack_format<interleaved>} : vector<32xbf16> -> vector<16xf32>
      %mul3A_630 = arith.mulf %unpack3A_626, %unpack3A_628 : vector<16xf32>
      %add3A_631 = arith.addf %add3A_615, %mul3A_630 : vector<16xf32>
      %mul3A_632 = arith.mulf %unpack3A_627, %unpack3A_629 : vector<16xf32>
      %add3A_633 = arith.addf %add3A_631, %mul3A_632 : vector<16xf32>
      %add3A_634 = arith.constant 23 : i32
      %add3A_635 = vector.broadcast %add3A_634 : i32 to vector<16xi32>
      %add3A_636 = arith.addi %shift_left3A_209, %add3A_635 : vector<16xi32>
      %gather3A_637 = tpu.vector_load_idx %arg12[%add3A_202, %add3A_636] : memref<256x128xi32, #tpu.memory_space<vmem>>[vector<16xi32>, vector<16xi32>], vector<16xi32>,
      %add3A_638 = arith.constant 23 : i32
      %add3A_639 = vector.broadcast %add3A_638 : i32 to vector<16xi32>
      %add3A_640 = arith.addi %shift_left3A_220, %add3A_639 : vector<16xi32>
      %gather3A_641 = tpu.vector_load_idx %arg13[%add3A_202, %add3A_640] : memref<256x128xi32, #tpu.memory_space<vmem>>[vector<16xi32>, vector<16xi32>], vector<16xi32>,
      %bitcast3A_642 = vector.bitcast %gather3A_637 : vector<16xi32> to vector<32xbf16>
      %bitcast3A_643 = vector.bitcast %gather3A_641 : vector<16xi32> to vector<32xbf16>
      %unpack3A_644 = tpu.unpack_subelements %bitcast3A_642, 0 {pack_format = #tpu.pack_format<interleaved>} : vector<32xbf16> -> vector<16xf32>
      %unpack3A_645 = tpu.unpack_subelements %bitcast3A_642, 1 {pack_format = #tpu.pack_format<interleaved>} : vector<32xbf16> -> vector<16xf32>
      %unpack3A_646 = tpu.unpack_subelements %bitcast3A_643, 0 {pack_format = #tpu.pack_format<interleaved>} : vector<32xbf16> -> vector<16xf32>
      %unpack3A_647 = tpu.unpack_subelements %bitcast3A_643, 1 {pack_format = #tpu.pack_format<interleaved>} : vector<32xbf16> -> vector<16xf32>
      %mul3A_648 = arith.mulf %unpack3A_644, %unpack3A_646 : vector<16xf32>
      %add3A_649 = arith.addf %add3A_633, %mul3A_648 : vector<16xf32>
      %mul3A_650 = arith.mulf %unpack3A_645, %unpack3A_647 : vector<16xf32>
      %add3A_651 = arith.addf %add3A_649, %mul3A_650 : vector<16xf32>
      %add3A_652 = arith.constant 24 : i32
      %add3A_653 = vector.broadcast %add3A_652 : i32 to vector<16xi32>
      %add3A_654 = arith.addi %shift_left3A_209, %add3A_653 : vector<16xi32>
      %gather3A_655 = tpu.vector_load_idx %arg12[%add3A_202, %add3A_654] : memref<256x128xi32, #tpu.memory_space<vmem>>[vector<16xi32>, vector<16xi32>], vector<16xi32>,
      %add3A_656 = arith.constant 24 : i32
      %add3A_657 = vector.broadcast %add3A_656 : i32 to vector<16xi32>
      %add3A_658 = arith.addi %shift_left3A_220, %add3A_657 : vector<16xi32>
      %gather3A_659 = tpu.vector_load_idx %arg13[%add3A_202, %add3A_658] : memref<256x128xi32, #tpu.memory_space<vmem>>[vector<16xi32>, vector<16xi32>], vector<16xi32>,
      %bitcast3A_660 = vector.bitcast %gather3A_655 : vector<16xi32> to vector<32xbf16>
      %bitcast3A_661 = vector.bitcast %gather3A_659 : vector<16xi32> to vector<32xbf16>
      %unpack3A_662 = tpu.unpack_subelements %bitcast3A_660, 0 {pack_format = #tpu.pack_format<interleaved>} : vector<32xbf16> -> vector<16xf32>
      %unpack3A_663 = tpu.unpack_subelements %bitcast3A_660, 1 {pack_format = #tpu.pack_format<interleaved>} : vector<32xbf16> -> vector<16xf32>
      %unpack3A_664 = tpu.unpack_subelements %bitcast3A_661, 0 {pack_format = #tpu.pack_format<interleaved>} : vector<32xbf16> -> vector<16xf32>
      %unpack3A_665 = tpu.unpack_subelements %bitcast3A_661, 1 {pack_format = #tpu.pack_format<interleaved>} : vector<32xbf16> -> vector<16xf32>
      %mul3A_666 = arith.mulf %unpack3A_662, %unpack3A_664 : vector<16xf32>
      %add3A_667 = arith.addf %add3A_651, %mul3A_666 : vector<16xf32>
      %mul3A_668 = arith.mulf %unpack3A_663, %unpack3A_665 : vector<16xf32>
      %add3A_669 = arith.addf %add3A_667, %mul3A_668 : vector<16xf32>
      %add3A_670 = arith.constant 25 : i32
      %add3A_671 = vector.broadcast %add3A_670 : i32 to vector<16xi32>
      %add3A_672 = arith.addi %shift_left3A_209, %add3A_671 : vector<16xi32>
      %gather3A_673 = tpu.vector_load_idx %arg12[%add3A_202, %add3A_672] : memref<256x128xi32, #tpu.memory_space<vmem>>[vector<16xi32>, vector<16xi32>], vector<16xi32>,
      %add3A_674 = arith.constant 25 : i32
      %add3A_675 = vector.broadcast %add3A_674 : i32 to vector<16xi32>
      %add3A_676 = arith.addi %shift_left3A_220, %add3A_675 : vector<16xi32>
      %gather3A_677 = tpu.vector_load_idx %arg13[%add3A_202, %add3A_676] : memref<256x128xi32, #tpu.memory_space<vmem>>[vector<16xi32>, vector<16xi32>], vector<16xi32>,
      %bitcast3A_678 = vector.bitcast %gather3A_673 : vector<16xi32> to vector<32xbf16>
      %bitcast3A_679 = vector.bitcast %gather3A_677 : vector<16xi32> to vector<32xbf16>
      %unpack3A_680 = tpu.unpack_subelements %bitcast3A_678, 0 {pack_format = #tpu.pack_format<interleaved>} : vector<32xbf16> -> vector<16xf32>
      %unpack3A_681 = tpu.unpack_subelements %bitcast3A_678, 1 {pack_format = #tpu.pack_format<interleaved>} : vector<32xbf16> -> vector<16xf32>
      %unpack3A_682 = tpu.unpack_subelements %bitcast3A_679, 0 {pack_format = #tpu.pack_format<interleaved>} : vector<32xbf16> -> vector<16xf32>
      %unpack3A_683 = tpu.unpack_subelements %bitcast3A_679, 1 {pack_format = #tpu.pack_format<interleaved>} : vector<32xbf16> -> vector<16xf32>
      %mul3A_684 = arith.mulf %unpack3A_680, %unpack3A_682 : vector<16xf32>
      %add3A_685 = arith.addf %add3A_669, %mul3A_684 : vector<16xf32>
      %mul3A_686 = arith.mulf %unpack3A_681, %unpack3A_683 : vector<16xf32>
      %add3A_687 = arith.addf %add3A_685, %mul3A_686 : vector<16xf32>
      %add3A_688 = arith.constant 26 : i32
      %add3A_689 = vector.broadcast %add3A_688 : i32 to vector<16xi32>
      %add3A_690 = arith.addi %shift_left3A_209, %add3A_689 : vector<16xi32>
      %gather3A_691 = tpu.vector_load_idx %arg12[%add3A_202, %add3A_690] : memref<256x128xi32, #tpu.memory_space<vmem>>[vector<16xi32>, vector<16xi32>], vector<16xi32>,
      %add3A_692 = arith.constant 26 : i32
      %add3A_693 = vector.broadcast %add3A_692 : i32 to vector<16xi32>
      %add3A_694 = arith.addi %shift_left3A_220, %add3A_693 : vector<16xi32>
      %gather3A_695 = tpu.vector_load_idx %arg13[%add3A_202, %add3A_694] : memref<256x128xi32, #tpu.memory_space<vmem>>[vector<16xi32>, vector<16xi32>], vector<16xi32>,
      %bitcast3A_696 = vector.bitcast %gather3A_691 : vector<16xi32> to vector<32xbf16>
      %bitcast3A_697 = vector.bitcast %gather3A_695 : vector<16xi32> to vector<32xbf16>
      %unpack3A_698 = tpu.unpack_subelements %bitcast3A_696, 0 {pack_format = #tpu.pack_format<interleaved>} : vector<32xbf16> -> vector<16xf32>
      %unpack3A_699 = tpu.unpack_subelements %bitcast3A_696, 1 {pack_format = #tpu.pack_format<interleaved>} : vector<32xbf16> -> vector<16xf32>
      %unpack3A_700 = tpu.unpack_subelements %bitcast3A_697, 0 {pack_format = #tpu.pack_format<interleaved>} : vector<32xbf16> -> vector<16xf32>
      %unpack3A_701 = tpu.unpack_subelements %bitcast3A_697, 1 {pack_format = #tpu.pack_format<interleaved>} : vector<32xbf16> -> vector<16xf32>
      %mul3A_702 = arith.mulf %unpack3A_698, %unpack3A_700 : vector<16xf32>
      %add3A_703 = arith.addf %add3A_687, %mul3A_702 : vector<16xf32>
      %mul3A_704 = arith.mulf %unpack3A_699, %unpack3A_701 : vector<16xf32>
      %add3A_705 = arith.addf %add3A_703, %mul3A_704 : vector<16xf32>
      %add3A_706 = arith.constant 27 : i32
      %add3A_707 = vector.broadcast %add3A_706 : i32 to vector<16xi32>
      %add3A_708 = arith.addi %shift_left3A_209, %add3A_707 : vector<16xi32>
      %gather3A_709 = tpu.vector_load_idx %arg12[%add3A_202, %add3A_708] : memref<256x128xi32, #tpu.memory_space<vmem>>[vector<16xi32>, vector<16xi32>], vector<16xi32>,
      %add3A_710 = arith.constant 27 : i32
      %add3A_711 = vector.broadcast %add3A_710 : i32 to vector<16xi32>
      %add3A_712 = arith.addi %shift_left3A_220, %add3A_711 : vector<16xi32>
      %gather3A_713 = tpu.vector_load_idx %arg13[%add3A_202, %add3A_712] : memref<256x128xi32, #tpu.memory_space<vmem>>[vector<16xi32>, vector<16xi32>], vector<16xi32>,
      %bitcast3A_714 = vector.bitcast %gather3A_709 : vector<16xi32> to vector<32xbf16>
      %bitcast3A_715 = vector.bitcast %gather3A_713 : vector<16xi32> to vector<32xbf16>
      %unpack3A_716 = tpu.unpack_subelements %bitcast3A_714, 0 {pack_format = #tpu.pack_format<interleaved>} : vector<32xbf16> -> vector<16xf32>
      %unpack3A_717 = tpu.unpack_subelements %bitcast3A_714, 1 {pack_format = #tpu.pack_format<interleaved>} : vector<32xbf16> -> vector<16xf32>
      %unpack3A_718 = tpu.unpack_subelements %bitcast3A_715, 0 {pack_format = #tpu.pack_format<interleaved>} : vector<32xbf16> -> vector<16xf32>
      %unpack3A_719 = tpu.unpack_subelements %bitcast3A_715, 1 {pack_format = #tpu.pack_format<interleaved>} : vector<32xbf16> -> vector<16xf32>
      %mul3A_720 = arith.mulf %unpack3A_716, %unpack3A_718 : vector<16xf32>
      %add3A_721 = arith.addf %add3A_705, %mul3A_720 : vector<16xf32>
      %mul3A_722 = arith.mulf %unpack3A_717, %unpack3A_719 : vector<16xf32>
      %add3A_723 = arith.addf %add3A_721, %mul3A_722 : vector<16xf32>
      %add3A_724 = arith.constant 28 : i32
      %add3A_725 = vector.broadcast %add3A_724 : i32 to vector<16xi32>
      %add3A_726 = arith.addi %shift_left3A_209, %add3A_725 : vector<16xi32>
      %gather3A_727 = tpu.vector_load_idx %arg12[%add3A_202, %add3A_726] : memref<256x128xi32, #tpu.memory_space<vmem>>[vector<16xi32>, vector<16xi32>], vector<16xi32>,
      %add3A_728 = arith.constant 28 : i32
      %add3A_729 = vector.broadcast %add3A_728 : i32 to vector<16xi32>
      %add3A_730 = arith.addi %shift_left3A_220, %add3A_729 : vector<16xi32>
      %gather3A_731 = tpu.vector_load_idx %arg13[%add3A_202, %add3A_730] : memref<256x128xi32, #tpu.memory_space<vmem>>[vector<16xi32>, vector<16xi32>], vector<16xi32>,
      %bitcast3A_732 = vector.bitcast %gather3A_727 : vector<16xi32> to vector<32xbf16>
      %bitcast3A_733 = vector.bitcast %gather3A_731 : vector<16xi32> to vector<32xbf16>
      %unpack3A_734 = tpu.unpack_subelements %bitcast3A_732, 0 {pack_format = #tpu.pack_format<interleaved>} : vector<32xbf16> -> vector<16xf32>
      %unpack3A_735 = tpu.unpack_subelements %bitcast3A_732, 1 {pack_format = #tpu.pack_format<interleaved>} : vector<32xbf16> -> vector<16xf32>
      %unpack3A_736 = tpu.unpack_subelements %bitcast3A_733, 0 {pack_format = #tpu.pack_format<interleaved>} : vector<32xbf16> -> vector<16xf32>
      %unpack3A_737 = tpu.unpack_subelements %bitcast3A_733, 1 {pack_format = #tpu.pack_format<interleaved>} : vector<32xbf16> -> vector<16xf32>
      %mul3A_738 = arith.mulf %unpack3A_734, %unpack3A_736 : vector<16xf32>
      %add3A_739 = arith.addf %add3A_723, %mul3A_738 : vector<16xf32>
      %mul3A_740 = arith.mulf %unpack3A_735, %unpack3A_737 : vector<16xf32>
      %add3A_741 = arith.addf %add3A_739, %mul3A_740 : vector<16xf32>
      %add3A_742 = arith.constant 29 : i32
      %add3A_743 = vector.broadcast %add3A_742 : i32 to vector<16xi32>
      %add3A_744 = arith.addi %shift_left3A_209, %add3A_743 : vector<16xi32>
      %gather3A_745 = tpu.vector_load_idx %arg12[%add3A_202, %add3A_744] : memref<256x128xi32, #tpu.memory_space<vmem>>[vector<16xi32>, vector<16xi32>], vector<16xi32>,
      %add3A_746 = arith.constant 29 : i32
      %add3A_747 = vector.broadcast %add3A_746 : i32 to vector<16xi32>
      %add3A_748 = arith.addi %shift_left3A_220, %add3A_747 : vector<16xi32>
      %gather3A_749 = tpu.vector_load_idx %arg13[%add3A_202, %add3A_748] : memref<256x128xi32, #tpu.memory_space<vmem>>[vector<16xi32>, vector<16xi32>], vector<16xi32>,
      %bitcast3A_750 = vector.bitcast %gather3A_745 : vector<16xi32> to vector<32xbf16>
      %bitcast3A_751 = vector.bitcast %gather3A_749 : vector<16xi32> to vector<32xbf16>
      %unpack3A_752 = tpu.unpack_subelements %bitcast3A_750, 0 {pack_format = #tpu.pack_format<interleaved>} : vector<32xbf16> -> vector<16xf32>
      %unpack3A_753 = tpu.unpack_subelements %bitcast3A_750, 1 {pack_format = #tpu.pack_format<interleaved>} : vector<32xbf16> -> vector<16xf32>
      %unpack3A_754 = tpu.unpack_subelements %bitcast3A_751, 0 {pack_format = #tpu.pack_format<interleaved>} : vector<32xbf16> -> vector<16xf32>
      %unpack3A_755 = tpu.unpack_subelements %bitcast3A_751, 1 {pack_format = #tpu.pack_format<interleaved>} : vector<32xbf16> -> vector<16xf32>
      %mul3A_756 = arith.mulf %unpack3A_752, %unpack3A_754 : vector<16xf32>
      %add3A_757 = arith.addf %add3A_741, %mul3A_756 : vector<16xf32>
      %mul3A_758 = arith.mulf %unpack3A_753, %unpack3A_755 : vector<16xf32>
      %add3A_759 = arith.addf %add3A_757, %mul3A_758 : vector<16xf32>
      %add3A_760 = arith.constant 30 : i32
      %add3A_761 = vector.broadcast %add3A_760 : i32 to vector<16xi32>
      %add3A_762 = arith.addi %shift_left3A_209, %add3A_761 : vector<16xi32>
      %gather3A_763 = tpu.vector_load_idx %arg12[%add3A_202, %add3A_762] : memref<256x128xi32, #tpu.memory_space<vmem>>[vector<16xi32>, vector<16xi32>], vector<16xi32>,
      %add3A_764 = arith.constant 30 : i32
      %add3A_765 = vector.broadcast %add3A_764 : i32 to vector<16xi32>
      %add3A_766 = arith.addi %shift_left3A_220, %add3A_765 : vector<16xi32>
      %gather3A_767 = tpu.vector_load_idx %arg13[%add3A_202, %add3A_766] : memref<256x128xi32, #tpu.memory_space<vmem>>[vector<16xi32>, vector<16xi32>], vector<16xi32>,
      %bitcast3A_768 = vector.bitcast %gather3A_763 : vector<16xi32> to vector<32xbf16>
      %bitcast3A_769 = vector.bitcast %gather3A_767 : vector<16xi32> to vector<32xbf16>
      %unpack3A_770 = tpu.unpack_subelements %bitcast3A_768, 0 {pack_format = #tpu.pack_format<interleaved>} : vector<32xbf16> -> vector<16xf32>
      %unpack3A_771 = tpu.unpack_subelements %bitcast3A_768, 1 {pack_format = #tpu.pack_format<interleaved>} : vector<32xbf16> -> vector<16xf32>
      %unpack3A_772 = tpu.unpack_subelements %bitcast3A_769, 0 {pack_format = #tpu.pack_format<interleaved>} : vector<32xbf16> -> vector<16xf32>
      %unpack3A_773 = tpu.unpack_subelements %bitcast3A_769, 1 {pack_format = #tpu.pack_format<interleaved>} : vector<32xbf16> -> vector<16xf32>
      %mul3A_774 = arith.mulf %unpack3A_770, %unpack3A_772 : vector<16xf32>
      %add3A_775 = arith.addf %add3A_759, %mul3A_774 : vector<16xf32>
      %mul3A_776 = arith.mulf %unpack3A_771, %unpack3A_773 : vector<16xf32>
      %add3A_777 = arith.addf %add3A_775, %mul3A_776 : vector<16xf32>
      %add3A_778 = arith.constant 31 : i32
      %add3A_779 = vector.broadcast %add3A_778 : i32 to vector<16xi32>
      %add3A_780 = arith.addi %shift_left3A_209, %add3A_779 : vector<16xi32>
      %gather3A_781 = tpu.vector_load_idx %arg12[%add3A_202, %add3A_780] : memref<256x128xi32, #tpu.memory_space<vmem>>[vector<16xi32>, vector<16xi32>], vector<16xi32>,
      %add3A_782 = arith.constant 31 : i32
      %add3A_783 = vector.broadcast %add3A_782 : i32 to vector<16xi32>
      %add3A_784 = arith.addi %shift_left3A_220, %add3A_783 : vector<16xi32>
      %gather3A_785 = tpu.vector_load_idx %arg13[%add3A_202, %add3A_784] : memref<256x128xi32, #tpu.memory_space<vmem>>[vector<16xi32>, vector<16xi32>], vector<16xi32>,
      %bitcast3A_786 = vector.bitcast %gather3A_781 : vector<16xi32> to vector<32xbf16>
      %bitcast3A_787 = vector.bitcast %gather3A_785 : vector<16xi32> to vector<32xbf16>
      %unpack3A_788 = tpu.unpack_subelements %bitcast3A_786, 0 {pack_format = #tpu.pack_format<interleaved>} : vector<32xbf16> -> vector<16xf32>
      %unpack3A_789 = tpu.unpack_subelements %bitcast3A_786, 1 {pack_format = #tpu.pack_format<interleaved>} : vector<32xbf16> -> vector<16xf32>
      %unpack3A_790 = tpu.unpack_subelements %bitcast3A_787, 0 {pack_format = #tpu.pack_format<interleaved>} : vector<32xbf16> -> vector<16xf32>
      %unpack3A_791 = tpu.unpack_subelements %bitcast3A_787, 1 {pack_format = #tpu.pack_format<interleaved>} : vector<32xbf16> -> vector<16xf32>
      %mul3A_792 = arith.mulf %unpack3A_788, %unpack3A_790 : vector<16xf32>
      %add3A_793 = arith.addf %add3A_777, %mul3A_792 : vector<16xf32>
      %mul3A_794 = arith.mulf %unpack3A_789, %unpack3A_791 : vector<16xf32>
      %add3A_795 = arith.addf %add3A_793, %mul3A_794 : vector<16xf32>
      %swap3A = arith.index_cast %add3A_198 : i32 to index
      %swap3A_796 = tpu.vector_load %arg15[%swap3A] {strides = array<i32>} : memref<512xf32, #tpu.memory_space<vmem>>, vector<16xf32>,
      tpu.vector_store %arg15[%swap3A], %add3A_795 {strides = array<i32>} : memref<512xf32, #tpu.memory_space<vmem>>, vector<16xf32>,
    }
    %scan3A_193 = arith.constant 16 : i32
    "tpu.region"() ({
      %run_scoped3A = tpu.sem_alloc : memref<!tpu.dma_semaphore, #tpu.memory_space<semaphore_mem>>
      %dma_start3A_194 = tpu.memref_slice %arg7[%mul3A_2] : memref<16384xf32, #tpu.memory_space<hbm>> -> memref<512xf32, #tpu.memory_space<hbm>>
      %dma_start3A_195 = tpu.memref_slice %arg7[%mul3A_2] : memref<16384xf32, #tpu.memory_space<hbm>> -> memref<512xf32, #tpu.memory_space<hbm>>
      tpu.enqueue_dma source(%arg15 : memref<512xf32, #tpu.memory_space<vmem>>) target(%dma_start3A_195 : memref<512xf32, #tpu.memory_space<hbm>>) target_semaphore(%run_scoped3A : memref<!tpu.dma_semaphore, #tpu.memory_space<semaphore_mem>>)
      %dma_wait3A_196 = tpu.memref_slice %arg7[%mul3A_2] : memref<16384xf32, #tpu.memory_space<hbm>> -> memref<512xf32, #tpu.memory_space<hbm>>
      %dma_wait3A_197 = tpu.memref_slice %arg7[%mul3A_2] : memref<16384xf32, #tpu.memory_space<hbm>> -> memref<512xf32, #tpu.memory_space<hbm>>
      tpu.wait_dma2 semaphore(%run_scoped3A : memref<!tpu.dma_semaphore, #tpu.memory_space<semaphore_mem>>) src(%arg15 : memref<512xf32, #tpu.memory_space<vmem>>) dst(%dma_wait3A_197 : memref<512xf32, #tpu.memory_space<hbm>>)
      tpu.yield
    }) : () -> ()
    return
  }
}

module attributes {stable_mosaic.version = 14 : i64} {
  func.func @_tc_pack_body(%arg0: i32, %arg1: memref<64x4096xf32, #tpu.memory_space<vmem>>, %arg2: memref<1024x128xi32, #tpu.memory_space<vmem>>) attributes {dimension_semantics = [#tpu.dimension_semantics<arbitrary>], iteration_bounds = array<i64: 245>, scalar_prefetch = 0 : i64, scratch_operands = 0 : i64, tpu.core_type = #tpu.core_type<tc>, window_params = [{transform_indices = @transform_0, window_bounds = array<i64: 64, 4096>}, {transform_indices = @transform_1, window_bounds = array<i64: 1024, 128>}]} {
    %get3A = arith.constant 0 : index
    %get3A_0 = arith.constant 0 : index
    %get3A_1 = vector.load %arg1[%get3A, %get3A_0] : memref<64x4096xf32, #tpu.memory_space<vmem>>, vector<64x4096xf32>
    %slice3A = vector.extract_strided_slice %get3A_1 {offsets = [0, 0], sizes = [32, 4096], strides = [1, 1]} : vector<64x4096xf32> to vector<32x4096xf32>
    %bitcast_convert_type3A = tpu.bitcast %slice3A : vector<32x4096xf32> -> vector<32x4096xi32>
    %slice3A_2 = vector.extract_strided_slice %get3A_1 {offsets = [32, 0], sizes = [32, 4096], strides = [1, 1]} : vector<64x4096xf32> to vector<32x4096xf32>
    %bitcast_convert_type3A_3 = tpu.bitcast %slice3A_2 : vector<32x4096xf32> -> vector<32x4096xi32>
    %add3A = arith.constant 32768 : i32
    %add3A_4 = vector.broadcast %add3A : i32 to vector<32x4096xi32>
    %add3A_5 = arith.addi %bitcast_convert_type3A, %add3A_4 : vector<32x4096xi32>
    %shift_right_logical3A = arith.constant 16 : i32
    %shift_right_logical3A_6 = vector.broadcast %shift_right_logical3A : i32 to vector<32x4096xi32>
    %shift_right_logical3A_7 = arith.shrui %add3A_5, %shift_right_logical3A_6 : vector<32x4096xi32>
    %add3A_8 = arith.constant 32768 : i32
    %add3A_9 = vector.broadcast %add3A_8 : i32 to vector<32x4096xi32>
    %add3A_10 = arith.addi %bitcast_convert_type3A_3, %add3A_9 : vector<32x4096xi32>
    %and3A = arith.constant -65536 : i32
    %and3A_11 = vector.broadcast %and3A : i32 to vector<32x4096xi32>
    %and3A_12 = arith.andi %add3A_10, %and3A_11 : vector<32x4096xi32>
    %or3A = arith.ori %shift_right_logical3A_7, %and3A_12 : vector<32x4096xi32>
    %slice3A_13 = vector.extract_strided_slice %or3A {offsets = [0, 0], sizes = [32, 1024], strides = [1, 1]} : vector<32x4096xi32> to vector<32x1024xi32>
    %transpose3A = tpu.transpose %slice3A_13, [1, 0] : vector<32x1024xi32> -> vector<1024x32xi32>
    %slice3A_14 = vector.extract_strided_slice %or3A {offsets = [0, 1024], sizes = [32, 1024], strides = [1, 1]} : vector<32x4096xi32> to vector<32x1024xi32>
    %transpose3A_15 = tpu.transpose %slice3A_14, [1, 0] : vector<32x1024xi32> -> vector<1024x32xi32>
    %slice3A_16 = vector.extract_strided_slice %or3A {offsets = [0, 2048], sizes = [32, 1024], strides = [1, 1]} : vector<32x4096xi32> to vector<32x1024xi32>
    %transpose3A_17 = tpu.transpose %slice3A_16, [1, 0] : vector<32x1024xi32> -> vector<1024x32xi32>
    %slice3A_18 = vector.extract_strided_slice %or3A {offsets = [0, 3072], sizes = [32, 1024], strides = [1, 1]} : vector<32x4096xi32> to vector<32x1024xi32>
    %transpose3A_19 = tpu.transpose %slice3A_18, [1, 0] : vector<32x1024xi32> -> vector<1024x32xi32>
    %concatenate3A = tpu.concatenate %transpose3A, %transpose3A_15, %transpose3A_17, %transpose3A_19 in 1 : vector<1024x32xi32>, vector<1024x32xi32>, vector<1024x32xi32>, vector<1024x32xi32> -> vector<1024x128xi32>
    %bitcast_convert_type3A_20 = tpu.bitcast %concatenate3A : vector<1024x128xi32> -> vector<1024x128xi32>
    %swap3A = arith.constant 0 : index
    %swap3A_21 = arith.constant 0 : index
    %swap3A_22 = vector.load %arg2[%swap3A, %swap3A_21] : memref<1024x128xi32, #tpu.memory_space<vmem>>, vector<1024x128xi32>
    tpu.vector_store %arg2[%swap3A, %swap3A_21], %bitcast_convert_type3A_20 {strides = array<i32>} : memref<1024x128xi32, #tpu.memory_space<vmem>>, vector<1024x128xi32>,
    return
  }
  func.func @transform_0(%arg0: i32) -> (i32, i32) {
    %c0_i32 = arith.constant 0 : i32
    %c0_i32_0 = arith.constant 0 : i32
    return %c0_i32, %arg0 : i32, i32
  }
  func.func @transform_1(%arg0: i32) -> (i32, i32) {
    %c0_i32 = arith.constant 0 : i32
    %c0_i32_0 = arith.constant 0 : i32
    return %arg0, %c0_i32 : i32, i32
  }
}

</mosaic_0001>

<sc_bundles>
// kernel: kernel.5.cloned.1.call-start
scs
__scs_entry_jumppad:
0x0: {  	(pc) =	sbr.rel $0x88, $3  }
0x1: {  	(tag) =	ssettag $0x0;
	lr =	simm.s32 $0x1  }
0x2: {  	[smem:$0x3F9C] =	sst lr;
	_ =	strace $0xD0000000  }
0x3: {  	_ = 	snop  }
0x4: {  	_ = 	snop  }
0x5: {  	_ = 	snop  }
0x6: {  	_ = 	snop  }
0x7: {  	_ = 	snop  }
__scs_overlays_trampoline_lowered:
0x8: {  	[smem:$0x3FAB] =	sst s0  }
0x9: {  	[smem:$0x3FAC] =	sst s1  }
0xa: {  	[smem:$0x3FAD] =	sst s2  }
0xb: {  	[smem:$0x3FAE] =	sst s3  }
0xc: {  	[smem:$0x3FAF] =	sst s4  }
0xd: {  	[smem:$0x3FB0] =	sst s5  }
0xe: {  	[smem:$0x3FB1] =	sst s6  }
0xf: {  	[smem:$0x3FB2] =	sst s7  }
0x10: {  	[smem:$0x3FB3] =	sst s8  }
0x11: {  	[smem:$0x3FB4] =	sst s9;
	s0 =	simm.s32 @!p0 $0x0  }
0x12: {  	s1 =	sld [smem:$0x3F9A];
	s0 =	simm.s32 @p0 $0x1  }
0x13: {  	[smem:$0x3FB5] =	sst s0;
	s0 =	simm.s32 @!p1 $0x0  }
0x14: {  	s2 =	sld [smem:$0x3F99];
	s0 =	simm.s32 @p1 $0x1  }
0x15: {  	[smem:$0x3FB6] =	sst s0;
	s0 =	simm.s32 @!p2 $0x0  }
0x16: {  	s3 =	sld [smem:$0x3FDB];
	s0 =	simm.s32 @p2 $0x1  }
0x17: {  	s4 =	simm.s32 $0x1BF5;
	[smem:$0x3FB8] =	sst s0  }
0x18: {  	s0 =	sld [smem:$0x3F9B];
	_ =	swait.ge [sflag:s4], $0x0  }
0x19: {  	s7 =	sld [smem:$0x3F9C]  }
0x1a: {  	s8 =	sadd.s32 $0xFFFFE003, lr  }
0x1b: {  	s9 =	sadd.s32 $0xFFFFFEF7, lr;
	s5 =	simm.s32 $0xFFFFFFFF;
	p2 =	slt.u32 s8, $0xFFFFF086  }
0x1c: {  	p1 =	slt.u32 s9, $0xF7A;
	s5 =	simm.s32 @!p2 $0x0  }
0x1d: {  	s5 =	simm.s32 @p1 $0x1;
	p0 =	seq.s32 s7, s2  }
0x1e: {  	s7 =	smul.u32 @!p0 $0xF7A, s2;
	p2 =	seq.s32 @!p0 s5, $0x0  }
0x1f: {  	s9 =	smul.u32 $0xF7A, s1;
	s8 =	simm.s32 @!p0 $0x1BF5;
	p2 =	por !p2, p0  }
0x20: {  	[sflag:s8] =	ssyncset.s32 @!p0 $0xFFFFF086;
	s6 =	sadd.s32 @!p0 s3, s7;
	s7 =	simm.s32 @!p0 $0x108  }
0x21: {  	s3 =	sadd.s32 s3, s9;
	s6 =	sadd.s32 @!p0 $0x88, s6;
	s7 =	simm.s32 @p2 $0x1082  }
0x22: {  	[simem:s7], [sflag:s8] =	dma.local @!p0 [hbm:s6], $0xF7A  }
0x23: {  	s9 =	sor.u32 $0xD0000000, s2;
	s6 =	simm.s32 $0x108;
	_ =	swait.ge @!p0 [sflag:s8], $0x0  }
0x24: {  	s3 =	sadd.s32 $0x88, s3;
	s6 =	simm.s32 @!p1 $0x1082;
	[sflag:s4] =	ssyncset.s32 $0xFFFFF086  }
0x25: {  	[simem:s6], [sflag:s4] =	dma.local [hbm:s3], $0xF7A  }
0x26: {  	[smem:$0x3F9C] =	sst s1;
	(tag) =	ssettag s2;
	_ =	strace s9  }
0x27: {  	s1 =	sld [smem:$0x3FAC]  }
0x28: {  	s2 =	sld [smem:$0x3FAD]  }
0x29: {  	s4 =	sld [smem:$0x3FAF]  }
0x2a: {  	p0 =	seq.s32 s5, $0x0;
	s5 =	sld [smem:$0x3FB0]  }
0x2b: {  	s6 =	sld [smem:$0x3FB1]  }
0x2c: {  	s7 =	sld [smem:$0x3FB2]  }
0x2d: {  	s3 =	simm.s32 $0x108;
	s8 =	sld [smem:$0x3FB3]  }
0x2e: {  	s3 =	simm.s32 @!p0 $0x1082;
	s9 =	sld [smem:$0x3FB4]  }
0x2f: {  	lr =	sadd.s32 s0, s3;
	s0 =	sld [smem:$0x3FAB]  }
0x30: {  	s3 =	sld [smem:$0x3FAE]  }
0x31: {  	[smem:$0x3FB7] =	sst s10  }
0x32: {  	s10 =	sld [smem:$0x3FB5];
	_ =	sdelay $0x3  }
0x33: {  	p0 =	seq.s32 s10, $0x1;
	s10 =	sld [smem:$0x3FB7];
	_ =	sdelay $0x3  }
0x34: {  	[smem:$0x3FB7] =	sst s10  }
0x35: {  	s10 =	sld [smem:$0x3FB6];
	_ =	sdelay $0x3  }
0x36: {  	p1 =	seq.s32 s10, $0x1;
	s10 =	sld [smem:$0x3FB7];
	_ =	sdelay $0x3  }
0x37: {  	[smem:$0x3FB7] =	sst s10  }
0x38: {  	s10 =	sld [smem:$0x3FB8]  }
0x39: {  	_ = 	snop;
	(pc) =	sbr.ind lr, $3  }
0x3a: {  	_ = 	snop  }
0x3b: {  	_ = 	snop  }
0x3c: {  	p2 =	seq.s32 s10, $0x1;
	s10 =	sld [smem:$0x3FB7]  }
0x3d: {  	_ =	shalt  }
0x3e: {  	_ =	shalt  }
0x3f: {  	_ =	shalt  }
0x40: {  	_ =	shalt  }
0x41: {  	_ =	shalt  }
0x42: {  	_ =	shalt  }
0x43: {  	_ =	shalt  }
0x44: {  	_ =	shalt  }
0x45: {  	_ =	shalt  }
0x46: {  	_ =	shalt  }
0x47: {  	_ =	shalt  }
0x48: {  	_ =	shalt  }
0x49: {  	_ =	shalt  }
0x4a: {  	_ =	shalt  }
0x4b: {  	_ =	shalt  }
0x4c: {  	_ =	shalt  }
0x4d: {  	_ =	shalt  }
0x4e: {  	_ =	shalt  }
0x4f: {  	_ =	shalt  }
0x50: {  	_ =	shalt  }
0x51: {  	_ =	shalt  }
0x52: {  	_ =	shalt  }
0x53: {  	_ =	shalt  }
0x54: {  	_ =	shalt  }
0x55: {  	_ =	shalt  }
0x56: {  	_ =	shalt  }
0x57: {  	_ =	shalt  }
0x58: {  	_ =	shalt  }
0x59: {  	_ =	shalt  }
0x5a: {  	_ =	shalt  }
0x5b: {  	_ =	shalt  }
0x5c: {  	_ =	shalt  }
0x5d: {  	_ =	shalt  }
0x5e: {  	_ =	shalt  }
0x5f: {  	_ =	shalt  }
0x60: {  	_ =	shalt  }
0x61: {  	_ =	shalt  }
0x62: {  	_ =	shalt  }
0x63: {  	_ =	shalt  }
0x64: {  	_ =	shalt  }
0x65: {  	_ =	shalt  }
0x66: {  	_ =	shalt  }
0x67: {  	_ =	shalt  }
0x68: {  	_ =	shalt  }
0x69: {  	_ =	shalt  }
0x6a: {  	_ =	shalt  }
0x6b: {  	_ =	shalt  }
0x6c: {  	_ =	shalt  }
0x6d: {  	_ =	shalt  }
0x6e: {  	_ =	shalt  }
0x6f: {  	_ =	shalt  }
0x70: {  	_ =	shalt  }
0x71: {  	_ =	shalt  }
0x72: {  	_ =	shalt  }
0x73: {  	_ =	shalt  }
0x74: {  	_ =	shalt  }
0x75: {  	_ =	shalt  }
0x76: {  	_ =	shalt  }
0x77: {  	_ =	shalt  }
0x78: {  	_ =	shalt  }
0x79: {  	_ =	shalt  }
0x7a: {  	_ =	shalt  }
0x7b: {  	_ =	shalt  }
0x7c: {  	_ =	shalt  }
0x7d: {  	_ =	shalt  }
0x7e: {  	_ =	shalt  }
0x7f: {  	_ =	shalt  }
0x80: {  	_ =	shalt  }
0x81: {  	_ =	shalt  }
0x82: {  	_ =	shalt  }
0x83: {  	_ =	shalt  }
0x84: {  	_ =	shalt  }
0x85: {  	_ =	shalt  }
0x86: {  	_ =	shalt  }
0x87: {  	_ =	shalt  }
.Lfunc_end0:
.L_simem_size_0:
called_computation_lowered:
.L_overlay_start_0:
0x88: {  	s2 =	sld [smem:$0x3FD9]  }
0x89: {  	s3 =	sld [smem:$0x3FFE];
	_ =	sdelay $0x1  }
0x8a: {  	s1 =	srdreg.scid  }
0x8b: {  	s0 =	sand.u32 $0x1, s1  }
0x8c: {  	s17 =	sshll.u32 s0, $0xA;
	s2 =	sadd.s32 s3, s2  }
0x8d: {  	s2 =	sadd.s32 s2, s17  }
0x8e: {  	[smem:$0x3FC3] =	sst s2  }
0x8f: {  	_ = 	snop  }
0x90: {  	s2 =	sld [smem:$0x3FC9]  }
0x91: {  	s18 =	sld [smem:$0x3FC8]  }
0x92: {  	s4 =	sld [smem:$0x3FD0];
	(tm) =	ssettm $0x1  }
0x93: {  	s5 =	sld [smem:$0x3FFB];
	_ =	sdelay $0x3  }
0x94: {  	_ =	strace s5  }
0x95: {  	s5 =	sld [smem:$0x3FFC];
	_ =	sdelay $0x3  }
0x96: {  	_ =	strace s5  }
0x97: {  	s5 =	sld [smem:$0x3FFD];
	_ =	sdelay $0x3  }
0x98: {  	_ =	strace s5  }
0x99: {  	_ =	strace $0x8FFFFFFF  }
0x9a: {  	s19 =	sld [smem:$0x3FDB];
	_ =	sdelay $0x1  }
0x9b: {  	s6 =	simm.s32 $_scs_section_size  }
0x9c: {  	s7 =	simm.s32 $_size__tile_overlayer_lowered;
	s8 =	simm.s32 $_tile_overlayer_lowered  }
0x9d: {  	s22 =	simm.s32 $0x1BFF;
	s21 =	sshll.u32 s8, $0x1;
	s5 =	sadd.s32 s6, s19  }
0x9e: {  	s9 =	simm.s32 $0x0;
	s20 =	sshll.u32 s7, $0x1;
	s7 =	sadd.s32 s21, s5  }
0x9f: {  	[timem:s9], [sflag:s22] =	dma.local [hbm:s7], s20  }
0xa0: {  	_ =	swait.ge [sflag:s22], s20  }
0xa1: {  	s6 =	ssub.s32 $0x0, s20;
	[sflag:s22] =	ssyncset.done $0x0  }
0xa2: {  	[sflag:s22] =	ssyncadd.s32 s6;
	_ =	sdelay $0x1  }
0xa3: {  	s23 =	simm.s32 $0x1B8B  }
0xa4: {  	_ =	swait.ge [sflag:s23], $0x1  }
0xa5: {  	[sflag:s23] =	ssyncset.done $0x0  }
0xa6: {  	s25 =	simm.s32 $0x1B8E;
	s24 =	sld [smem:$0x3FFE];
	[sflag:s23] =	ssyncadd.s32 $0xFFFFFFFF  }
0xa7: {  	s26 =	simm.s32 $execute0_lowered;
	[smem:$0x3FD2] =	sst s25  }
0xa8: {  	s7 =	sshll.u32 s26, $0x1;
	_ =	strace $0x80000046;
	[dreg:$0x1] =	wrdreg $0xFFFFFFFF  }
0xa9: {  	s28 =	simm.s32 $_size_execute0_lowered;
	s5 =	sadd.s32 s5, s7;
	[dreg:$0x0] =	wrdreg $0x0  }
0xaa: {  	s7 =	sshll.u32 s28, $0x1;
	[dreg:$0x2] =	wrdreg s5  }
0xab: {  	[dreg:$0x3] =	wrdreg s7  }
0xac: {  	[dreg:$0x4] =	wrdreg $0xC0  }
0xad: {  	_ =	task [dreg:s9], $0x5FFFF  }
0xae: {  	[dreg:$0x1] =	wrdreg $0xFFFFFFFF  }
0xaf: {  	[dreg:$0x0] =	wrdreg $0x60  }
0xb0: {  	[dreg:$0x2] =	wrdreg s2  }
0xb1: {  	[dreg:$0x3] =	wrdreg s18  }
0xb2: {  	[dreg:$0x4] =	wrdreg s24  }
0xb3: {  	[dreg:$0x5] =	wrdreg s4  }
0xb4: {  	[dreg:$0x6] =	wrdreg $0x9  }
0xb5: {  	_ =	task.clear_ibuf [dreg:s9], $0x7FFFF;
	_ =	strace $0x90000046  }
0xb6: {  	s29 =	simm.s32 $0x9;
	_ =	strace $0x80000048  }
0xb7: {  	_ =	swait.ge [sflag:s29], $0x1  }
0xb8: {  	[sflag:s29] =	ssyncadd.s32 $0xFFFFFFFF  }
0xb9: {  	_ =	strace $0x90000048  }
0xba: {  	_ =	sfence  }
0xbb: {  	s30 =	sld [smem:$0x0];
	_ =	sdelay $0x2  }
0xbc: {  	s31 =	sshll.u32 s1, $0xD;
	s1 =	sshrl.u32 s1, $0x2  }
0xbd: {  	s3 =	sand.u32 $0x4000, s31;
	s1 =	sadd.s32 s1, s30  }
0xbe: {  	s0 =	sor.u32 s3, s0;
	s1 =	sshll.u32 s1, $0x11  }
0xbf: {  	s0 =	sor.u32 s1, s0  }
0xc0: {  	s0 =	sadd.s32 $0x8F2B, s0  }
0xc1: {  	[sflag:s0] =	ssyncadd.remote.s32 $0x1  }
0xc2: {  	_ =	sfence.sel $0xFFFF  }
0xc3: {  	[dreg:$0x0] =	wrdreg $0xFFFFFFFF;
	(pc) =	sbr.abs _section_cstart, $3  }
0xc4: {  	[dreg:$0x1] =	wrdreg $0xFFFFFFFF  }
0xc5: {  	_ =	task.clear_ibuf [dreg:s9], $0x2FFFF;
	_ =	strace $0x9FFFFFFF  }
0xc6: {  	(tm) =	ssettm $0x7FFFFFFF  }
0xc7: {  	_ =	shalt  }
tec
execute0_lowered:
.L_overlay_start_1:
0x0: {  	(tag) =	ssettag $0x1  }
0x1: {  	s0 =	rddreg [dreg:$0x0]  }
0x2: {  	s2 =	rddreg [dreg:$0x1]  }
0x3: {  	s5 =	rddreg [dreg:$0x2]  }
0x4: {  	s8 =	rddreg [dreg:$0x3]  }
0x5: {  	s1 =	simm.s32 $0x0;
	s6 =	srdreg.scid;
	s9 =	stileid.u32  }
0x6: {  	s11 =	simm.s32 $0x200;
	s12 =	simm.s32 $0x80;
	s20 =	simm.s32 $0x1  }
0x7: {  	s22 =	simm.s32 $0x800;
	s23 =	simm.s32 $0x600;
	s24 =	simm.s32 $0x8800  }
0x8: {  	s25 =	simm.s32 $0x480;
	s26 =	simm.s32 $0x4800;
	s28 =	simm.s32 $0x680  }
0x9: {  	s29 =	simm.s32 $0xC800;
	s30 =	simm.s32 $0x500;
	s31 =	simm.s32 $0x700  }
0xa: {  	s13 =	simm.s32 $0x10A00;
	s14 =	simm.s32 $0x0;
	[smem:$0x7FF] =	sst s1  }
0xb: {  	s3 =	sadd.s32 $0x200, s5;
	s4 =	sadd.s32 $0x3D4200, s5;
	s6 =	sand.u32 $0x1, s6  }
0xc: {  	s9 =	sshll.u32 s9, $0x7;
	s7 =	ssub.s32 $0x2, s6;
	s6 =	sshll.u32 s6, $0x6  }
0xd: {  	s5 =	sadd.s32 $0x7A8200, s5;
	s10 =	sshrl.u32 s7, $0x1;
	s9 =	sor.u32 s6, s9  }
0xe: {  	_ =	strace $0x80000047;
	s10 =	ssub.s32 s7, s10;
	s6 =	sadd.s32 s0, s9  }
0xf: {  	v0 =	vlaneseq.u32;
	s7 =	sadd.s32 s2, s9;
	s8 =	sadd.s32 s8, s9;
	s0 =	simm.s32 $0x580  }
0x10: {  	v0 =	vmul.u32 $0x80, v0;
	s2 =	simm.s32 $0x780;
	s9 =	smax.u32 s10, $0x1;
	s10 =	simm.s32 $0x2  }
.LBB2_1:
0x11: {  	[tilespmem:s1], [sflag:$0x2] =	stream.linear.gather [hbm4b:s6+s1], $0x200, $0x38;
	[tilespmem:$0x10C00] =	vst v63  }
0x12: {  	_ =	swait.ge [sflag:s10], $0x200  }
0x13: {  	[sflag:s10] =	ssyncset.done $0x0  }
0x14: {  	[sflag:s10] =	ssyncadd.s32 $0xFFFFFE00  }
0x15: {  	[tilespmem:s11], [sflag:$0x2] =	stream.linear.gather [hbm4b:s7+s1], $0x200, $0x38;
	[tilespmem:$0x10C00] =	vst v63  }
0x16: {  	_ =	swait.ge [sflag:s10], $0x200  }
0x17: {  	[sflag:s10] =	ssyncset.done $0x0  }
0x18: {  	s15 =	simm.s32 $0x10800;
	[sflag:s10] =	ssyncadd.s32 $0xFFFFFE00  }
0x19: {  	[tilespmem:s15], [sflag:$0x1] =	stream.indirect.gather [hbm4b:s5+s12], $0x1, s11, s12, $0xb8;
	[tilespmem:$0x10C00] =	vst v63  }
0x1a: {  	s21 =	simm.s32 $0x280;
	s16 =	simm.s32 $0x10880  }
0x1b: {  	[tilespmem:s16], [sflag:$0x1] =	stream.indirect.gather [hbm4b:s5+s12], $0x1, s21, s12, $0xb8;
	[tilespmem:$0x10C00] =	vst v63  }
0x1c: {  	s17 =	simm.s32 $0x300;
	s18 =	simm.s32 $0x10900  }
0x1d: {  	[tilespmem:s18], [sflag:$0x1] =	stream.indirect.gather [hbm4b:s5+s12], $0x1, s17, s12, $0xb8;
	[tilespmem:$0x10C00] =	vst v63  }
0x1e: {  	s19 =	simm.s32 $0x380;
	s15 =	simm.s32 $0x0;
	s21 =	simm.s32 $0x10980  }
0x1f: {  	[tilespmem:s21], [sflag:$0x1] =	stream.indirect.gather [hbm4b:s5+s12], $0x1, s19, s12, $0xb8;
	[tilespmem:$0x10C00] =	vst v63  }
0x20: {  	v1 =	vld [tilespmem:s15+$0x200]  }
0x21: {  	v2 =	vld [tilespmem:s15+$0x0];
	_ =	sdelay $0x1  }
0x22: {  	s16 =	simm.s32 $0x40  }
.LBB2_2:
0x23: {  	p0 =	sne.s32 s16, $0x7C0  }
.Ltmp0:
0x24: {  	s17 =	sshra.s32 s16, $0x2;
	s16 =	sadd.s32 $0x40, s16;
	v3 =	vshra.s32 v1, $0x2;
	(pc) =	sbr.rel @p0 .LBB2_2-.Ltmp0, $4  }
0x25: {  	v5 =	vand.u32 $0x3FF, v1;
	v4 =	vshra.s32 v2, $0x2;
	v3 =	vand.u32 $0xFFFFFC00, v3;
	v1 =	vld [tilespmem:s17+$0x200]  }
0x26: {  	v6 =	vand.u32 $0x3FF, v2;
	v4 =	vand.u32 $0xFFFFFC00, v4;
	v2 =	vld [tilespmem:s17+$0x0];
	v3 =	vor.u32 v5, v3  }
0x27: {  	v4 =	vor.u32 v6, v4;
	[tilespmem:s15+$0x600] =	vst v3  }
0x28: {  	[tilespmem:s15+$0x400] =	vst v4;
	s15 =	smov.u32 s17  }
0x29: {  	_ = 	snop  }
0x2a: {  	v3 =	vshra.s32 v1, $0x2  }
0x2b: {  	v1 =	vand.u32 $0x3FF, v1;
	v4 =	vshra.s32 v2, $0x2;
	v3 =	vand.u32 $0xFFFFFC00, v3  }
0x2c: {  	v2 =	vand.u32 $0x3FF, v2;
	v4 =	vand.u32 $0xFFFFFC00, v4;
	v1 =	vor.u32 v1, v3  }
0x2d: {  	v2 =	vor.u32 v2, v4;
	[tilespmem:s15+$0x600] =	vst v1  }
0x2e: {  	[tilespmem:s15+$0x400] =	vst v2  }
0x2f: {  	_ =	swait.ge [sflag:s20], $0x80  }
0x30: {  	[sflag:s20] =	ssyncset.done $0x0  }
0x31: {  	[sflag:s20] =	ssyncadd.s32 $0xFFFFFF80  }
0x32: {  	_ =	swait.ge [sflag:s20], $0x80  }
0x33: {  	[sflag:s20] =	ssyncset.done $0x0  }
0x34: {  	[sflag:s20] =	ssyncadd.s32 $0xFFFFFF80  }
0x35: {  	_ =	swait.ge [sflag:s20], $0x80  }
0x36: {  	[sflag:s20] =	ssyncset.done $0x0  }
0x37: {  	[sflag:s20] =	ssyncadd.s32 $0xFFFFFF80  }
0x38: {  	_ =	swait.ge [sflag:s20], $0x80  }
0x39: {  	[sflag:s20] =	ssyncset.done $0x0  }
0x3a: {  	s19 =	simm.s32 $0x400;
	[sflag:s20] =	ssyncadd.s32 $0xFFFFFF80  }
0x3b: {  	[tilespmem:s22], [sflag:$0x1] =	stream.indirect.gather [hbm4b:s3+s12], $0x80, s19, s12, $0xb8;
	[tilespmem:$0x10C00] =	vst v63  }
0x3c: {  	_ = 	snop  }
0x3d: {  	[tilespmem:s24], [sflag:$0x1] =	stream.indirect.gather [hbm4b:s4+s12], $0x80, s23, s12, $0xb8;
	[tilespmem:$0x10C00] =	vst v63  }
0x3e: {  	_ = 	snop  }
0x3f: {  	[tilespmem:s26], [sflag:$0x1] =	stream.indirect.gather [hbm4b:s3+s12], $0x80, s25, s12, $0xb8;
	[tilespmem:$0x10C00] =	vst v63  }
0x40: {  	_ = 	snop  }
0x41: {  	[tilespmem:s29], [sflag:$0x1] =	stream.indirect.gather [hbm4b:s4+s12], $0x80, s28, s12, $0xb8;
	[tilespmem:$0x10C00] =	vst v63  }
0x42: {  	_ =	swait.ge [sflag:s20], $0x4000  }
0x43: {  	[sflag:s20] =	ssyncset.done $0x0  }
0x44: {  	[sflag:s20] =	ssyncadd.s32 $0xFFFFC000  }
0x45: {  	_ =	swait.ge [sflag:s20], $0x4000  }
0x46: {  	[sflag:s20] =	ssyncset.done $0x0  }
0x47: {  	[sflag:s20] =	ssyncadd.s32 $0xFFFFC000  }
0x48: {  	_ =	swait.ge [sflag:s20], $0x4000  }
0x49: {  	[sflag:s20] =	ssyncset.done $0x0  }
0x4a: {  	[sflag:s20] =	ssyncadd.s32 $0xFFFFC000  }
0x4b: {  	_ =	swait.ge [sflag:s20], $0x4000  }
0x4c: {  	[sflag:s20] =	ssyncset.done $0x0  }
0x4d: {  	s21 =	simm.s32 $0x0;
	[sflag:s20] =	ssyncadd.s32 $0xFFFFC000  }
0x4e: {  	s16 =	simm.s32 $0x200;
	v1 =	vld [tilespmem:s21+$0x0]  }
0x4f: {  	v2 =	vld [tilespmem:s16+$0x0];
	_ =	sdelay $0x2  }
0x50: {  	v3 =	vmov s21  }
0x51: {  	v3 =	vshll.u32 v3, $0x7;
	v1 =	vshrl.u32 v1, $0x5  }
0x52: {  	v3 =	vor.u32 v0, v3;
	v2 =	vshrl.u32 v2, $0x5;
	v1 =	vand.u32 $0x60, v1  }
0x53: {  	v47 =	vand.u32 $0x60, v2;
	v2 =	vor.u32 v3, v1  }
0x54: {  	v1 =	vor.u32 v3, v47;
	_ =	sdelay $0x2  }
0x55: {  	v3 =	vor.u32 $0x1, v2  }
0x56: {  	v5 =	vor.u32 $0x1, v1;
	v48 =	vld.idx.msk [tilespmem:v2+s22+$0x0], $0xffff  }
0x57: {  	v6 =	vld.idx.msk [tilespmem:v1+s24+$0x0], $0xffff  }
0x58: {  	s15 =	simm.s32 $0x10800  }
0x59: {  	v7 =	vld [tilespmem:s15+$0x0];
	v8 =	vor.u32 $0x2, v2  }
0x5a: {  	v9 =	vor.u32 $0x2, v1;
	v3 =	vld.idx.msk [tilespmem:v3+s22+$0x0], $0xffff  }
0x5b: {  	v5 =	vld.idx.msk [tilespmem:v5+s24+$0x0], $0xffff  }
0x5c: {  	v10 =	vunpack.i.l.bf16.f32 v48;
	v11 =	vunpack.i.l.bf16.f32 v6  }
0x5d: {  	v12 =	vor.u32 $0x3, v2;
	v10 =	vmul.f32 v11, v10  }
0x5e: {  	v49 =	vor.u32 $0x3, v1;
	v8 =	vld.idx.msk [tilespmem:v8+s22+$0x0], $0xffff;
	v4 =	vunpack.i.u.bf16.f32 v48;
	v6 =	vunpack.i.u.bf16.f32 v6  }
0x5f: {  	v9 =	vld.idx.msk [tilespmem:v9+s24+$0x0], $0xffff;
	v4 =	vmul.f32 v6, v4;
	v7 =	vadd.f32 v10, v7  }
0x60: {  	v50 =	vunpack.i.l.bf16.f32 v3;
	v51 =	vunpack.i.l.bf16.f32 v5  }
0x61: {  	v13 =	vor.u32 $0x4, v2;
	v6 =	vmul.f32 v51, v50;
	v4 =	vadd.f32 v7, v4  }
0x62: {  	v53 =	vor.u32 $0x4, v1;
	v52 =	vld.idx.msk [tilespmem:v12+s22+$0x0], $0xffff;
	v3 =	vunpack.i.u.bf16.f32 v3;
	v5 =	vunpack.i.u.bf16.f32 v5  }
0x63: {  	v11 =	vld.idx.msk [tilespmem:v49+s24+$0x0], $0xffff;
	v3 =	vmul.f32 v5, v3;
	v4 =	vadd.f32 v6, v4  }
0x64: {  	v54 =	vunpack.i.l.bf16.f32 v8;
	v55 =	vunpack.i.l.bf16.f32 v9  }
0x65: {  	v56 =	vor.u32 $0x5, v2;
	v57 =	vmul.f32 v55, v54;
	v3 =	vadd.f32 v4, v3  }
0x66: {  	v59 =	vor.u32 $0x5, v1;
	v58 =	vld.idx.msk [tilespmem:v13+s22+$0x0], $0xffff;
	v8 =	vunpack.i.u.bf16.f32 v8;
	v9 =	vunpack.i.u.bf16.f32 v9  }
0x67: {  	v60 =	vmul.f32 v9, v8;
	v10 =	vld.idx.msk [tilespmem:v53+s24+$0x0], $0xffff;
	v3 =	vadd.f32 v57, v3  }
0x68: {  	v61 =	vunpack.i.l.bf16.f32 v52;
	v62 =	vunpack.i.l.bf16.f32 v11  }
0x69: {  	v63 =	vor.u32 $0x6, v2;
	v16 =	vmul.f32 v62, v61;
	v3 =	vadd.f32 v3, v60  }
0x6a: {  	v18 =	vor.u32 $0x6, v1;
	v17 =	vld.idx.msk [tilespmem:v56+s22+$0x0], $0xffff;
	v7 =	vunpack.i.u.bf16.f32 v52;
	v11 =	vunpack.i.u.bf16.f32 v11  }
0x6b: {  	v6 =	vld.idx.msk [tilespmem:v59+s24+$0x0], $0xffff;
	v19 =	vmul.f32 v11, v7;
	v3 =	vadd.f32 v16, v3  }
0x6c: {  	v20 =	vunpack.i.l.bf16.f32 v58;
	v21 =	vunpack.i.l.bf16.f32 v10  }
0x6d: {  	v22 =	vor.u32 $0x7, v2;
	v23 =	vmul.f32 v21, v20;
	v3 =	vadd.f32 v3, v19  }
0x6e: {  	v25 =	vor.u32 $0x7, v1;
	v24 =	vld.idx.msk [tilespmem:v63+s22+$0x0], $0xffff;
	v5 =	vunpack.i.u.bf16.f32 v58;
	v10 =	vunpack.i.u.bf16.f32 v10  }
0x6f: {  	v9 =	vld.idx.msk [tilespmem:v18+s24+$0x0], $0xffff;
	v26 =	vmul.f32 v10, v5;
	v3 =	vadd.f32 v23, v3  }
0x70: {  	v27 =	vunpack.i.l.bf16.f32 v17;
	v28 =	vunpack.i.l.bf16.f32 v6  }
0x71: {  	v29 =	vor.u32 $0x8, v2;
	v30 =	vmul.f32 v28, v27;
	v3 =	vadd.f32 v3, v26  }
0x72: {  	v32 =	vor.u32 $0x8, v1;
	v31 =	vld.idx.msk [tilespmem:v22+s22+$0x0], $0xffff;
	v8 =	vunpack.i.u.bf16.f32 v17;
	v6 =	vunpack.i.u.bf16.f32 v6  }
0x73: {  	v11 =	vld.idx.msk [tilespmem:v25+s24+$0x0], $0xffff;
	v33 =	vmul.f32 v6, v8;
	v3 =	vadd.f32 v30, v3  }
0x74: {  	v34 =	vunpack.i.l.bf16.f32 v24;
	v35 =	vunpack.i.l.bf16.f32 v9  }
0x75: {  	v36 =	vor.u32 $0x9, v2;
	v37 =	vmul.f32 v35, v34;
	v3 =	vadd.f32 v3, v33  }
0x76: {  	v39 =	vor.u32 $0x9, v1;
	v38 =	vld.idx.msk [tilespmem:v29+s22+$0x0], $0xffff;
	v7 =	vunpack.i.u.bf16.f32 v24;
	v9 =	vunpack.i.u.bf16.f32 v9  }
0x77: {  	v40 =	vmul.f32 v9, v7;
	v10 =	vld.idx.msk [tilespmem:v32+s24+$0x0], $0xffff;
	v3 =	vadd.f32 v37, v3  }
0x78: {  	v41 =	vunpack.i.l.bf16.f32 v31;
	v42 =	vunpack.i.l.bf16.f32 v11  }
0x79: {  	v43 =	vor.u32 $0xA, v2;
	v44 =	vmul.f32 v42, v41;
	v3 =	vadd.f32 v3, v40  }
0x7a: {  	v46 =	vor.u32 $0xA, v1;
	v45 =	vld.idx.msk [tilespmem:v36+s22+$0x0], $0xffff;
	v5 =	vunpack.i.u.bf16.f32 v31;
	v11 =	vunpack.i.u.bf16.f32 v11  }
0x7b: {  	v8 =	vld.idx.msk [tilespmem:v39+s24+$0x0], $0xffff;
	v47 =	vmul.f32 v11, v5;
	v3 =	vadd.f32 v44, v3  }
0x7c: {  	v48 =	vunpack.i.l.bf16.f32 v38;
	v49 =	vunpack.i.l.bf16.f32 v10  }
0x7d: {  	v50 =	vor.u32 $0xB, v2;
	v51 =	vmul.f32 v49, v48;
	v3 =	vadd.f32 v3, v47  }
0x7e: {  	v53 =	vor.u32 $0xB, v1;
	v52 =	vld.idx.msk [tilespmem:v43+s22+$0x0], $0xffff;
	v6 =	vunpack.i.u.bf16.f32 v38;
	v10 =	vunpack.i.u.bf16.f32 v10  }
0x7f: {  	v9 =	vld.idx.msk [tilespmem:v46+s24+$0x0], $0xffff;
	v54 =	vmul.f32 v10, v6;
	v3 =	vadd.f32 v51, v3  }
0x80: {  	v55 =	vunpack.i.l.bf16.f32 v45;
	v56 =	vunpack.i.l.bf16.f32 v8  }
0x81: {  	v57 =	vor.u32 $0xC, v2;
	v58 =	vmul.f32 v56, v55;
	v3 =	vadd.f32 v3, v54  }
0x82: {  	v59 =	vld.idx.msk [tilespmem:v50+s22+$0x0], $0xffff;
	v7 =	vunpack.i.u.bf16.f32 v45;
	v60 =	vor.u32 $0xC, v1;
	v8 =	vunpack.i.u.bf16.f32 v8  }
0x83: {  	v11 =	vld.idx.msk [tilespmem:v53+s24+$0x0], $0xffff;
	v61 =	vmul.f32 v8, v7;
	v3 =	vadd.f32 v58, v3  }
0x84: {  	v62 =	vunpack.i.l.bf16.f32 v52;
	v63 =	vunpack.i.l.bf16.f32 v9  }
0x85: {  	v17 =	vmul.f32 v63, v62;
	v16 =	vor.u32 $0xD, v2;
	v3 =	vadd.f32 v3, v61  }
0x86: {  	v5 =	vunpack.i.u.bf16.f32 v52;
	v9 =	vunpack.i.u.bf16.f32 v9;
	v18 =	vld.idx.msk [tilespmem:v57+s22+$0x0], $0xffff;
	v19 =	vor.u32 $0xD, v1  }
0x87: {  	v20 =	vmul.f32 v9, v5;
	v10 =	vld.idx.msk [tilespmem:v60+s24+$0x0], $0xffff;
	v3 =	vadd.f32 v17, v3  }
0x88: {  	v21 =	vunpack.i.l.bf16.f32 v59;
	v22 =	vunpack.i.l.bf16.f32 v11  }
0x89: {  	v23 =	vor.u32 $0xE, v2;
	v24 =	vmul.f32 v22, v21;
	v3 =	vadd.f32 v3, v20  }
0x8a: {  	v6 =	vunpack.i.u.bf16.f32 v59;
	v11 =	vunpack.i.u.bf16.f32 v11;
	v25 =	vld.idx.msk [tilespmem:v16+s22+$0x0], $0xffff;
	v26 =	vor.u32 $0xE, v1  }
0x8b: {  	v27 =	vmul.f32 v11, v6;
	v8 =	vld.idx.msk [tilespmem:v19+s24+$0x0], $0xffff;
	v3 =	vadd.f32 v24, v3  }
0x8c: {  	v28 =	vunpack.i.l.bf16.f32 v18;
	v29 =	vunpack.i.l.bf16.f32 v10  }
0x8d: {  	v30 =	vor.u32 $0xF, v2;
	v31 =	vmul.f32 v29, v28;
	v3 =	vadd.f32 v3, v27  }
0x8e: {  	v7 =	vunpack.i.u.bf16.f32 v18;
	v10 =	vunpack.i.u.bf16.f32 v10;
	v32 =	vld.idx.msk [tilespmem:v23+s22+$0x0], $0xffff;
	v33 =	vor.u32 $0xF, v1  }
0x8f: {  	v34 =	vmul.f32 v10, v7;
	v9 =	vld.idx.msk [tilespmem:v26+s24+$0x0], $0xffff;
	v3 =	vadd.f32 v31, v3  }
0x90: {  	v35 =	vunpack.i.l.bf16.f32 v25;
	v36 =	vunpack.i.l.bf16.f32 v8  }
0x91: {  	v37 =	vor.u32 $0x10, v2;
	v38 =	vmul.f32 v36, v35;
	v3 =	vadd.f32 v3, v34  }
0x92: {  	v5 =	vunpack.i.u.bf16.f32 v25;
	v8 =	vunpack.i.u.bf16.f32 v8;
	v39 =	vld.idx.msk [tilespmem:v30+s22+$0x0], $0xffff;
	v40 =	vor.u32 $0x10, v1  }
0x93: {  	v41 =	vmul.f32 v8, v5;
	v11 =	vld.idx.msk [tilespmem:v33+s24+$0x0], $0xffff;
	v3 =	vadd.f32 v38, v3  }
0x94: {  	v42 =	vunpack.i.l.bf16.f32 v32;
	v43 =	vunpack.i.l.bf16.f32 v9  }
0x95: {  	v44 =	vor.u32 $0x11, v2;
	v45 =	vmul.f32 v43, v42;
	v3 =	vadd.f32 v3, v41  }
0x96: {  	v6 =	vunpack.i.u.bf16.f32 v32;
	v9 =	vunpack.i.u.bf16.f32 v9;
	v46 =	vld.idx.msk [tilespmem:v37+s22+$0x0], $0xffff;
	v47 =	vor.u32 $0x11, v1  }
0x97: {  	v48 =	vmul.f32 v9, v6;
	v10 =	vld.idx.msk [tilespmem:v40+s24+$0x0], $0xffff;
	v3 =	vadd.f32 v45, v3  }
0x98: {  	v49 =	vunpack.i.l.bf16.f32 v39;
	v50 =	vunpack.i.l.bf16.f32 v11  }
0x99: {  	v51 =	vor.u32 $0x12, v2;
	v52 =	vmul.f32 v50, v49;
	v3 =	vadd.f32 v3, v48  }
0x9a: {  	v7 =	vunpack.i.u.bf16.f32 v39;
	v11 =	vunpack.i.u.bf16.f32 v11;
	v53 =	vld.idx.msk [tilespmem:v44+s22+$0x0], $0xffff;
	v54 =	vor.u32 $0x12, v1  }
0x9b: {  	v55 =	vmul.f32 v11, v7;
	v8 =	vld.idx.msk [tilespmem:v47+s24+$0x0], $0xffff;
	v3 =	vadd.f32 v52, v3  }
0x9c: {  	v56 =	vunpack.i.l.bf16.f32 v46;
	v57 =	vunpack.i.l.bf16.f32 v10  }
0x9d: {  	v58 =	vor.u32 $0x13, v2;
	v59 =	vmul.f32 v57, v56;
	v3 =	vadd.f32 v3, v55  }
0x9e: {  	v5 =	vunpack.i.u.bf16.f32 v46;
	v10 =	vunpack.i.u.bf16.f32 v10;
	v60 =	vld.idx.msk [tilespmem:v51+s22+$0x0], $0xffff;
	v61 =	vor.u32 $0x13, v1  }
0x9f: {  	v62 =	vmul.f32 v10, v5;
	v9 =	vld.idx.msk [tilespmem:v54+s24+$0x0], $0xffff;
	v3 =	vadd.f32 v59, v3  }
0xa0: {  	v63 =	vunpack.i.l.bf16.f32 v53;
	v16 =	vunpack.i.l.bf16.f32 v8  }
0xa1: {  	v17 =	vor.u32 $0x14, v2;
	v18 =	vmul.f32 v16, v63;
	v3 =	vadd.f32 v3, v62  }
0xa2: {  	v6 =	vunpack.i.u.bf16.f32 v53;
	v8 =	vunpack.i.u.bf16.f32 v8;
	v19 =	vld.idx.msk [tilespmem:v58+s22+$0x0], $0xffff;
	v20 =	vor.u32 $0x14, v1  }
0xa3: {  	v21 =	vmul.f32 v8, v6;
	v11 =	vld.idx.msk [tilespmem:v61+s24+$0x0], $0xffff;
	v3 =	vadd.f32 v18, v3  }
0xa4: {  	v22 =	vunpack.i.l.bf16.f32 v60;
	v23 =	vunpack.i.l.bf16.f32 v9  }
0xa5: {  	v24 =	vor.u32 $0x15, v2;
	v25 =	vmul.f32 v23, v22;
	v3 =	vadd.f32 v3, v21  }
0xa6: {  	v7 =	vunpack.i.u.bf16.f32 v60;
	v9 =	vunpack.i.u.bf16.f32 v9;
	v26 =	vld.idx.msk [tilespmem:v17+s22+$0x0], $0xffff;
	v27 =	vor.u32 $0x15, v1  }
0xa7: {  	v28 =	vmul.f32 v9, v7;
	v10 =	vld.idx.msk [tilespmem:v20+s24+$0x0], $0xffff;
	v3 =	vadd.f32 v25, v3  }
0xa8: {  	v29 =	vunpack.i.l.bf16.f32 v19;
	v30 =	vunpack.i.l.bf16.f32 v11  }
0xa9: {  	v31 =	vor.u32 $0x16, v2;
	v32 =	vmul.f32 v30, v29;
	v3 =	vadd.f32 v3, v28  }
0xaa: {  	v5 =	vunpack.i.u.bf16.f32 v19;
	v11 =	vunpack.i.u.bf16.f32 v11;
	v33 =	vld.idx.msk [tilespmem:v24+s22+$0x0], $0xffff;
	v34 =	vor.u32 $0x16, v1  }
0xab: {  	v35 =	vmul.f32 v11, v5;
	v8 =	vld.idx.msk [tilespmem:v27+s24+$0x0], $0xffff;
	v3 =	vadd.f32 v32, v3  }
0xac: {  	v36 =	vunpack.i.l.bf16.f32 v26;
	v37 =	vunpack.i.l.bf16.f32 v10  }
0xad: {  	v38 =	vor.u32 $0x17, v2;
	v39 =	vmul.f32 v37, v36;
	v3 =	vadd.f32 v3, v35  }
0xae: {  	v6 =	vunpack.i.u.bf16.f32 v26;
	v10 =	vunpack.i.u.bf16.f32 v10;
	v40 =	vld.idx.msk [tilespmem:v31+s22+$0x0], $0xffff;
	v41 =	vor.u32 $0x17, v1  }
0xaf: {  	v42 =	vmul.f32 v10, v6;
	v9 =	vld.idx.msk [tilespmem:v34+s24+$0x0], $0xffff;
	v3 =	vadd.f32 v39, v3  }
0xb0: {  	v43 =	vunpack.i.l.bf16.f32 v33;
	v44 =	vunpack.i.l.bf16.f32 v8  }
0xb1: {  	v45 =	vor.u32 $0x18, v2;
	v46 =	vmul.f32 v44, v43;
	v3 =	vadd.f32 v3, v42  }
0xb2: {  	v7 =	vunpack.i.u.bf16.f32 v33;
	v8 =	vunpack.i.u.bf16.f32 v8;
	v47 =	vld.idx.msk [tilespmem:v38+s22+$0x0], $0xffff;
	v48 =	vor.u32 $0x18, v1  }
0xb3: {  	v49 =	vmul.f32 v8, v7;
	v11 =	vld.idx.msk [tilespmem:v41+s24+$0x0], $0xffff;
	v3 =	vadd.f32 v46, v3  }
0xb4: {  	v50 =	vunpack.i.l.bf16.f32 v40;
	v51 =	vunpack.i.l.bf16.f32 v9  }
0xb5: {  	v52 =	vor.u32 $0x19, v2;
	v53 =	vmul.f32 v51, v50;
	v3 =	vadd.f32 v3, v49  }
0xb6: {  	v5 =	vunpack.i.u.bf16.f32 v40;
	v9 =	vunpack.i.u.bf16.f32 v9;
	v54 =	vld.idx.msk [tilespmem:v45+s22+$0x0], $0xffff;
	v55 =	vor.u32 $0x19, v1  }
0xb7: {  	v56 =	vmul.f32 v9, v5;
	v10 =	vld.idx.msk [tilespmem:v48+s24+$0x0], $0xffff;
	v3 =	vadd.f32 v53, v3  }
0xb8: {  	v57 =	vunpack.i.l.bf16.f32 v47;
	v58 =	vunpack.i.l.bf16.f32 v11  }
0xb9: {  	v59 =	vor.u32 $0x1A, v2;
	v60 =	vmul.f32 v58, v57;
	v3 =	vadd.f32 v3, v56  }
0xba: {  	v6 =	vunpack.i.u.bf16.f32 v47;
	v11 =	vunpack.i.u.bf16.f32 v11;
	v61 =	vld.idx.msk [tilespmem:v52+s22+$0x0], $0xffff;
	v62 =	vor.u32 $0x1A, v1  }
0xbb: {  	v63 =	vmul.f32 v11, v6;
	v8 =	vld.idx.msk [tilespmem:v55+s24+$0x0], $0xffff;
	v3 =	vadd.f32 v60, v3  }
0xbc: {  	v16 =	vunpack.i.l.bf16.f32 v54;
	v17 =	vunpack.i.l.bf16.f32 v10  }
0xbd: {  	v18 =	vor.u32 $0x1B, v2;
	v19 =	vmul.f32 v17, v16;
	v3 =	vadd.f32 v3, v63  }
0xbe: {  	v7 =	vunpack.i.u.bf16.f32 v54;
	v10 =	vunpack.i.u.bf16.f32 v10;
	v20 =	vld.idx.msk [tilespmem:v59+s22+$0x0], $0xffff;
	v21 =	vor.u32 $0x1B, v1  }
0xbf: {  	v22 =	vmul.f32 v10, v7;
	v9 =	vld.idx.msk [tilespmem:v62+s24+$0x0], $0xffff;
	v3 =	vadd.f32 v19, v3  }
0xc0: {  	v23 =	vunpack.i.l.bf16.f32 v61;
	v24 =	vunpack.i.l.bf16.f32 v8  }
0xc1: {  	v25 =	vor.u32 $0x1C, v2;
	v26 =	vmul.f32 v24, v23;
	v3 =	vadd.f32 v3, v22  }
0xc2: {  	v5 =	vunpack.i.u.bf16.f32 v61;
	v8 =	vunpack.i.u.bf16.f32 v8;
	v27 =	vld.idx.msk [tilespmem:v18+s22+$0x0], $0xffff;
	v28 =	vor.u32 $0x1C, v1  }
0xc3: {  	v29 =	vmul.f32 v8, v5;
	v11 =	vld.idx.msk [tilespmem:v21+s24+$0x0], $0xffff;
	v3 =	vadd.f32 v26, v3  }
0xc4: {  	v30 =	vunpack.i.l.bf16.f32 v20;
	v31 =	vunpack.i.l.bf16.f32 v9  }
0xc5: {  	v32 =	vor.u32 $0x1D, v2;
	v33 =	vmul.f32 v31, v30;
	v3 =	vadd.f32 v3, v29  }
0xc6: {  	v6 =	vunpack.i.u.bf16.f32 v20;
	v9 =	vunpack.i.u.bf16.f32 v9;
	v34 =	vld.idx.msk [tilespmem:v25+s22+$0x0], $0xffff;
	v35 =	vor.u32 $0x1D, v1  }
0xc7: {  	v36 =	vmul.f32 v9, v6;
	v10 =	vld.idx.msk [tilespmem:v28+s24+$0x0], $0xffff;
	v3 =	vadd.f32 v33, v3  }
0xc8: {  	v37 =	vunpack.i.l.bf16.f32 v27;
	v38 =	vunpack.i.l.bf16.f32 v11  }
0xc9: {  	v39 =	vor.u32 $0x1E, v2;
	v40 =	vmul.f32 v38, v37;
	v3 =	vadd.f32 v3, v36  }
0xca: {  	v7 =	vunpack.i.u.bf16.f32 v27;
	v11 =	vunpack.i.u.bf16.f32 v11;
	v41 =	vld.idx.msk [tilespmem:v32+s22+$0x0], $0xffff;
	v42 =	vor.u32 $0x1E, v1  }
0xcb: {  	v43 =	vmul.f32 v11, v7;
	v8 =	vld.idx.msk [tilespmem:v35+s24+$0x0], $0xffff;
	v3 =	vadd.f32 v40, v3  }
0xcc: {  	v44 =	vunpack.i.l.bf16.f32 v34;
	v45 =	vunpack.i.l.bf16.f32 v10  }
0xcd: {  	v2 =	vor.u32 $0x1F, v2;
	v46 =	vmul.f32 v45, v44;
	v3 =	vadd.f32 v3, v43  }
0xce: {  	v1 =	vor.u32 $0x1F, v1;
	v5 =	vunpack.i.u.bf16.f32 v34;
	v10 =	vunpack.i.u.bf16.f32 v10;
	v47 =	vld.idx.msk [tilespmem:v39+s22+$0x0], $0xffff  }
0xcf: {  	v48 =	vmul.f32 v10, v5;
	v9 =	vld.idx.msk [tilespmem:v42+s24+$0x0], $0xffff;
	v3 =	vadd.f32 v46, v3  }
0xd0: {  	v49 =	vunpack.i.l.bf16.f32 v41;
	v50 =	vunpack.i.l.bf16.f32 v8  }
0xd1: {  	v51 =	vmul.f32 v50, v49;
	v3 =	vadd.f32 v3, v48  }
0xd2: {  	v2 =	vld.idx.msk [tilespmem:v2+s22+$0x0], $0xffff;
	v52 =	vunpack.i.u.bf16.f32 v41;
	v53 =	vunpack.i.u.bf16.f32 v8  }
0xd3: {  	v1 =	vld.idx.msk [tilespmem:v1+s24+$0x0], $0xffff;
	v54 =	vmul.f32 v53, v52;
	v3 =	vadd.f32 v51, v3  }
0xd4: {  	v55 =	vunpack.i.l.bf16.f32 v47;
	v56 =	vunpack.i.l.bf16.f32 v9  }
0xd5: {  	v57 =	vmul.f32 v56, v55;
	v3 =	vadd.f32 v3, v54  }
0xd6: {  	v58 =	vunpack.i.u.bf16.f32 v47;
	v59 =	vunpack.i.u.bf16.f32 v9  }
0xd7: {  	v60 =	vmul.f32 v59, v58;
	v3 =	vadd.f32 v57, v3  }
0xd8: {  	v61 =	vunpack.i.l.bf16.f32 v2;
	v62 =	vunpack.i.l.bf16.f32 v1  }
0xd9: {  	v63 =	vmul.f32 v62, v61;
	v3 =	vadd.f32 v3, v60  }
0xda: {  	v2 =	vunpack.i.u.bf16.f32 v2;
	v1 =	vunpack.i.u.bf16.f32 v1  }
0xdb: {  	v1 =	vmul.f32 v1, v2;
	v3 =	vadd.f32 v63, v3;
	_ =	sdelay $0x1  }
0xdc: {  	v1 =	vadd.f32 v3, v1  }
0xdd: {  	s16 =	simm.s32 $0x10A00  }
0xde: {  	s17 =	simm.s32 $0x10;
	[tilespmem:s16+$0x0] =	vst v1  }
0xdf: {  	s18 =	simm.s32 $0x210;
	v1 =	vld [tilespmem:s17+$0x0]  }
0xe0: {  	s19 =	simm.s32 $0x20;
	s21 =	simm.s32 $0x10;
	v2 =	vld [tilespmem:s18+$0x0]  }
.LBB2_4:
0xe1: {  	p0 =	sne.s32 s19, $0xF0;
	_ =	sdelay $0x1  }
0xe2: {  	v3 =	vmov s17;
	s17 =	smov.u32 s19  }
0xe3: {  	v3 =	vshll.u32 v3, $0x7;
	v1 =	vshrl.u32 v1, $0x5  }
0xe4: {  	v3 =	vor.u32 v0, v3;
	v1 =	vand.u32 $0x60, v1;
	v2 =	vshrl.u32 v2, $0x5  }
0xe5: {  	v4 =	vand.u32 $0x60, v2;
	v2 =	vor.u32 v3, v1  }
0xe6: {  	v1 =	vor.u32 v3, v4;
	_ =	sdelay $0x2  }
0xe7: {  	v3 =	vor.u32 $0x1, v2  }
0xe8: {  	v5 =	vor.u32 $0x1, v1;
	v4 =	vld.idx.msk [tilespmem:v2+s22+$0x0], $0xffff  }
0xe9: {  	v6 =	vld.idx.msk [tilespmem:v1+s24+$0x0], $0xffff  }
0xea: {  	s15 =	sadd.s32 $0x10, s15  }
0xeb: {  	v8 =	vor.u32 $0x2, v2;
	v7 =	vld [tilespmem:s15+$0x0]  }
0xec: {  	v9 =	vor.u32 $0x2, v1;
	v3 =	vld.idx.msk [tilespmem:v3+s22+$0x0], $0xffff  }
0xed: {  	v5 =	vld.idx.msk [tilespmem:v5+s24+$0x0], $0xffff;
	_ =	sdelay $0x1  }
0xee: {  	v12 =	vor.u32 $0x3, v2;
	v10 =	vunpack.i.l.bf16.f32 v4;
	v11 =	vunpack.i.l.bf16.f32 v6  }
0xef: {  	v10 =	vmul.f32 v11, v10;
	v11 =	vor.u32 $0x3, v1;
	v8 =	vld.idx.msk [tilespmem:v8+s22+$0x0], $0xffff  }
0xf0: {  	v4 =	vunpack.i.u.bf16.f32 v4;
	v6 =	vunpack.i.u.bf16.f32 v6;
	v9 =	vld.idx.msk [tilespmem:v9+s24+$0x0], $0xffff  }
0xf1: {  	v4 =	vmul.f32 v6, v4;
	v7 =	vadd.f32 v10, v7  }
0xf2: {  	v13 =	vor.u32 $0x4, v2;
	v6 =	vunpack.i.l.bf16.f32 v3;
	v10 =	vunpack.i.l.bf16.f32 v5  }
0xf3: {  	v4 =	vadd.f32 v7, v4;
	v6 =	vmul.f32 v10, v6;
	v10 =	vor.u32 $0x4, v1;
	v7 =	vld.idx.msk [tilespmem:v12+s22+$0x0], $0xffff  }
0xf4: {  	v3 =	vunpack.i.u.bf16.f32 v3;
	v5 =	vunpack.i.u.bf16.f32 v5;
	v11 =	vld.idx.msk [tilespmem:v11+s24+$0x0], $0xffff  }
0xf5: {  	v3 =	vmul.f32 v5, v3;
	v4 =	vadd.f32 v6, v4  }
0xf6: {  	v12 =	vor.u32 $0x5, v2;
	v5 =	vunpack.i.l.bf16.f32 v8;
	v6 =	vunpack.i.l.bf16.f32 v9  }
0xf7: {  	v3 =	vadd.f32 v4, v3;
	v4 =	vmul.f32 v6, v5;
	v6 =	vor.u32 $0x5, v1;
	v5 =	vld.idx.msk [tilespmem:v13+s22+$0x0], $0xffff  }
0xf8: {  	v8 =	vunpack.i.u.bf16.f32 v8;
	v9 =	vunpack.i.u.bf16.f32 v9;
	v10 =	vld.idx.msk [tilespmem:v10+s24+$0x0], $0xffff  }
0xf9: {  	v3 =	vadd.f32 v4, v3;
	v4 =	vmul.f32 v9, v8  }
0xfa: {  	v13 =	vor.u32 $0x6, v2;
	v8 =	vunpack.i.l.bf16.f32 v7;
	v9 =	vunpack.i.l.bf16.f32 v11  }
0xfb: {  	v3 =	vadd.f32 v3, v4;
	v4 =	vmul.f32 v9, v8;
	v9 =	vor.u32 $0x6, v1;
	v8 =	vld.idx.msk [tilespmem:v12+s22+$0x0], $0xffff  }
0xfc: {  	v7 =	vunpack.i.u.bf16.f32 v7;
	v11 =	vunpack.i.u.bf16.f32 v11;
	v6 =	vld.idx.msk [tilespmem:v6+s24+$0x0], $0xffff  }
0xfd: {  	v3 =	vadd.f32 v4, v3;
	v4 =	vmul.f32 v11, v7  }
0xfe: {  	v12 =	vor.u32 $0x7, v2;
	v7 =	vunpack.i.l.bf16.f32 v5;
	v11 =	vunpack.i.l.bf16.f32 v10  }
0xff: {  	v3 =	vadd.f32 v3, v4;
	v4 =	vmul.f32 v11, v7;
	v11 =	vor.u32 $0x7, v1;
	v7 =	vld.idx.msk [tilespmem:v13+s22+$0x0], $0xffff  }
0x100: {  	v5 =	vunpack.i.u.bf16.f32 v5;
	v10 =	vunpack.i.u.bf16.f32 v10;
	v9 =	vld.idx.msk [tilespmem:v9+s24+$0x0], $0xffff  }
0x101: {  	v3 =	vadd.f32 v4, v3;
	v4 =	vmul.f32 v10, v5  }
0x102: {  	v13 =	vor.u32 $0x8, v2;
	v5 =	vunpack.i.l.bf16.f32 v8;
	v10 =	vunpack.i.l.bf16.f32 v6  }
0x103: {  	v3 =	vadd.f32 v3, v4;
	v4 =	vmul.f32 v10, v5;
	v10 =	vor.u32 $0x8, v1;
	v5 =	vld.idx.msk [tilespmem:v12+s22+$0x0], $0xffff  }
0x104: {  	v8 =	vunpack.i.u.bf16.f32 v8;
	v6 =	vunpack.i.u.bf16.f32 v6;
	v11 =	vld.idx.msk [tilespmem:v11+s24+$0x0], $0xffff  }
0x105: {  	v3 =	vadd.f32 v4, v3;
	v4 =	vmul.f32 v6, v8  }
0x106: {  	v12 =	vor.u32 $0x9, v2;
	v6 =	vunpack.i.l.bf16.f32 v7;
	v8 =	vunpack.i.l.bf16.f32 v9  }
0x107: {  	v3 =	vadd.f32 v3, v4;
	v4 =	vmul.f32 v8, v6;
	v8 =	vor.u32 $0x9, v1;
	v6 =	vld.idx.msk [tilespmem:v13+s22+$0x0], $0xffff  }
0x108: {  	v7 =	vunpack.i.u.bf16.f32 v7;
	v9 =	vunpack.i.u.bf16.f32 v9;
	v10 =	vld.idx.msk [tilespmem:v10+s24+$0x0], $0xffff  }
0x109: {  	v3 =	vadd.f32 v4, v3;
	v4 =	vmul.f32 v9, v7  }
0x10a: {  	v13 =	vor.u32 $0xA, v2;
	v7 =	vunpack.i.l.bf16.f32 v5;
	v9 =	vunpack.i.l.bf16.f32 v11  }
0x10b: {  	v3 =	vadd.f32 v3, v4;
	v4 =	vmul.f32 v9, v7;
	v9 =	vor.u32 $0xA, v1;
	v7 =	vld.idx.msk [tilespmem:v12+s22+$0x0], $0xffff  }
0x10c: {  	v5 =	vunpack.i.u.bf16.f32 v5;
	v11 =	vunpack.i.u.bf16.f32 v11;
	v8 =	vld.idx.msk [tilespmem:v8+s24+$0x0], $0xffff  }
0x10d: {  	v3 =	vadd.f32 v4, v3;
	v4 =	vmul.f32 v11, v5  }
0x10e: {  	v12 =	vor.u32 $0xB, v2;
	v5 =	vunpack.i.l.bf16.f32 v6;
	v11 =	vunpack.i.l.bf16.f32 v10  }
0x10f: {  	v3 =	vadd.f32 v3, v4;
	v4 =	vmul.f32 v11, v5;
	v11 =	vor.u32 $0xB, v1;
	v5 =	vld.idx.msk [tilespmem:v13+s22+$0x0], $0xffff  }
0x110: {  	v6 =	vunpack.i.u.bf16.f32 v6;
	v10 =	vunpack.i.u.bf16.f32 v10;
	v9 =	vld.idx.msk [tilespmem:v9+s24+$0x0], $0xffff  }
0x111: {  	v3 =	vadd.f32 v4, v3;
	v4 =	vmul.f32 v10, v6  }
0x112: {  	v13 =	vor.u32 $0xC, v2;
	v6 =	vunpack.i.l.bf16.f32 v7;
	v10 =	vunpack.i.l.bf16.f32 v8  }
0x113: {  	v3 =	vadd.f32 v3, v4;
	v4 =	vmul.f32 v10, v6;
	v10 =	vor.u32 $0xC, v1;
	v6 =	vld.idx.msk [tilespmem:v12+s22+$0x0], $0xffff  }
0x114: {  	v7 =	vunpack.i.u.bf16.f32 v7;
	v8 =	vunpack.i.u.bf16.f32 v8;
	v11 =	vld.idx.msk [tilespmem:v11+s24+$0x0], $0xffff  }
0x115: {  	v3 =	vadd.f32 v4, v3;
	v4 =	vmul.f32 v8, v7  }
0x116: {  	v12 =	vor.u32 $0xD, v2;
	v7 =	vunpack.i.l.bf16.f32 v5;
	v8 =	vunpack.i.l.bf16.f32 v9  }
0x117: {  	v3 =	vadd.f32 v3, v4;
	v4 =	vmul.f32 v8, v7;
	v8 =	vor.u32 $0xD, v1;
	v7 =	vld.idx.msk [tilespmem:v13+s22+$0x0], $0xffff  }
0x118: {  	v5 =	vunpack.i.u.bf16.f32 v5;
	v9 =	vunpack.i.u.bf16.f32 v9;
	v10 =	vld.idx.msk [tilespmem:v10+s24+$0x0], $0xffff  }
0x119: {  	v3 =	vadd.f32 v4, v3;
	v4 =	vmul.f32 v9, v5  }
0x11a: {  	v13 =	vor.u32 $0xE, v2;
	v5 =	vunpack.i.l.bf16.f32 v6;
	v9 =	vunpack.i.l.bf16.f32 v11  }
0x11b: {  	v3 =	vadd.f32 v3, v4;
	v4 =	vmul.f32 v9, v5;
	v9 =	vor.u32 $0xE, v1;
	v5 =	vld.idx.msk [tilespmem:v12+s22+$0x0], $0xffff  }
0x11c: {  	v6 =	vunpack.i.u.bf16.f32 v6;
	v11 =	vunpack.i.u.bf16.f32 v11;
	v8 =	vld.idx.msk [tilespmem:v8+s24+$0x0], $0xffff  }
0x11d: {  	v3 =	vadd.f32 v4, v3;
	v4 =	vmul.f32 v11, v6  }
0x11e: {  	v12 =	vor.u32 $0xF, v2;
	v6 =	vunpack.i.l.bf16.f32 v7;
	v11 =	vunpack.i.l.bf16.f32 v10  }
0x11f: {  	v3 =	vadd.f32 v3, v4;
	v4 =	vmul.f32 v11, v6;
	v11 =	vor.u32 $0xF, v1;
	v6 =	vld.idx.msk [tilespmem:v13+s22+$0x0], $0xffff  }
0x120: {  	v7 =	vunpack.i.u.bf16.f32 v7;
	v10 =	vunpack.i.u.bf16.f32 v10;
	v9 =	vld.idx.msk [tilespmem:v9+s24+$0x0], $0xffff  }
0x121: {  	v3 =	vadd.f32 v4, v3;
	v4 =	vmul.f32 v10, v7  }
0x122: {  	v13 =	vor.u32 $0x10, v2;
	v7 =	vunpack.i.l.bf16.f32 v5;
	v10 =	vunpack.i.l.bf16.f32 v8  }
0x123: {  	v3 =	vadd.f32 v3, v4;
	v4 =	vmul.f32 v10, v7;
	v10 =	vor.u32 $0x10, v1;
	v7 =	vld.idx.msk [tilespmem:v12+s22+$0x0], $0xffff  }
0x124: {  	v5 =	vunpack.i.u.bf16.f32 v5;
	v8 =	vunpack.i.u.bf16.f32 v8;
	v11 =	vld.idx.msk [tilespmem:v11+s24+$0x0], $0xffff  }
0x125: {  	v3 =	vadd.f32 v4, v3;
	v4 =	vmul.f32 v8, v5  }
0x126: {  	v12 =	vor.u32 $0x11, v2;
	v5 =	vunpack.i.l.bf16.f32 v6;
	v8 =	vunpack.i.l.bf16.f32 v9  }
0x127: {  	v3 =	vadd.f32 v3, v4;
	v4 =	vmul.f32 v8, v5;
	v8 =	vor.u32 $0x11, v1;
	v5 =	vld.idx.msk [tilespmem:v13+s22+$0x0], $0xffff  }
0x128: {  	v6 =	vunpack.i.u.bf16.f32 v6;
	v9 =	vunpack.i.u.bf16.f32 v9;
	v10 =	vld.idx.msk [tilespmem:v10+s24+$0x0], $0xffff  }
0x129: {  	v3 =	vadd.f32 v4, v3;
	v4 =	vmul.f32 v9, v6  }
0x12a: {  	v13 =	vor.u32 $0x12, v2;
	v6 =	vunpack.i.l.bf16.f32 v7;
	v9 =	vunpack.i.l.bf16.f32 v11  }
0x12b: {  	v3 =	vadd.f32 v3, v4;
	v4 =	vmul.f32 v9, v6;
	v9 =	vor.u32 $0x12, v1;
	v6 =	vld.idx.msk [tilespmem:v12+s22+$0x0], $0xffff  }
0x12c: {  	v7 =	vunpack.i.u.bf16.f32 v7;
	v11 =	vunpack.i.u.bf16.f32 v11;
	v8 =	vld.idx.msk [tilespmem:v8+s24+$0x0], $0xffff  }
0x12d: {  	v3 =	vadd.f32 v4, v3;
	v4 =	vmul.f32 v11, v7  }
0x12e: {  	v12 =	vor.u32 $0x13, v2;
	v7 =	vunpack.i.l.bf16.f32 v5;
	v11 =	vunpack.i.l.bf16.f32 v10  }
0x12f: {  	v3 =	vadd.f32 v3, v4;
	v4 =	vmul.f32 v11, v7;
	v11 =	vor.u32 $0x13, v1;
	v7 =	vld.idx.msk [tilespmem:v13+s22+$0x0], $0xffff  }
0x130: {  	v5 =	vunpack.i.u.bf16.f32 v5;
	v10 =	vunpack.i.u.bf16.f32 v10;
	v9 =	vld.idx.msk [tilespmem:v9+s24+$0x0], $0xffff  }
0x131: {  	v3 =	vadd.f32 v4, v3;
	v4 =	vmul.f32 v10, v5  }
0x132: {  	v13 =	vor.u32 $0x14, v2;
	v5 =	vunpack.i.l.bf16.f32 v6;
	v10 =	vunpack.i.l.bf16.f32 v8  }
0x133: {  	v3 =	vadd.f32 v3, v4;
	v4 =	vmul.f32 v10, v5;
	v10 =	vor.u32 $0x14, v1;
	v5 =	vld.idx.msk [tilespmem:v12+s22+$0x0], $0xffff  }
0x134: {  	v6 =	vunpack.i.u.bf16.f32 v6;
	v8 =	vunpack.i.u.bf16.f32 v8;
	v11 =	vld.idx.msk [tilespmem:v11+s24+$0x0], $0xffff  }
0x135: {  	v3 =	vadd.f32 v4, v3;
	v4 =	vmul.f32 v8, v6  }
0x136: {  	v12 =	vor.u32 $0x15, v2;
	v6 =	vunpack.i.l.bf16.f32 v7;
	v8 =	vunpack.i.l.bf16.f32 v9  }
0x137: {  	v3 =	vadd.f32 v3, v4;
	v4 =	vmul.f32 v8, v6;
	v8 =	vor.u32 $0x15, v1;
	v6 =	vld.idx.msk [tilespmem:v13+s22+$0x0], $0xffff  }
0x138: {  	v7 =	vunpack.i.u.bf16.f32 v7;
	v9 =	vunpack.i.u.bf16.f32 v9;
	v10 =	vld.idx.msk [tilespmem:v10+s24+$0x0], $0xffff  }
0x139: {  	v3 =	vadd.f32 v4, v3;
	v4 =	vmul.f32 v9, v7  }
0x13a: {  	v13 =	vor.u32 $0x16, v2;
	v7 =	vunpack.i.l.bf16.f32 v5;
	v9 =	vunpack.i.l.bf16.f32 v11  }
0x13b: {  	v3 =	vadd.f32 v3, v4;
	v4 =	vmul.f32 v9, v7;
	v9 =	vor.u32 $0x16, v1;
	v7 =	vld.idx.msk [tilespmem:v12+s22+$0x0], $0xffff  }
0x13c: {  	v5 =	vunpack.i.u.bf16.f32 v5;
	v11 =	vunpack.i.u.bf16.f32 v11;
	v8 =	vld.idx.msk [tilespmem:v8+s24+$0x0], $0xffff  }
0x13d: {  	v3 =	vadd.f32 v4, v3;
	v4 =	vmul.f32 v11, v5  }
0x13e: {  	v12 =	vor.u32 $0x17, v2;
	v5 =	vunpack.i.l.bf16.f32 v6;
	v11 =	vunpack.i.l.bf16.f32 v10  }
0x13f: {  	v3 =	vadd.f32 v3, v4;
	v4 =	vmul.f32 v11, v5;
	v11 =	vor.u32 $0x17, v1;
	v5 =	vld.idx.msk [tilespmem:v13+s22+$0x0], $0xffff  }
0x140: {  	v6 =	vunpack.i.u.bf16.f32 v6;
	v10 =	vunpack.i.u.bf16.f32 v10;
	v9 =	vld.idx.msk [tilespmem:v9+s24+$0x0], $0xffff  }
0x141: {  	v3 =	vadd.f32 v4, v3;
	v4 =	vmul.f32 v10, v6  }
0x142: {  	v13 =	vor.u32 $0x18, v2;
	v6 =	vunpack.i.l.bf16.f32 v7;
	v10 =	vunpack.i.l.bf16.f32 v8  }
0x143: {  	v3 =	vadd.f32 v3, v4;
	v4 =	vmul.f32 v10, v6;
	v10 =	vor.u32 $0x18, v1;
	v6 =	vld.idx.msk [tilespmem:v12+s22+$0x0], $0xffff  }
0x144: {  	v7 =	vunpack.i.u.bf16.f32 v7;
	v8 =	vunpack.i.u.bf16.f32 v8;
	v11 =	vld.idx.msk [tilespmem:v11+s24+$0x0], $0xffff  }
0x145: {  	v3 =	vadd.f32 v4, v3;
	v4 =	vmul.f32 v8, v7  }
0x146: {  	v12 =	vor.u32 $0x19, v2;
	v7 =	vunpack.i.l.bf16.f32 v5;
	v8 =	vunpack.i.l.bf16.f32 v9  }
0x147: {  	v3 =	vadd.f32 v3, v4;
	v4 =	vmul.f32 v8, v7;
	v8 =	vor.u32 $0x19, v1;
	v7 =	vld.idx.msk [tilespmem:v13+s22+$0x0], $0xffff  }
0x148: {  	v5 =	vunpack.i.u.bf16.f32 v5;
	v9 =	vunpack.i.u.bf16.f32 v9;
	v10 =	vld.idx.msk [tilespmem:v10+s24+$0x0], $0xffff  }
0x149: {  	v3 =	vadd.f32 v4, v3;
	v4 =	vmul.f32 v9, v5  }
0x14a: {  	v13 =	vor.u32 $0x1A, v2;
	v5 =	vunpack.i.l.bf16.f32 v6;
	v9 =	vunpack.i.l.bf16.f32 v11  }
0x14b: {  	v3 =	vadd.f32 v3, v4;
	v4 =	vmul.f32 v9, v5;
	v9 =	vor.u32 $0x1A, v1;
	v5 =	vld.idx.msk [tilespmem:v12+s22+$0x0], $0xffff  }
0x14c: {  	v6 =	vunpack.i.u.bf16.f32 v6;
	v11 =	vunpack.i.u.bf16.f32 v11;
	v8 =	vld.idx.msk [tilespmem:v8+s24+$0x0], $0xffff  }
0x14d: {  	v3 =	vadd.f32 v4, v3;
	v4 =	vmul.f32 v11, v6  }
0x14e: {  	v12 =	vor.u32 $0x1B, v2;
	v6 =	vunpack.i.l.bf16.f32 v7;
	v11 =	vunpack.i.l.bf16.f32 v10  }
0x14f: {  	v3 =	vadd.f32 v3, v4;
	v4 =	vmul.f32 v11, v6;
	v11 =	vor.u32 $0x1B, v1;
	v6 =	vld.idx.msk [tilespmem:v13+s22+$0x0], $0xffff  }
0x150: {  	v7 =	vunpack.i.u.bf16.f32 v7;
	v10 =	vunpack.i.u.bf16.f32 v10;
	v9 =	vld.idx.msk [tilespmem:v9+s24+$0x0], $0xffff  }
0x151: {  	v3 =	vadd.f32 v4, v3;
	v4 =	vmul.f32 v10, v7  }
0x152: {  	v13 =	vor.u32 $0x1C, v2;
	v7 =	vunpack.i.l.bf16.f32 v5;
	v10 =	vunpack.i.l.bf16.f32 v8  }
0x153: {  	v3 =	vadd.f32 v3, v4;
	v4 =	vmul.f32 v10, v7;
	v10 =	vor.u32 $0x1C, v1;
	v7 =	vld.idx.msk [tilespmem:v12+s22+$0x0], $0xffff  }
0x154: {  	v5 =	vunpack.i.u.bf16.f32 v5;
	v8 =	vunpack.i.u.bf16.f32 v8;
	v11 =	vld.idx.msk [tilespmem:v11+s24+$0x0], $0xffff  }
0x155: {  	v3 =	vadd.f32 v4, v3;
	v4 =	vmul.f32 v8, v5  }
0x156: {  	v12 =	vor.u32 $0x1D, v2;
	v5 =	vunpack.i.l.bf16.f32 v6;
	v8 =	vunpack.i.l.bf16.f32 v9  }
0x157: {  	v3 =	vadd.f32 v3, v4;
	v4 =	vmul.f32 v8, v5;
	v8 =	vor.u32 $0x1D, v1;
	v5 =	vld.idx.msk [tilespmem:v13+s22+$0x0], $0xffff  }
0x158: {  	v6 =	vunpack.i.u.bf16.f32 v6;
	v9 =	vunpack.i.u.bf16.f32 v9;
	v10 =	vld.idx.msk [tilespmem:v10+s24+$0x0], $0xffff  }
0x159: {  	v3 =	vadd.f32 v4, v3;
	v4 =	vmul.f32 v9, v6  }
0x15a: {  	v13 =	vor.u32 $0x1E, v2;
	v6 =	vunpack.i.l.bf16.f32 v7;
	v9 =	vunpack.i.l.bf16.f32 v11  }
0x15b: {  	v3 =	vadd.f32 v3, v4;
	v4 =	vmul.f32 v9, v6;
	v9 =	vor.u32 $0x1E, v1;
	v6 =	vld.idx.msk [tilespmem:v12+s22+$0x0], $0xffff  }
0x15c: {  	v7 =	vunpack.i.u.bf16.f32 v7;
	v11 =	vunpack.i.u.bf16.f32 v11;
	v8 =	vld.idx.msk [tilespmem:v8+s24+$0x0], $0xffff  }
0x15d: {  	v3 =	vadd.f32 v4, v3;
	v4 =	vmul.f32 v11, v7  }
0x15e: {  	v2 =	vor.u32 $0x1F, v2;
	v7 =	vunpack.i.l.bf16.f32 v5;
	v11 =	vunpack.i.l.bf16.f32 v10  }
0x15f: {  	v1 =	vor.u32 $0x1F, v1;
	v3 =	vadd.f32 v3, v4;
	v4 =	vmul.f32 v11, v7;
	v7 =	vld.idx.msk [tilespmem:v13+s22+$0x0], $0xffff  }
0x160: {  	v5 =	vunpack.i.u.bf16.f32 v5;
	v10 =	vunpack.i.u.bf16.f32 v10;
	v9 =	vld.idx.msk [tilespmem:v9+s24+$0x0], $0xffff  }
0x161: {  	v3 =	vadd.f32 v4, v3;
	v4 =	vmul.f32 v10, v5  }
0x162: {  	v5 =	vunpack.i.l.bf16.f32 v6;
	v10 =	vunpack.i.l.bf16.f32 v8  }
0x163: {  	v3 =	vadd.f32 v3, v4;
	v4 =	vmul.f32 v10, v5;
	v2 =	vld.idx.msk [tilespmem:v2+s22+$0x0], $0xffff  }
0x164: {  	v5 =	vunpack.i.u.bf16.f32 v6;
	v6 =	vunpack.i.u.bf16.f32 v8;
	v1 =	vld.idx.msk [tilespmem:v1+s24+$0x0], $0xffff  }
0x165: {  	v3 =	vadd.f32 v4, v3;
	v4 =	vmul.f32 v6, v5  }
0x166: {  	v5 =	vunpack.i.l.bf16.f32 v7;
	v6 =	vunpack.i.l.bf16.f32 v9  }
0x167: {  	v3 =	vadd.f32 v3, v4;
	v4 =	vmul.f32 v6, v5  }
0x168: {  	v5 =	vunpack.i.u.bf16.f32 v7;
	v6 =	vunpack.i.u.bf16.f32 v9  }
0x169: {  	v3 =	vadd.f32 v4, v3;
	v4 =	vmul.f32 v6, v5  }
0x16a: {  	v5 =	vunpack.i.l.bf16.f32 v2;
	v6 =	vunpack.i.l.bf16.f32 v1  }
0x16b: {  	v3 =	vadd.f32 v3, v4;
	v4 =	vmul.f32 v6, v5  }
0x16c: {  	v2 =	vunpack.i.u.bf16.f32 v2;
	v1 =	vunpack.i.u.bf16.f32 v1  }
0x16d: {  	v1 =	vmul.f32 v1, v2;
	v3 =	vadd.f32 v4, v3;
	_ =	sdelay $0x1  }
.Ltmp1:
0x16e: {  	v1 =	vadd.f32 v3, v1;
	(pc) =	sbr.rel @p0 .LBB2_4-.Ltmp1, $4  }
0x16f: {  	s16 =	sadd.s32 $0x10, s16  }
0x170: {  	s21 =	sadd.s32 $0x10, s21;
	[tilespmem:s16+$0x0] =	vst v1  }
0x171: {  	s18 =	sadd.s32 $0x10, s18;
	v1 =	vld [tilespmem:s21+$0x0]  }
0x172: {  	s19 =	sadd.s32 $0x10, s19;
	v2 =	vld [tilespmem:s18+$0x0]  }
0x173: {  	_ =	sdelay $0x1  }
0x174: {  	v3 =	vmov s17  }
0x175: {  	v3 =	vshll.u32 v3, $0x7;
	v1 =	vshrl.u32 v1, $0x5  }
0x176: {  	v3 =	vor.u32 v0, v3;
	v1 =	vand.u32 $0x60, v1;
	v2 =	vshrl.u32 v2, $0x5  }
0x177: {  	v4 =	vand.u32 $0x60, v2;
	v2 =	vor.u32 v3, v1  }
0x178: {  	v1 =	vor.u32 v3, v4;
	_ =	sdelay $0x2  }
0x179: {  	v3 =	vor.u32 $0x1, v2  }
0x17a: {  	v5 =	vor.u32 $0x1, v1;
	v27 =	vld.idx.msk [tilespmem:v2+s22+$0x0], $0xffff  }
0x17b: {  	v6 =	vld.idx.msk [tilespmem:v1+s24+$0x0], $0xffff  }
0x17c: {  	s15 =	sadd.s32 $0x10, s15  }
0x17d: {  	v7 =	vld [tilespmem:s15+$0x0];
	v8 =	vor.u32 $0x2, v2  }
0x17e: {  	v9 =	vor.u32 $0x2, v1;
	v3 =	vld.idx.msk [tilespmem:v3+s22+$0x0], $0xffff  }
0x17f: {  	v5 =	vld.idx.msk [tilespmem:v5+s24+$0x0], $0xffff  }
0x180: {  	v10 =	vunpack.i.l.bf16.f32 v27;
	v11 =	vunpack.i.l.bf16.f32 v6  }
0x181: {  	v12 =	vor.u32 $0x3, v2;
	v10 =	vmul.f32 v11, v10  }
0x182: {  	v28 =	vor.u32 $0x3, v1;
	v8 =	vld.idx.msk [tilespmem:v8+s22+$0x0], $0xffff;
	v4 =	vunpack.i.u.bf16.f32 v27;
	v6 =	vunpack.i.u.bf16.f32 v6  }
0x183: {  	v9 =	vld.idx.msk [tilespmem:v9+s24+$0x0], $0xffff;
	v4 =	vmul.f32 v6, v4;
	v7 =	vadd.f32 v10, v7  }
0x184: {  	v29 =	vunpack.i.l.bf16.f32 v3;
	v30 =	vunpack.i.l.bf16.f32 v5  }
0x185: {  	v13 =	vor.u32 $0x4, v2;
	v6 =	vmul.f32 v30, v29;
	v4 =	vadd.f32 v7, v4  }
0x186: {  	v32 =	vor.u32 $0x4, v1;
	v31 =	vld.idx.msk [tilespmem:v12+s22+$0x0], $0xffff;
	v3 =	vunpack.i.u.bf16.f32 v3;
	v5 =	vunpack.i.u.bf16.f32 v5  }
0x187: {  	v11 =	vld.idx.msk [tilespmem:v28+s24+$0x0], $0xffff;
	v3 =	vmul.f32 v5, v3;
	v4 =	vadd.f32 v6, v4  }
0x188: {  	v33 =	vunpack.i.l.bf16.f32 v8;
	v34 =	vunpack.i.l.bf16.f32 v9  }
0x189: {  	v35 =	vor.u32 $0x5, v2;
	v36 =	vmul.f32 v34, v33;
	v3 =	vadd.f32 v4, v3  }
0x18a: {  	v38 =	vor.u32 $0x5, v1;
	v37 =	vld.idx.msk [tilespmem:v13+s22+$0x0], $0xffff;
	v8 =	vunpack.i.u.bf16.f32 v8;
	v9 =	vunpack.i.u.bf16.f32 v9  }
0x18b: {  	v39 =	vmul.f32 v9, v8;
	v10 =	vld.idx.msk [tilespmem:v32+s24+$0x0], $0xffff;
	v3 =	vadd.f32 v36, v3  }
0x18c: {  	v40 =	vunpack.i.l.bf16.f32 v31;
	v41 =	vunpack.i.l.bf16.f32 v11  }
0x18d: {  	v42 =	vor.u32 $0x6, v2;
	v43 =	vmul.f32 v41, v40;
	v3 =	vadd.f32 v3, v39  }
0x18e: {  	v45 =	vor.u32 $0x6, v1;
	v44 =	vld.idx.msk [tilespmem:v35+s22+$0x0], $0xffff;
	v7 =	vunpack.i.u.bf16.f32 v31;
	v11 =	vunpack.i.u.bf16.f32 v11  }
0x18f: {  	v6 =	vld.idx.msk [tilespmem:v38+s24+$0x0], $0xffff;
	v46 =	vmul.f32 v11, v7;
	v3 =	vadd.f32 v43, v3  }
0x190: {  	v47 =	vunpack.i.l.bf16.f32 v37;
	v48 =	vunpack.i.l.bf16.f32 v10  }
0x191: {  	v49 =	vor.u32 $0x7, v2;
	v50 =	vmul.f32 v48, v47;
	v3 =	vadd.f32 v3, v46  }
0x192: {  	v52 =	vor.u32 $0x7, v1;
	v51 =	vld.idx.msk [tilespmem:v42+s22+$0x0], $0xffff;
	v5 =	vunpack.i.u.bf16.f32 v37;
	v10 =	vunpack.i.u.bf16.f32 v10  }
0x193: {  	v9 =	vld.idx.msk [tilespmem:v45+s24+$0x0], $0xffff;
	v53 =	vmul.f32 v10, v5;
	v3 =	vadd.f32 v50, v3  }
0x194: {  	v54 =	vunpack.i.l.bf16.f32 v44;
	v55 =	vunpack.i.l.bf16.f32 v6  }
0x195: {  	v56 =	vor.u32 $0x8, v2;
	v57 =	vmul.f32 v55, v54;
	v3 =	vadd.f32 v3, v53  }
0x196: {  	v59 =	vor.u32 $0x8, v1;
	v58 =	vld.idx.msk [tilespmem:v49+s22+$0x0], $0xffff;
	v8 =	vunpack.i.u.bf16.f32 v44;
	v6 =	vunpack.i.u.bf16.f32 v6  }
0x197: {  	v11 =	vld.idx.msk [tilespmem:v52+s24+$0x0], $0xffff;
	v60 =	vmul.f32 v6, v8;
	v3 =	vadd.f32 v57, v3  }
0x198: {  	v61 =	vunpack.i.l.bf16.f32 v51;
	v62 =	vunpack.i.l.bf16.f32 v9  }
0x199: {  	v63 =	vor.u32 $0x9, v2;
	v15 =	vmul.f32 v62, v61;
	v3 =	vadd.f32 v3, v60  }
0x19a: {  	v17 =	vor.u32 $0x9, v1;
	v16 =	vld.idx.msk [tilespmem:v56+s22+$0x0], $0xffff;
	v7 =	vunpack.i.u.bf16.f32 v51;
	v9 =	vunpack.i.u.bf16.f32 v9  }
0x19b: {  	v18 =	vmul.f32 v9, v7;
	v10 =	vld.idx.msk [tilespmem:v59+s24+$0x0], $0xffff;
	v3 =	vadd.f32 v15, v3  }
0x19c: {  	v19 =	vunpack.i.l.bf16.f32 v58;
	v20 =	vunpack.i.l.bf16.f32 v11  }
0x19d: {  	v21 =	vor.u32 $0xA, v2;
	v22 =	vmul.f32 v20, v19;
	v3 =	vadd.f32 v3, v18  }
0x19e: {  	v24 =	vor.u32 $0xA, v1;
	v23 =	vld.idx.msk [tilespmem:v63+s22+$0x0], $0xffff;
	v5 =	vunpack.i.u.bf16.f32 v58;
	v11 =	vunpack.i.u.bf16.f32 v11  }
0x19f: {  	v8 =	vld.idx.msk [tilespmem:v17+s24+$0x0], $0xffff;
	v25 =	vmul.f32 v11, v5;
	v3 =	vadd.f32 v22, v3  }
0x1a0: {  	v26 =	vunpack.i.l.bf16.f32 v16;
	v27 =	vunpack.i.l.bf16.f32 v10  }
0x1a1: {  	v28 =	vor.u32 $0xB, v2;
	v29 =	vmul.f32 v27, v26;
	v3 =	vadd.f32 v3, v25  }
0x1a2: {  	v30 =	vld.idx.msk [tilespmem:v21+s22+$0x0], $0xffff;
	v31 =	vor.u32 $0xB, v1;
	v6 =	vunpack.i.u.bf16.f32 v16;
	v10 =	vunpack.i.u.bf16.f32 v10  }
0x1a3: {  	v9 =	vld.idx.msk [tilespmem:v24+s24+$0x0], $0xffff;
	v32 =	vmul.f32 v10, v6;
	v3 =	vadd.f32 v29, v3  }
0x1a4: {  	v33 =	vunpack.i.l.bf16.f32 v23;
	v34 =	vunpack.i.l.bf16.f32 v8  }
0x1a5: {  	v35 =	vor.u32 $0xC, v2;
	v36 =	vmul.f32 v34, v33;
	v3 =	vadd.f32 v3, v32  }
0x1a6: {  	v37 =	vld.idx.msk [tilespmem:v28+s22+$0x0], $0xffff;
	v38 =	vor.u32 $0xC, v1;
	v7 =	vunpack.i.u.bf16.f32 v23;
	v8 =	vunpack.i.u.bf16.f32 v8  }
0x1a7: {  	v11 =	vld.idx.msk [tilespmem:v31+s24+$0x0], $0xffff;
	v39 =	vmul.f32 v8, v7;
	v3 =	vadd.f32 v36, v3  }
0x1a8: {  	v40 =	vunpack.i.l.bf16.f32 v30;
	v41 =	vunpack.i.l.bf16.f32 v9  }
0x1a9: {  	v42 =	vor.u32 $0xD, v2;
	v43 =	vmul.f32 v41, v40;
	v3 =	vadd.f32 v3, v39  }
0x1aa: {  	v44 =	vld.idx.msk [tilespmem:v35+s22+$0x0], $0xffff;
	v45 =	vor.u32 $0xD, v1;
	v5 =	vunpack.i.u.bf16.f32 v30;
	v9 =	vunpack.i.u.bf16.f32 v9  }
0x1ab: {  	v10 =	vld.idx.msk [tilespmem:v38+s24+$0x0], $0xffff;
	v46 =	vmul.f32 v9, v5;
	v3 =	vadd.f32 v43, v3  }
0x1ac: {  	v47 =	vunpack.i.l.bf16.f32 v37;
	v48 =	vunpack.i.l.bf16.f32 v11  }
0x1ad: {  	v49 =	vor.u32 $0xE, v2;
	v50 =	vmul.f32 v48, v47;
	v3 =	vadd.f32 v3, v46  }
0x1ae: {  	v51 =	vld.idx.msk [tilespmem:v42+s22+$0x0], $0xffff;
	v52 =	vor.u32 $0xE, v1;
	v6 =	vunpack.i.u.bf16.f32 v37;
	v11 =	vunpack.i.u.bf16.f32 v11  }
0x1af: {  	v8 =	vld.idx.msk [tilespmem:v45+s24+$0x0], $0xffff;
	v53 =	vmul.f32 v11, v6;
	v3 =	vadd.f32 v50, v3  }
0x1b0: {  	v54 =	vunpack.i.l.bf16.f32 v44;
	v55 =	vunpack.i.l.bf16.f32 v10  }
0x1b1: {  	v56 =	vor.u32 $0xF, v2;
	v57 =	vmul.f32 v55, v54;
	v3 =	vadd.f32 v3, v53  }
0x1b2: {  	v58 =	vld.idx.msk [tilespmem:v49+s22+$0x0], $0xffff;
	v59 =	vor.u32 $0xF, v1;
	v7 =	vunpack.i.u.bf16.f32 v44;
	v10 =	vunpack.i.u.bf16.f32 v10  }
0x1b3: {  	v9 =	vld.idx.msk [tilespmem:v52+s24+$0x0], $0xffff;
	v60 =	vmul.f32 v10, v7;
	v3 =	vadd.f32 v57, v3  }
0x1b4: {  	v61 =	vunpack.i.l.bf16.f32 v51;
	v62 =	vunpack.i.l.bf16.f32 v8  }
0x1b5: {  	v63 =	vor.u32 $0x10, v2;
	v15 =	vmul.f32 v62, v61;
	v3 =	vadd.f32 v3, v60  }
0x1b6: {  	v16 =	vld.idx.msk [tilespmem:v56+s22+$0x0], $0xffff;
	v17 =	vor.u32 $0x10, v1;
	v5 =	vunpack.i.u.bf16.f32 v51;
	v8 =	vunpack.i.u.bf16.f32 v8  }
0x1b7: {  	v11 =	vld.idx.msk [tilespmem:v59+s24+$0x0], $0xffff;
	v18 =	vmul.f32 v8, v5;
	v3 =	vadd.f32 v15, v3  }
0x1b8: {  	v19 =	vunpack.i.l.bf16.f32 v58;
	v20 =	vunpack.i.l.bf16.f32 v9  }
0x1b9: {  	v21 =	vor.u32 $0x11, v2;
	v22 =	vmul.f32 v20, v19;
	v3 =	vadd.f32 v3, v18  }
0x1ba: {  	v23 =	vld.idx.msk [tilespmem:v63+s22+$0x0], $0xffff;
	v24 =	vor.u32 $0x11, v1;
	v6 =	vunpack.i.u.bf16.f32 v58;
	v9 =	vunpack.i.u.bf16.f32 v9  }
0x1bb: {  	v10 =	vld.idx.msk [tilespmem:v17+s24+$0x0], $0xffff;
	v25 =	vmul.f32 v9, v6;
	v3 =	vadd.f32 v22, v3  }
0x1bc: {  	v26 =	vunpack.i.l.bf16.f32 v16;
	v27 =	vunpack.i.l.bf16.f32 v11  }
0x1bd: {  	v28 =	vor.u32 $0x12, v2;
	v29 =	vmul.f32 v27, v26;
	v3 =	vadd.f32 v3, v25  }
0x1be: {  	v30 =	vld.idx.msk [tilespmem:v21+s22+$0x0], $0xffff;
	v31 =	vor.u32 $0x12, v1;
	v7 =	vunpack.i.u.bf16.f32 v16;
	v11 =	vunpack.i.u.bf16.f32 v11  }
0x1bf: {  	v8 =	vld.idx.msk [tilespmem:v24+s24+$0x0], $0xffff;
	v32 =	vmul.f32 v11, v7;
	v3 =	vadd.f32 v29, v3  }
0x1c0: {  	v33 =	vunpack.i.l.bf16.f32 v23;
	v34 =	vunpack.i.l.bf16.f32 v10  }
0x1c1: {  	v35 =	vor.u32 $0x13, v2;
	v36 =	vmul.f32 v34, v33;
	v3 =	vadd.f32 v3, v32  }
0x1c2: {  	v37 =	vld.idx.msk [tilespmem:v28+s22+$0x0], $0xffff;
	v38 =	vor.u32 $0x13, v1;
	v5 =	vunpack.i.u.bf16.f32 v23;
	v10 =	vunpack.i.u.bf16.f32 v10  }
0x1c3: {  	v9 =	vld.idx.msk [tilespmem:v31+s24+$0x0], $0xffff;
	v39 =	vmul.f32 v10, v5;
	v3 =	vadd.f32 v36, v3  }
0x1c4: {  	v40 =	vunpack.i.l.bf16.f32 v30;
	v41 =	vunpack.i.l.bf16.f32 v8  }
0x1c5: {  	v42 =	vor.u32 $0x14, v2;
	v43 =	vmul.f32 v41, v40;
	v3 =	vadd.f32 v3, v39  }
0x1c6: {  	v44 =	vld.idx.msk [tilespmem:v35+s22+$0x0], $0xffff;
	v45 =	vor.u32 $0x14, v1;
	v6 =	vunpack.i.u.bf16.f32 v30;
	v8 =	vunpack.i.u.bf16.f32 v8  }
0x1c7: {  	v11 =	vld.idx.msk [tilespmem:v38+s24+$0x0], $0xffff;
	v46 =	vmul.f32 v8, v6;
	v3 =	vadd.f32 v43, v3  }
0x1c8: {  	v47 =	vunpack.i.l.bf16.f32 v37;
	v48 =	vunpack.i.l.bf16.f32 v9  }
0x1c9: {  	v49 =	vor.u32 $0x15, v2;
	v50 =	vmul.f32 v48, v47;
	v3 =	vadd.f32 v3, v46  }
0x1ca: {  	v51 =	vld.idx.msk [tilespmem:v42+s22+$0x0], $0xffff;
	v52 =	vor.u32 $0x15, v1;
	v7 =	vunpack.i.u.bf16.f32 v37;
	v9 =	vunpack.i.u.bf16.f32 v9  }
0x1cb: {  	v10 =	vld.idx.msk [tilespmem:v45+s24+$0x0], $0xffff;
	v53 =	vmul.f32 v9, v7;
	v3 =	vadd.f32 v50, v3  }
0x1cc: {  	v54 =	vunpack.i.l.bf16.f32 v44;
	v55 =	vunpack.i.l.bf16.f32 v11  }
0x1cd: {  	v56 =	vor.u32 $0x16, v2;
	v57 =	vmul.f32 v55, v54;
	v3 =	vadd.f32 v3, v53  }
0x1ce: {  	v58 =	vld.idx.msk [tilespmem:v49+s22+$0x0], $0xffff;
	v59 =	vor.u32 $0x16, v1;
	v5 =	vunpack.i.u.bf16.f32 v44;
	v11 =	vunpack.i.u.bf16.f32 v11  }
0x1cf: {  	v8 =	vld.idx.msk [tilespmem:v52+s24+$0x0], $0xffff;
	v60 =	vmul.f32 v11, v5;
	v3 =	vadd.f32 v57, v3  }
0x1d0: {  	v61 =	vunpack.i.l.bf16.f32 v51;
	v62 =	vunpack.i.l.bf16.f32 v10  }
0x1d1: {  	v63 =	vor.u32 $0x17, v2;
	v15 =	vmul.f32 v62, v61;
	v3 =	vadd.f32 v3, v60  }
0x1d2: {  	v16 =	vld.idx.msk [tilespmem:v56+s22+$0x0], $0xffff;
	v17 =	vor.u32 $0x17, v1;
	v6 =	vunpack.i.u.bf16.f32 v51;
	v10 =	vunpack.i.u.bf16.f32 v10  }
0x1d3: {  	v9 =	vld.idx.msk [tilespmem:v59+s24+$0x0], $0xffff;
	v18 =	vmul.f32 v10, v6;
	v3 =	vadd.f32 v15, v3  }
0x1d4: {  	v19 =	vunpack.i.l.bf16.f32 v58;
	v20 =	vunpack.i.l.bf16.f32 v8  }
0x1d5: {  	v21 =	vor.u32 $0x18, v2;
	v22 =	vmul.f32 v20, v19;
	v3 =	vadd.f32 v3, v18  }
0x1d6: {  	v23 =	vld.idx.msk [tilespmem:v63+s22+$0x0], $0xffff;
	v24 =	vor.u32 $0x18, v1;
	v7 =	vunpack.i.u.bf16.f32 v58;
	v8 =	vunpack.i.u.bf16.f32 v8  }
0x1d7: {  	v11 =	vld.idx.msk [tilespmem:v17+s24+$0x0], $0xffff;
	v25 =	vmul.f32 v8, v7;
	v3 =	vadd.f32 v22, v3  }
0x1d8: {  	v26 =	vunpack.i.l.bf16.f32 v16;
	v27 =	vunpack.i.l.bf16.f32 v9  }
0x1d9: {  	v28 =	vor.u32 $0x19, v2;
	v29 =	vmul.f32 v27, v26;
	v3 =	vadd.f32 v3, v25  }
0x1da: {  	v30 =	vld.idx.msk [tilespmem:v21+s22+$0x0], $0xffff;
	v31 =	vor.u32 $0x19, v1;
	v5 =	vunpack.i.u.bf16.f32 v16;
	v9 =	vunpack.i.u.bf16.f32 v9  }
0x1db: {  	v10 =	vld.idx.msk [tilespmem:v24+s24+$0x0], $0xffff;
	v32 =	vmul.f32 v9, v5;
	v3 =	vadd.f32 v29, v3  }
0x1dc: {  	v33 =	vunpack.i.l.bf16.f32 v23;
	v34 =	vunpack.i.l.bf16.f32 v11  }
0x1dd: {  	v35 =	vor.u32 $0x1A, v2;
	v36 =	vmul.f32 v34, v33;
	v3 =	vadd.f32 v3, v32  }
0x1de: {  	v37 =	vld.idx.msk [tilespmem:v28+s22+$0x0], $0xffff;
	v38 =	vor.u32 $0x1A, v1;
	v6 =	vunpack.i.u.bf16.f32 v23;
	v11 =	vunpack.i.u.bf16.f32 v11  }
0x1df: {  	v8 =	vld.idx.msk [tilespmem:v31+s24+$0x0], $0xffff;
	v39 =	vmul.f32 v11, v6;
	v3 =	vadd.f32 v36, v3  }
0x1e0: {  	v40 =	vunpack.i.l.bf16.f32 v30;
	v41 =	vunpack.i.l.bf16.f32 v10  }
0x1e1: {  	v42 =	vor.u32 $0x1B, v2;
	v43 =	vmul.f32 v41, v40;
	v3 =	vadd.f32 v3, v39  }
0x1e2: {  	v44 =	vld.idx.msk [tilespmem:v35+s22+$0x0], $0xffff;
	v45 =	vor.u32 $0x1B, v1;
	v7 =	vunpack.i.u.bf16.f32 v30;
	v10 =	vunpack.i.u.bf16.f32 v10  }
0x1e3: {  	v9 =	vld.idx.msk [tilespmem:v38+s24+$0x0], $0xffff;
	v46 =	vmul.f32 v10, v7;
	v3 =	vadd.f32 v43, v3  }
0x1e4: {  	v47 =	vunpack.i.l.bf16.f32 v37;
	v48 =	vunpack.i.l.bf16.f32 v8  }
0x1e5: {  	v49 =	vor.u32 $0x1C, v2;
	v50 =	vmul.f32 v48, v47;
	v3 =	vadd.f32 v3, v46  }
0x1e6: {  	v51 =	vld.idx.msk [tilespmem:v42+s22+$0x0], $0xffff;
	v52 =	vor.u32 $0x1C, v1;
	v5 =	vunpack.i.u.bf16.f32 v37;
	v8 =	vunpack.i.u.bf16.f32 v8  }
0x1e7: {  	v11 =	vld.idx.msk [tilespmem:v45+s24+$0x0], $0xffff;
	v53 =	vmul.f32 v8, v5;
	v3 =	vadd.f32 v50, v3  }
0x1e8: {  	v54 =	vunpack.i.l.bf16.f32 v44;
	v55 =	vunpack.i.l.bf16.f32 v9  }
0x1e9: {  	v59 =	vor.u32 $0x1D, v1;
	v57 =	vmul.f32 v55, v54;
	v3 =	vadd.f32 v3, v53  }
0x1ea: {  	v56 =	vor.u32 $0x1D, v2;
	v58 =	vld.idx.msk [tilespmem:v49+s22+$0x0], $0xffff;
	v6 =	vunpack.i.u.bf16.f32 v44;
	v9 =	vunpack.i.u.bf16.f32 v9  }
0x1eb: {  	v10 =	vld.idx.msk [tilespmem:v52+s24+$0x0], $0xffff;
	v60 =	vmul.f32 v9, v6;
	v3 =	vadd.f32 v57, v3  }
0x1ec: {  	v61 =	vunpack.i.l.bf16.f32 v51;
	v62 =	vunpack.i.l.bf16.f32 v11  }
0x1ed: {  	v63 =	vor.u32 $0x1E, v2;
	v14 =	vmul.f32 v62, v61;
	v3 =	vadd.f32 v3, v60  }
0x1ee: {  	v16 =	vor.u32 $0x1E, v1;
	v7 =	vunpack.i.u.bf16.f32 v51;
	v11 =	vunpack.i.u.bf16.f32 v11;
	v8 =	vld.idx.msk [tilespmem:v59+s24+$0x0], $0xffff  }
0x1ef: {  	v17 =	vmul.f32 v11, v7;
	v15 =	vld.idx.msk [tilespmem:v56+s22+$0x0], $0xffff;
	v3 =	vadd.f32 v14, v3  }
0x1f0: {  	v19 =	vunpack.i.l.bf16.f32 v10;
	v18 =	vunpack.i.l.bf16.f32 v58  }
0x1f1: {  	v2 =	vor.u32 $0x1F, v2;
	v20 =	vmul.f32 v19, v18;
	v3 =	vadd.f32 v3, v17  }
0x1f2: {  	v21 =	vld.idx.msk [tilespmem:v63+s22+$0x0], $0xffff;
	v1 =	vor.u32 $0x1F, v1;
	v5 =	vunpack.i.u.bf16.f32 v58;
	v10 =	vunpack.i.u.bf16.f32 v10  }
0x1f3: {  	v9 =	vld.idx.msk [tilespmem:v16+s24+$0x0], $0xffff;
	v22 =	vmul.f32 v10, v5;
	v3 =	vadd.f32 v20, v3  }
0x1f4: {  	v24 =	vunpack.i.l.bf16.f32 v8;
	v23 =	vunpack.i.l.bf16.f32 v15  }
0x1f5: {  	v25 =	vmul.f32 v24, v23;
	v3 =	vadd.f32 v3, v22  }
0x1f6: {  	v2 =	vld.idx.msk [tilespmem:v2+s22+$0x0], $0xffff;
	v27 =	vunpack.i.u.bf16.f32 v8;
	v26 =	vunpack.i.u.bf16.f32 v15  }
0x1f7: {  	v1 =	vld.idx.msk [tilespmem:v1+s24+$0x0], $0xffff;
	v28 =	vmul.f32 v27, v26;
	v3 =	vadd.f32 v25, v3  }
0x1f8: {  	v30 =	vunpack.i.l.bf16.f32 v9;
	v29 =	vunpack.i.l.bf16.f32 v21  }
0x1f9: {  	v31 =	vmul.f32 v30, v29;
	v3 =	vadd.f32 v3, v28  }
0x1fa: {  	v33 =	vunpack.i.u.bf16.f32 v9;
	v32 =	vunpack.i.u.bf16.f32 v21  }
0x1fb: {  	v34 =	vmul.f32 v33, v32;
	v3 =	vadd.f32 v31, v3  }
0x1fc: {  	v35 =	vunpack.i.l.bf16.f32 v2;
	v36 =	vunpack.i.l.bf16.f32 v1  }
0x1fd: {  	v37 =	vmul.f32 v36, v35;
	v3 =	vadd.f32 v3, v34  }
0x1fe: {  	v2 =	vunpack.i.u.bf16.f32 v2;
	v1 =	vunpack.i.u.bf16.f32 v1  }
0x1ff: {  	v1 =	vmul.f32 v1, v2;
	v3 =	vadd.f32 v37, v3;
	_ =	sdelay $0x1  }
0x200: {  	v1 =	vadd.f32 v3, v1  }
0x201: {  	s17 =	sadd.s32 $0x10, s16  }
0x202: {  	[tilespmem:s17+$0x0] =	vst v1  }
0x203: {  	[tilespmem:s22], [sflag:$0x1] =	stream.indirect.gather [hbm4b:s3+s12], $0x80, s30, s12, $0xb8;
	[tilespmem:$0x10C00] =	vst v63  }
0x204: {  	_ = 	snop  }
0x205: {  	[tilespmem:s24], [sflag:$0x1] =	stream.indirect.gather [hbm4b:s4+s12], $0x80, s31, s12, $0xb8;
	[tilespmem:$0x10C00] =	vst v63  }
0x206: {  	_ = 	snop  }
0x207: {  	[tilespmem:s26], [sflag:$0x1] =	stream.indirect.gather [hbm4b:s3+s12], $0x80, s0, s12, $0xb8;
	[tilespmem:$0x10C00] =	vst v63  }
0x208: {  	_ = 	snop  }
0x209: {  	[tilespmem:s29], [sflag:$0x1] =	stream.indirect.gather [hbm4b:s4+s12], $0x80, s2, s12, $0xb8;
	[tilespmem:$0x10C00] =	vst v63  }
0x20a: {  	_ =	swait.ge [sflag:s20], $0x4000  }
0x20b: {  	[sflag:s20] =	ssyncset.done $0x0  }
0x20c: {  	[sflag:s20] =	ssyncadd.s32 $0xFFFFC000  }
0x20d: {  	_ =	swait.ge [sflag:s20], $0x4000  }
0x20e: {  	[sflag:s20] =	ssyncset.done $0x0  }
0x20f: {  	[sflag:s20] =	ssyncadd.s32 $0xFFFFC000  }
0x210: {  	_ =	swait.ge [sflag:s20], $0x4000  }
0x211: {  	[sflag:s20] =	ssyncset.done $0x0  }
0x212: {  	[sflag:s20] =	ssyncadd.s32 $0xFFFFC000  }
0x213: {  	_ =	swait.ge [sflag:s20], $0x4000  }
0x214: {  	[sflag:s20] =	ssyncset.done $0x0  }
0x215: {  	s18 =	simm.s32 $0x100;
	[sflag:s20] =	ssyncadd.s32 $0xFFFFC000  }
0x216: {  	s19 =	simm.s32 $0x300;
	v1 =	vld [tilespmem:s18+$0x0]  }
0x217: {  	v2 =	vld [tilespmem:s19+$0x0];
	_ =	sdelay $0x1  }
0x218: {  	s21 =	simm.s32 $0x0  }
0x219: {  	v3 =	vmov s21  }
0x21a: {  	v3 =	vshll.u32 v3, $0x7;
	v1 =	vshrl.u32 v1, $0x5  }
0x21b: {  	v3 =	vor.u32 v0, v3;
	v2 =	vshrl.u32 v2, $0x5;
	v1 =	vand.u32 $0x60, v1  }
0x21c: {  	v38 =	vand.u32 $0x60, v2;
	v2 =	vor.u32 v3, v1  }
0x21d: {  	v1 =	vor.u32 v3, v38;
	_ =	sdelay $0x2  }
0x21e: {  	v3 =	vor.u32 $0x1, v2  }
0x21f: {  	v40 =	vor.u32 $0x1, v1;
	v39 =	vld.idx.msk [tilespmem:v2+s22+$0x0], $0xffff  }
0x220: {  	v41 =	vld.idx.msk [tilespmem:v1+s24+$0x0], $0xffff  }
0x221: {  	s15 =	simm.s32 $0x10900  }
0x222: {  	v42 =	vld [tilespmem:s15+$0x0];
	v43 =	vor.u32 $0x2, v2  }
0x223: {  	v44 =	vor.u32 $0x2, v1;
	v3 =	vld.idx.msk [tilespmem:v3+s22+$0x0], $0xffff  }
0x224: {  	v5 =	vld.idx.msk [tilespmem:v40+s24+$0x0], $0xffff  }
0x225: {  	v45 =	vunpack.i.l.bf16.f32 v39;
	v46 =	vunpack.i.l.bf16.f32 v41  }
0x226: {  	v47 =	vor.u32 $0x3, v2;
	v10 =	vmul.f32 v46, v45  }
0x227: {  	v48 =	vor.u32 $0x3, v1;
	v8 =	vld.idx.msk [tilespmem:v43+s22+$0x0], $0xffff;
	v4 =	vunpack.i.u.bf16.f32 v39;
	v6 =	vunpack.i.u.bf16.f32 v41  }
0x228: {  	v9 =	vld.idx.msk [tilespmem:v44+s24+$0x0], $0xffff;
	v4 =	vmul.f32 v6, v4;
	v7 =	vadd.f32 v10, v42  }
0x229: {  	v49 =	vunpack.i.l.bf16.f32 v3;
	v50 =	vunpack.i.l.bf16.f32 v5  }
0x22a: {  	v51 =	vor.u32 $0x4, v2;
	v6 =	vmul.f32 v50, v49;
	v4 =	vadd.f32 v7, v4  }
0x22b: {  	v53 =	vor.u32 $0x4, v1;
	v52 =	vld.idx.msk [tilespmem:v47+s22+$0x0], $0xffff;
	v3 =	vunpack.i.u.bf16.f32 v3;
	v5 =	vunpack.i.u.bf16.f32 v5  }
0x22c: {  	v11 =	vld.idx.msk [tilespmem:v48+s24+$0x0], $0xffff;
	v3 =	vmul.f32 v5, v3;
	v4 =	vadd.f32 v6, v4  }
0x22d: {  	v54 =	vunpack.i.l.bf16.f32 v8;
	v55 =	vunpack.i.l.bf16.f32 v9  }
0x22e: {  	v56 =	vor.u32 $0x5, v2;
	v57 =	vmul.f32 v55, v54;
	v3 =	vadd.f32 v4, v3  }
0x22f: {  	v59 =	vor.u32 $0x5, v1;
	v58 =	vld.idx.msk [tilespmem:v51+s22+$0x0], $0xffff;
	v8 =	vunpack.i.u.bf16.f32 v8;
	v9 =	vunpack.i.u.bf16.f32 v9  }
0x230: {  	v60 =	vmul.f32 v9, v8;
	v10 =	vld.idx.msk [tilespmem:v53+s24+$0x0], $0xffff;
	v3 =	vadd.f32 v57, v3  }
0x231: {  	v61 =	vunpack.i.l.bf16.f32 v52;
	v62 =	vunpack.i.l.bf16.f32 v11  }
0x232: {  	v63 =	vor.u32 $0x6, v2;
	v16 =	vmul.f32 v62, v61;
	v3 =	vadd.f32 v3, v60  }
0x233: {  	v18 =	vor.u32 $0x6, v1;
	v17 =	vld.idx.msk [tilespmem:v56+s22+$0x0], $0xffff;
	v11 =	vunpack.i.u.bf16.f32 v11;
	v7 =	vunpack.i.u.bf16.f32 v52  }
0x234: {  	v19 =	vmul.f32 v11, v7;
	v6 =	vld.idx.msk [tilespmem:v59+s24+$0x0], $0xffff;
	v3 =	vadd.f32 v16, v3  }
0x235: {  	v20 =	vunpack.i.l.bf16.f32 v58;
	v21 =	vunpack.i.l.bf16.f32 v10  }
0x236: {  	v22 =	vor.u32 $0x7, v2;
	v23 =	vmul.f32 v21, v20;
	v3 =	vadd.f32 v3, v19  }
0x237: {  	v25 =	vor.u32 $0x7, v1;
	v24 =	vld.idx.msk [tilespmem:v63+s22+$0x0], $0xffff;
	v5 =	vunpack.i.u.bf16.f32 v58;
	v10 =	vunpack.i.u.bf16.f32 v10  }
0x238: {  	v9 =	vld.idx.msk [tilespmem:v18+s24+$0x0], $0xffff;
	v26 =	vmul.f32 v10, v5;
	v3 =	vadd.f32 v23, v3  }
0x239: {  	v27 =	vunpack.i.l.bf16.f32 v17;
	v28 =	vunpack.i.l.bf16.f32 v6  }
0x23a: {  	v29 =	vor.u32 $0x8, v2;
	v30 =	vmul.f32 v28, v27;
	v3 =	vadd.f32 v3, v26  }
0x23b: {  	v32 =	vor.u32 $0x8, v1;
	v31 =	vld.idx.msk [tilespmem:v22+s22+$0x0], $0xffff;
	v8 =	vunpack.i.u.bf16.f32 v17;
	v6 =	vunpack.i.u.bf16.f32 v6  }
0x23c: {  	v11 =	vld.idx.msk [tilespmem:v25+s24+$0x0], $0xffff;
	v33 =	vmul.f32 v6, v8;
	v3 =	vadd.f32 v30, v3  }
0x23d: {  	v34 =	vunpack.i.l.bf16.f32 v24;
	v35 =	vunpack.i.l.bf16.f32 v9  }
0x23e: {  	v36 =	vor.u32 $0x9, v2;
	v37 =	vmul.f32 v35, v34;
	v3 =	vadd.f32 v3, v33  }
0x23f: {  	v38 =	vld.idx.msk [tilespmem:v29+s22+$0x0], $0xffff;
	v39 =	vor.u32 $0x9, v1;
	v7 =	vunpack.i.u.bf16.f32 v24;
	v9 =	vunpack.i.u.bf16.f32 v9  }
0x240: {  	v40 =	vmul.f32 v9, v7;
	v10 =	vld.idx.msk [tilespmem:v32+s24+$0x0], $0xffff;
	v3 =	vadd.f32 v37, v3  }
0x241: {  	v41 =	vunpack.i.l.bf16.f32 v31;
	v42 =	vunpack.i.l.bf16.f32 v11  }
0x242: {  	v43 =	vor.u32 $0xA, v2;
	v44 =	vmul.f32 v42, v41;
	v3 =	vadd.f32 v3, v40  }
0x243: {  	v45 =	vld.idx.msk [tilespmem:v36+s22+$0x0], $0xffff;
	v46 =	vor.u32 $0xA, v1;
	v5 =	vunpack.i.u.bf16.f32 v31;
	v11 =	vunpack.i.u.bf16.f32 v11  }
0x244: {  	v47 =	vmul.f32 v11, v5;
	v8 =	vld.idx.msk [tilespmem:v39+s24+$0x0], $0xffff;
	v3 =	vadd.f32 v44, v3  }
0x245: {  	v48 =	vunpack.i.l.bf16.f32 v38;
	v49 =	vunpack.i.l.bf16.f32 v10  }
0x246: {  	v50 =	vor.u32 $0xB, v2;
	v51 =	vmul.f32 v49, v48;
	v3 =	vadd.f32 v3, v47  }
0x247: {  	v53 =	vor.u32 $0xB, v1;
	v52 =	vld.idx.msk [tilespmem:v43+s22+$0x0], $0xffff;
	v6 =	vunpack.i.u.bf16.f32 v38;
	v10 =	vunpack.i.u.bf16.f32 v10  }
0x248: {  	v9 =	vld.idx.msk [tilespmem:v46+s24+$0x0], $0xffff;
	v54 =	vmul.f32 v10, v6;
	v3 =	vadd.f32 v51, v3  }
0x249: {  	v55 =	vunpack.i.l.bf16.f32 v45;
	v56 =	vunpack.i.l.bf16.f32 v8  }
0x24a: {  	v57 =	vor.u32 $0xC, v2;
	v58 =	vmul.f32 v56, v55;
	v3 =	vadd.f32 v3, v54  }
0x24b: {  	v59 =	vld.idx.msk [tilespmem:v50+s22+$0x0], $0xffff;
	v7 =	vunpack.i.u.bf16.f32 v45;
	v60 =	vor.u32 $0xC, v1;
	v8 =	vunpack.i.u.bf16.f32 v8  }
0x24c: {  	v11 =	vld.idx.msk [tilespmem:v53+s24+$0x0], $0xffff;
	v61 =	vmul.f32 v8, v7;
	v3 =	vadd.f32 v58, v3  }
0x24d: {  	v62 =	vunpack.i.l.bf16.f32 v52;
	v63 =	vunpack.i.l.bf16.f32 v9  }
0x24e: {  	v17 =	vmul.f32 v63, v62;
	v16 =	vor.u32 $0xD, v2;
	v3 =	vadd.f32 v3, v61  }
0x24f: {  	v5 =	vunpack.i.u.bf16.f32 v52;
	v9 =	vunpack.i.u.bf16.f32 v9;
	v18 =	vld.idx.msk [tilespmem:v57+s22+$0x0], $0xffff;
	v19 =	vor.u32 $0xD, v1  }
0x250: {  	v20 =	vmul.f32 v9, v5;
	v10 =	vld.idx.msk [tilespmem:v60+s24+$0x0], $0xffff;
	v3 =	vadd.f32 v17, v3  }
0x251: {  	v21 =	vunpack.i.l.bf16.f32 v59;
	v22 =	vunpack.i.l.bf16.f32 v11  }
0x252: {  	v24 =	vmul.f32 v22, v21;
	v23 =	vor.u32 $0xE, v2;
	v3 =	vadd.f32 v3, v20  }
0x253: {  	v6 =	vunpack.i.u.bf16.f32 v59;
	v11 =	vunpack.i.u.bf16.f32 v11;
	v25 =	vld.idx.msk [tilespmem:v16+s22+$0x0], $0xffff;
	v26 =	vor.u32 $0xE, v1  }
0x254: {  	v27 =	vmul.f32 v11, v6;
	v8 =	vld.idx.msk [tilespmem:v19+s24+$0x0], $0xffff;
	v3 =	vadd.f32 v24, v3  }
0x255: {  	v28 =	vunpack.i.l.bf16.f32 v18;
	v29 =	vunpack.i.l.bf16.f32 v10  }
0x256: {  	v30 =	vor.u32 $0xF, v2;
	v31 =	vmul.f32 v29, v28;
	v3 =	vadd.f32 v3, v27  }
0x257: {  	v7 =	vunpack.i.u.bf16.f32 v18;
	v10 =	vunpack.i.u.bf16.f32 v10;
	v32 =	vld.idx.msk [tilespmem:v23+s22+$0x0], $0xffff;
	v33 =	vor.u32 $0xF, v1  }
0x258: {  	v34 =	vmul.f32 v10, v7;
	v9 =	vld.idx.msk [tilespmem:v26+s24+$0x0], $0xffff;
	v3 =	vadd.f32 v31, v3  }
0x259: {  	v35 =	vunpack.i.l.bf16.f32 v25;
	v36 =	vunpack.i.l.bf16.f32 v8  }
0x25a: {  	v37 =	vor.u32 $0x10, v2;
	v38 =	vmul.f32 v36, v35;
	v3 =	vadd.f32 v3, v34  }
0x25b: {  	v5 =	vunpack.i.u.bf16.f32 v25;
	v8 =	vunpack.i.u.bf16.f32 v8;
	v39 =	vld.idx.msk [tilespmem:v30+s22+$0x0], $0xffff;
	v40 =	vor.u32 $0x10, v1  }
0x25c: {  	v41 =	vmul.f32 v8, v5;
	v11 =	vld.idx.msk [tilespmem:v33+s24+$0x0], $0xffff;
	v3 =	vadd.f32 v38, v3  }
0x25d: {  	v42 =	vunpack.i.l.bf16.f32 v32;
	v43 =	vunpack.i.l.bf16.f32 v9  }
0x25e: {  	v44 =	vor.u32 $0x11, v2;
	v45 =	vmul.f32 v43, v42;
	v3 =	vadd.f32 v3, v41  }
0x25f: {  	v6 =	vunpack.i.u.bf16.f32 v32;
	v9 =	vunpack.i.u.bf16.f32 v9;
	v46 =	vld.idx.msk [tilespmem:v37+s22+$0x0], $0xffff;
	v47 =	vor.u32 $0x11, v1  }
0x260: {  	v48 =	vmul.f32 v9, v6;
	v10 =	vld.idx.msk [tilespmem:v40+s24+$0x0], $0xffff;
	v3 =	vadd.f32 v45, v3  }
0x261: {  	v49 =	vunpack.i.l.bf16.f32 v39;
	v50 =	vunpack.i.l.bf16.f32 v11  }
0x262: {  	v51 =	vor.u32 $0x12, v2;
	v52 =	vmul.f32 v50, v49;
	v3 =	vadd.f32 v3, v48  }
0x263: {  	v7 =	vunpack.i.u.bf16.f32 v39;
	v11 =	vunpack.i.u.bf16.f32 v11;
	v53 =	vld.idx.msk [tilespmem:v44+s22+$0x0], $0xffff;
	v54 =	vor.u32 $0x12, v1  }
0x264: {  	v55 =	vmul.f32 v11, v7;
	v8 =	vld.idx.msk [tilespmem:v47+s24+$0x0], $0xffff;
	v3 =	vadd.f32 v52, v3  }
0x265: {  	v56 =	vunpack.i.l.bf16.f32 v46;
	v57 =	vunpack.i.l.bf16.f32 v10  }
0x266: {  	v58 =	vor.u32 $0x13, v2;
	v59 =	vmul.f32 v57, v56;
	v3 =	vadd.f32 v3, v55  }
0x267: {  	v5 =	vunpack.i.u.bf16.f32 v46;
	v10 =	vunpack.i.u.bf16.f32 v10;
	v60 =	vld.idx.msk [tilespmem:v51+s22+$0x0], $0xffff;
	v61 =	vor.u32 $0x13, v1  }
0x268: {  	v62 =	vmul.f32 v10, v5;
	v9 =	vld.idx.msk [tilespmem:v54+s24+$0x0], $0xffff;
	v3 =	vadd.f32 v59, v3  }
0x269: {  	v63 =	vunpack.i.l.bf16.f32 v53;
	v16 =	vunpack.i.l.bf16.f32 v8  }
0x26a: {  	v17 =	vor.u32 $0x14, v2;
	v18 =	vmul.f32 v16, v63;
	v3 =	vadd.f32 v3, v62  }
0x26b: {  	v6 =	vunpack.i.u.bf16.f32 v53;
	v8 =	vunpack.i.u.bf16.f32 v8;
	v19 =	vld.idx.msk [tilespmem:v58+s22+$0x0], $0xffff;
	v20 =	vor.u32 $0x14, v1  }
0x26c: {  	v21 =	vmul.f32 v8, v6;
	v11 =	vld.idx.msk [tilespmem:v61+s24+$0x0], $0xffff;
	v3 =	vadd.f32 v18, v3  }
0x26d: {  	v22 =	vunpack.i.l.bf16.f32 v60;
	v23 =	vunpack.i.l.bf16.f32 v9  }
0x26e: {  	v24 =	vor.u32 $0x15, v2;
	v25 =	vmul.f32 v23, v22;
	v3 =	vadd.f32 v3, v21  }
0x26f: {  	v7 =	vunpack.i.u.bf16.f32 v60;
	v9 =	vunpack.i.u.bf16.f32 v9;
	v26 =	vld.idx.msk [tilespmem:v17+s22+$0x0], $0xffff;
	v27 =	vor.u32 $0x15, v1  }
0x270: {  	v28 =	vmul.f32 v9, v7;
	v10 =	vld.idx.msk [tilespmem:v20+s24+$0x0], $0xffff;
	v3 =	vadd.f32 v25, v3  }
0x271: {  	v29 =	vunpack.i.l.bf16.f32 v19;
	v30 =	vunpack.i.l.bf16.f32 v11  }
0x272: {  	v31 =	vor.u32 $0x16, v2;
	v32 =	vmul.f32 v30, v29;
	v3 =	vadd.f32 v3, v28  }
0x273: {  	v5 =	vunpack.i.u.bf16.f32 v19;
	v11 =	vunpack.i.u.bf16.f32 v11;
	v33 =	vld.idx.msk [tilespmem:v24+s22+$0x0], $0xffff;
	v34 =	vor.u32 $0x16, v1  }
0x274: {  	v35 =	vmul.f32 v11, v5;
	v8 =	vld.idx.msk [tilespmem:v27+s24+$0x0], $0xffff;
	v3 =	vadd.f32 v32, v3  }
0x275: {  	v36 =	vunpack.i.l.bf16.f32 v26;
	v37 =	vunpack.i.l.bf16.f32 v10  }
0x276: {  	v38 =	vor.u32 $0x17, v2;
	v39 =	vmul.f32 v37, v36;
	v3 =	vadd.f32 v3, v35  }
0x277: {  	v6 =	vunpack.i.u.bf16.f32 v26;
	v10 =	vunpack.i.u.bf16.f32 v10;
	v40 =	vld.idx.msk [tilespmem:v31+s22+$0x0], $0xffff;
	v41 =	vor.u32 $0x17, v1  }
0x278: {  	v42 =	vmul.f32 v10, v6;
	v9 =	vld.idx.msk [tilespmem:v34+s24+$0x0], $0xffff;
	v3 =	vadd.f32 v39, v3  }
0x279: {  	v43 =	vunpack.i.l.bf16.f32 v33;
	v44 =	vunpack.i.l.bf16.f32 v8  }
0x27a: {  	v45 =	vor.u32 $0x18, v2;
	v46 =	vmul.f32 v44, v43;
	v3 =	vadd.f32 v3, v42  }
0x27b: {  	v7 =	vunpack.i.u.bf16.f32 v33;
	v8 =	vunpack.i.u.bf16.f32 v8;
	v47 =	vld.idx.msk [tilespmem:v38+s22+$0x0], $0xffff;
	v48 =	vor.u32 $0x18, v1  }
0x27c: {  	v49 =	vmul.f32 v8, v7;
	v11 =	vld.idx.msk [tilespmem:v41+s24+$0x0], $0xffff;
	v3 =	vadd.f32 v46, v3  }
0x27d: {  	v50 =	vunpack.i.l.bf16.f32 v40;
	v51 =	vunpack.i.l.bf16.f32 v9  }
0x27e: {  	v52 =	vor.u32 $0x19, v2;
	v53 =	vmul.f32 v51, v50;
	v3 =	vadd.f32 v3, v49  }
0x27f: {  	v5 =	vunpack.i.u.bf16.f32 v40;
	v9 =	vunpack.i.u.bf16.f32 v9;
	v54 =	vld.idx.msk [tilespmem:v45+s22+$0x0], $0xffff;
	v55 =	vor.u32 $0x19, v1  }
0x280: {  	v56 =	vmul.f32 v9, v5;
	v10 =	vld.idx.msk [tilespmem:v48+s24+$0x0], $0xffff;
	v3 =	vadd.f32 v53, v3  }
0x281: {  	v57 =	vunpack.i.l.bf16.f32 v47;
	v58 =	vunpack.i.l.bf16.f32 v11  }
0x282: {  	v59 =	vor.u32 $0x1A, v2;
	v60 =	vmul.f32 v58, v57;
	v3 =	vadd.f32 v3, v56  }
0x283: {  	v6 =	vunpack.i.u.bf16.f32 v47;
	v11 =	vunpack.i.u.bf16.f32 v11;
	v61 =	vld.idx.msk [tilespmem:v52+s22+$0x0], $0xffff;
	v62 =	vor.u32 $0x1A, v1  }
0x284: {  	v63 =	vmul.f32 v11, v6;
	v8 =	vld.idx.msk [tilespmem:v55+s24+$0x0], $0xffff;
	v3 =	vadd.f32 v60, v3  }
0x285: {  	v16 =	vunpack.i.l.bf16.f32 v54;
	v17 =	vunpack.i.l.bf16.f32 v10  }
0x286: {  	v18 =	vor.u32 $0x1B, v2;
	v19 =	vmul.f32 v17, v16;
	v3 =	vadd.f32 v3, v63  }
0x287: {  	v7 =	vunpack.i.u.bf16.f32 v54;
	v10 =	vunpack.i.u.bf16.f32 v10;
	v20 =	vld.idx.msk [tilespmem:v59+s22+$0x0], $0xffff;
	v21 =	vor.u32 $0x1B, v1  }
0x288: {  	v22 =	vmul.f32 v10, v7;
	v9 =	vld.idx.msk [tilespmem:v62+s24+$0x0], $0xffff;
	v3 =	vadd.f32 v19, v3  }
0x289: {  	v23 =	vunpack.i.l.bf16.f32 v61;
	v24 =	vunpack.i.l.bf16.f32 v8  }
0x28a: {  	v25 =	vor.u32 $0x1C, v2;
	v26 =	vmul.f32 v24, v23;
	v3 =	vadd.f32 v3, v22  }
0x28b: {  	v5 =	vunpack.i.u.bf16.f32 v61;
	v8 =	vunpack.i.u.bf16.f32 v8;
	v27 =	vld.idx.msk [tilespmem:v18+s22+$0x0], $0xffff;
	v28 =	vor.u32 $0x1C, v1  }
0x28c: {  	v29 =	vmul.f32 v8, v5;
	v11 =	vld.idx.msk [tilespmem:v21+s24+$0x0], $0xffff;
	v3 =	vadd.f32 v26, v3  }
0x28d: {  	v30 =	vunpack.i.l.bf16.f32 v20;
	v31 =	vunpack.i.l.bf16.f32 v9  }
0x28e: {  	v32 =	vor.u32 $0x1D, v2;
	v33 =	vmul.f32 v31, v30;
	v3 =	vadd.f32 v3, v29  }
0x28f: {  	v6 =	vunpack.i.u.bf16.f32 v20;
	v9 =	vunpack.i.u.bf16.f32 v9;
	v34 =	vld.idx.msk [tilespmem:v25+s22+$0x0], $0xffff;
	v35 =	vor.u32 $0x1D, v1  }
0x290: {  	v36 =	vmul.f32 v9, v6;
	v10 =	vld.idx.msk [tilespmem:v28+s24+$0x0], $0xffff;
	v3 =	vadd.f32 v33, v3  }
0x291: {  	v37 =	vunpack.i.l.bf16.f32 v27;
	v38 =	vunpack.i.l.bf16.f32 v11  }
0x292: {  	v39 =	vor.u32 $0x1E, v2;
	v40 =	vmul.f32 v38, v37;
	v3 =	vadd.f32 v3, v36  }
0x293: {  	v7 =	vunpack.i.u.bf16.f32 v27;
	v11 =	vunpack.i.u.bf16.f32 v11;
	v41 =	vld.idx.msk [tilespmem:v32+s22+$0x0], $0xffff;
	v42 =	vor.u32 $0x1E, v1  }
0x294: {  	v43 =	vmul.f32 v11, v7;
	v8 =	vld.idx.msk [tilespmem:v35+s24+$0x0], $0xffff;
	v3 =	vadd.f32 v40, v3  }
0x295: {  	v44 =	vunpack.i.l.bf16.f32 v34;
	v45 =	vunpack.i.l.bf16.f32 v10  }
0x296: {  	v2 =	vor.u32 $0x1F, v2;
	v46 =	vmul.f32 v45, v44;
	v3 =	vadd.f32 v3, v43  }
0x297: {  	v1 =	vor.u32 $0x1F, v1;
	v5 =	vunpack.i.u.bf16.f32 v34;
	v10 =	vunpack.i.u.bf16.f32 v10;
	v47 =	vld.idx.msk [tilespmem:v39+s22+$0x0], $0xffff  }
0x298: {  	v48 =	vmul.f32 v10, v5;
	v9 =	vld.idx.msk [tilespmem:v42+s24+$0x0], $0xffff;
	v3 =	vadd.f32 v46, v3  }
0x299: {  	v49 =	vunpack.i.l.bf16.f32 v41;
	v50 =	vunpack.i.l.bf16.f32 v8  }
0x29a: {  	v51 =	vmul.f32 v50, v49;
	v3 =	vadd.f32 v3, v48  }
0x29b: {  	v2 =	vld.idx.msk [tilespmem:v2+s22+$0x0], $0xffff;
	v52 =	vunpack.i.u.bf16.f32 v41;
	v53 =	vunpack.i.u.bf16.f32 v8  }
0x29c: {  	v1 =	vld.idx.msk [tilespmem:v1+s24+$0x0], $0xffff;
	v54 =	vmul.f32 v53, v52;
	v3 =	vadd.f32 v51, v3  }
0x29d: {  	v55 =	vunpack.i.l.bf16.f32 v47;
	v56 =	vunpack.i.l.bf16.f32 v9  }
0x29e: {  	v57 =	vmul.f32 v56, v55;
	v3 =	vadd.f32 v3, v54  }
0x29f: {  	v58 =	vunpack.i.u.bf16.f32 v47;
	v59 =	vunpack.i.u.bf16.f32 v9  }
0x2a0: {  	v60 =	vmul.f32 v59, v58;
	v3 =	vadd.f32 v57, v3  }
0x2a1: {  	v61 =	vunpack.i.l.bf16.f32 v2;
	v62 =	vunpack.i.l.bf16.f32 v1  }
0x2a2: {  	v63 =	vmul.f32 v62, v61;
	v3 =	vadd.f32 v3, v60  }
0x2a3: {  	v2 =	vunpack.i.u.bf16.f32 v2;
	v1 =	vunpack.i.u.bf16.f32 v1  }
0x2a4: {  	v1 =	vmul.f32 v1, v2;
	v3 =	vadd.f32 v63, v3;
	_ =	sdelay $0x1  }
0x2a5: {  	v1 =	vadd.f32 v3, v1  }
0x2a6: {  	s16 =	simm.s32 $0x10B00  }
0x2a7: {  	s17 =	simm.s32 $0x110;
	[tilespmem:s16+$0x0] =	vst v1  }
0x2a8: {  	s18 =	simm.s32 $0x310;
	v1 =	vld [tilespmem:s17+$0x0]  }
0x2a9: {  	s21 =	simm.s32 $0x20;
	s19 =	simm.s32 $0x10;
	v2 =	vld [tilespmem:s18+$0x0]  }
.LBB2_6:
0x2aa: {  	p0 =	sne.s32 s21, $0xF0;
	_ =	sdelay $0x1  }
0x2ab: {  	v3 =	vmov s19;
	s19 =	smov.u32 s21  }
0x2ac: {  	v3 =	vshll.u32 v3, $0x7;
	v1 =	vshrl.u32 v1, $0x5  }
0x2ad: {  	v3 =	vor.u32 v0, v3;
	v1 =	vand.u32 $0x60, v1;
	v2 =	vshrl.u32 v2, $0x5  }
0x2ae: {  	v4 =	vand.u32 $0x60, v2;
	v2 =	vor.u32 v3, v1  }
0x2af: {  	v1 =	vor.u32 v3, v4;
	_ =	sdelay $0x2  }
0x2b0: {  	v3 =	vor.u32 $0x1, v2  }
0x2b1: {  	v5 =	vor.u32 $0x1, v1;
	v4 =	vld.idx.msk [tilespmem:v2+s22+$0x0], $0xffff  }
0x2b2: {  	v6 =	vld.idx.msk [tilespmem:v1+s24+$0x0], $0xffff  }
0x2b3: {  	s15 =	sadd.s32 $0x10, s15  }
0x2b4: {  	v8 =	vor.u32 $0x2, v2;
	v7 =	vld [tilespmem:s15+$0x0]  }
0x2b5: {  	v9 =	vor.u32 $0x2, v1;
	v3 =	vld.idx.msk [tilespmem:v3+s22+$0x0], $0xffff  }
0x2b6: {  	v5 =	vld.idx.msk [tilespmem:v5+s24+$0x0], $0xffff;
	_ =	sdelay $0x1  }
0x2b7: {  	v12 =	vor.u32 $0x3, v2;
	v10 =	vunpack.i.l.bf16.f32 v4;
	v11 =	vunpack.i.l.bf16.f32 v6  }
0x2b8: {  	v10 =	vmul.f32 v11, v10;
	v11 =	vor.u32 $0x3, v1;
	v8 =	vld.idx.msk [tilespmem:v8+s22+$0x0], $0xffff  }
0x2b9: {  	v4 =	vunpack.i.u.bf16.f32 v4;
	v6 =	vunpack.i.u.bf16.f32 v6;
	v9 =	vld.idx.msk [tilespmem:v9+s24+$0x0], $0xffff  }
0x2ba: {  	v4 =	vmul.f32 v6, v4;
	v7 =	vadd.f32 v10, v7  }
0x2bb: {  	v13 =	vor.u32 $0x4, v2;
	v6 =	vunpack.i.l.bf16.f32 v3;
	v10 =	vunpack.i.l.bf16.f32 v5  }
0x2bc: {  	v4 =	vadd.f32 v7, v4;
	v6 =	vmul.f32 v10, v6;
	v10 =	vor.u32 $0x4, v1;
	v7 =	vld.idx.msk [tilespmem:v12+s22+$0x0], $0xffff  }
0x2bd: {  	v3 =	vunpack.i.u.bf16.f32 v3;
	v5 =	vunpack.i.u.bf16.f32 v5;
	v11 =	vld.idx.msk [tilespmem:v11+s24+$0x0], $0xffff  }
0x2be: {  	v3 =	vmul.f32 v5, v3;
	v4 =	vadd.f32 v6, v4  }
0x2bf: {  	v12 =	vor.u32 $0x5, v2;
	v5 =	vunpack.i.l.bf16.f32 v8;
	v6 =	vunpack.i.l.bf16.f32 v9  }
0x2c0: {  	v3 =	vadd.f32 v4, v3;
	v4 =	vmul.f32 v6, v5;
	v6 =	vor.u32 $0x5, v1;
	v5 =	vld.idx.msk [tilespmem:v13+s22+$0x0], $0xffff  }
0x2c1: {  	v8 =	vunpack.i.u.bf16.f32 v8;
	v9 =	vunpack.i.u.bf16.f32 v9;
	v10 =	vld.idx.msk [tilespmem:v10+s24+$0x0], $0xffff  }
0x2c2: {  	v3 =	vadd.f32 v4, v3;
	v4 =	vmul.f32 v9, v8  }
0x2c3: {  	v13 =	vor.u32 $0x6, v2;
	v8 =	vunpack.i.l.bf16.f32 v7;
	v9 =	vunpack.i.l.bf16.f32 v11  }
0x2c4: {  	v3 =	vadd.f32 v3, v4;
	v4 =	vmul.f32 v9, v8;
	v9 =	vor.u32 $0x6, v1;
	v8 =	vld.idx.msk [tilespmem:v12+s22+$0x0], $0xffff  }
0x2c5: {  	v7 =	vunpack.i.u.bf16.f32 v7;
	v11 =	vunpack.i.u.bf16.f32 v11;
	v6 =	vld.idx.msk [tilespmem:v6+s24+$0x0], $0xffff  }
0x2c6: {  	v3 =	vadd.f32 v4, v3;
	v4 =	vmul.f32 v11, v7  }
0x2c7: {  	v12 =	vor.u32 $0x7, v2;
	v7 =	vunpack.i.l.bf16.f32 v5;
	v11 =	vunpack.i.l.bf16.f32 v10  }
0x2c8: {  	v3 =	vadd.f32 v3, v4;
	v4 =	vmul.f32 v11, v7;
	v11 =	vor.u32 $0x7, v1;
	v7 =	vld.idx.msk [tilespmem:v13+s22+$0x0], $0xffff  }
0x2c9: {  	v5 =	vunpack.i.u.bf16.f32 v5;
	v10 =	vunpack.i.u.bf16.f32 v10;
	v9 =	vld.idx.msk [tilespmem:v9+s24+$0x0], $0xffff  }
0x2ca: {  	v3 =	vadd.f32 v4, v3;
	v4 =	vmul.f32 v10, v5  }
0x2cb: {  	v13 =	vor.u32 $0x8, v2;
	v5 =	vunpack.i.l.bf16.f32 v8;
	v10 =	vunpack.i.l.bf16.f32 v6  }
0x2cc: {  	v3 =	vadd.f32 v3, v4;
	v4 =	vmul.f32 v10, v5;
	v10 =	vor.u32 $0x8, v1;
	v5 =	vld.idx.msk [tilespmem:v12+s22+$0x0], $0xffff  }
0x2cd: {  	v8 =	vunpack.i.u.bf16.f32 v8;
	v6 =	vunpack.i.u.bf16.f32 v6;
	v11 =	vld.idx.msk [tilespmem:v11+s24+$0x0], $0xffff  }
0x2ce: {  	v3 =	vadd.f32 v4, v3;
	v4 =	vmul.f32 v6, v8  }
0x2cf: {  	v12 =	vor.u32 $0x9, v2;
	v6 =	vunpack.i.l.bf16.f32 v7;
	v8 =	vunpack.i.l.bf16.f32 v9  }
0x2d0: {  	v3 =	vadd.f32 v3, v4;
	v4 =	vmul.f32 v8, v6;
	v8 =	vor.u32 $0x9, v1;
	v6 =	vld.idx.msk [tilespmem:v13+s22+$0x0], $0xffff  }
0x2d1: {  	v7 =	vunpack.i.u.bf16.f32 v7;
	v9 =	vunpack.i.u.bf16.f32 v9;
	v10 =	vld.idx.msk [tilespmem:v10+s24+$0x0], $0xffff  }
0x2d2: {  	v3 =	vadd.f32 v4, v3;
	v4 =	vmul.f32 v9, v7  }
0x2d3: {  	v13 =	vor.u32 $0xA, v2;
	v7 =	vunpack.i.l.bf16.f32 v5;
	v9 =	vunpack.i.l.bf16.f32 v11  }
0x2d4: {  	v3 =	vadd.f32 v3, v4;
	v4 =	vmul.f32 v9, v7;
	v9 =	vor.u32 $0xA, v1;
	v7 =	vld.idx.msk [tilespmem:v12+s22+$0x0], $0xffff  }
0x2d5: {  	v5 =	vunpack.i.u.bf16.f32 v5;
	v11 =	vunpack.i.u.bf16.f32 v11;
	v8 =	vld.idx.msk [tilespmem:v8+s24+$0x0], $0xffff  }
0x2d6: {  	v3 =	vadd.f32 v4, v3;
	v4 =	vmul.f32 v11, v5  }
0x2d7: {  	v12 =	vor.u32 $0xB, v2;
	v5 =	vunpack.i.l.bf16.f32 v6;
	v11 =	vunpack.i.l.bf16.f32 v10  }
0x2d8: {  	v3 =	vadd.f32 v3, v4;
	v4 =	vmul.f32 v11, v5;
	v11 =	vor.u32 $0xB, v1;
	v5 =	vld.idx.msk [tilespmem:v13+s22+$0x0], $0xffff  }
0x2d9: {  	v6 =	vunpack.i.u.bf16.f32 v6;
	v10 =	vunpack.i.u.bf16.f32 v10;
	v9 =	vld.idx.msk [tilespmem:v9+s24+$0x0], $0xffff  }
0x2da: {  	v3 =	vadd.f32 v4, v3;
	v4 =	vmul.f32 v10, v6  }
0x2db: {  	v13 =	vor.u32 $0xC, v2;
	v6 =	vunpack.i.l.bf16.f32 v7;
	v10 =	vunpack.i.l.bf16.f32 v8  }
0x2dc: {  	v3 =	vadd.f32 v3, v4;
	v4 =	vmul.f32 v10, v6;
	v10 =	vor.u32 $0xC, v1;
	v6 =	vld.idx.msk [tilespmem:v12+s22+$0x0], $0xffff  }
0x2dd: {  	v7 =	vunpack.i.u.bf16.f32 v7;
	v8 =	vunpack.i.u.bf16.f32 v8;
	v11 =	vld.idx.msk [tilespmem:v11+s24+$0x0], $0xffff  }
0x2de: {  	v3 =	vadd.f32 v4, v3;
	v4 =	vmul.f32 v8, v7  }
0x2df: {  	v12 =	vor.u32 $0xD, v2;
	v7 =	vunpack.i.l.bf16.f32 v5;
	v8 =	vunpack.i.l.bf16.f32 v9  }
0x2e0: {  	v3 =	vadd.f32 v3, v4;
	v4 =	vmul.f32 v8, v7;
	v8 =	vor.u32 $0xD, v1;
	v7 =	vld.idx.msk [tilespmem:v13+s22+$0x0], $0xffff  }
0x2e1: {  	v5 =	vunpack.i.u.bf16.f32 v5;
	v9 =	vunpack.i.u.bf16.f32 v9;
	v10 =	vld.idx.msk [tilespmem:v10+s24+$0x0], $0xffff  }
0x2e2: {  	v3 =	vadd.f32 v4, v3;
	v4 =	vmul.f32 v9, v5  }
0x2e3: {  	v13 =	vor.u32 $0xE, v2;
	v5 =	vunpack.i.l.bf16.f32 v6;
	v9 =	vunpack.i.l.bf16.f32 v11  }
0x2e4: {  	v3 =	vadd.f32 v3, v4;
	v4 =	vmul.f32 v9, v5;
	v9 =	vor.u32 $0xE, v1;
	v5 =	vld.idx.msk [tilespmem:v12+s22+$0x0], $0xffff  }
0x2e5: {  	v6 =	vunpack.i.u.bf16.f32 v6;
	v11 =	vunpack.i.u.bf16.f32 v11;
	v8 =	vld.idx.msk [tilespmem:v8+s24+$0x0], $0xffff  }
0x2e6: {  	v3 =	vadd.f32 v4, v3;
	v4 =	vmul.f32 v11, v6  }
0x2e7: {  	v12 =	vor.u32 $0xF, v2;
	v6 =	vunpack.i.l.bf16.f32 v7;
	v11 =	vunpack.i.l.bf16.f32 v10  }
0x2e8: {  	v3 =	vadd.f32 v3, v4;
	v4 =	vmul.f32 v11, v6;
	v11 =	vor.u32 $0xF, v1;
	v6 =	vld.idx.msk [tilespmem:v13+s22+$0x0], $0xffff  }
0x2e9: {  	v7 =	vunpack.i.u.bf16.f32 v7;
	v10 =	vunpack.i.u.bf16.f32 v10;
	v9 =	vld.idx.msk [tilespmem:v9+s24+$0x0], $0xffff  }
0x2ea: {  	v3 =	vadd.f32 v4, v3;
	v4 =	vmul.f32 v10, v7  }
0x2eb: {  	v13 =	vor.u32 $0x10, v2;
	v7 =	vunpack.i.l.bf16.f32 v5;
	v10 =	vunpack.i.l.bf16.f32 v8  }
0x2ec: {  	v3 =	vadd.f32 v3, v4;
	v4 =	vmul.f32 v10, v7;
	v10 =	vor.u32 $0x10, v1;
	v7 =	vld.idx.msk [tilespmem:v12+s22+$0x0], $0xffff  }
0x2ed: {  	v5 =	vunpack.i.u.bf16.f32 v5;
	v8 =	vunpack.i.u.bf16.f32 v8;
	v11 =	vld.idx.msk [tilespmem:v11+s24+$0x0], $0xffff  }
0x2ee: {  	v3 =	vadd.f32 v4, v3;
	v4 =	vmul.f32 v8, v5  }
0x2ef: {  	v12 =	vor.u32 $0x11, v2;
	v5 =	vunpack.i.l.bf16.f32 v6;
	v8 =	vunpack.i.l.bf16.f32 v9  }
0x2f0: {  	v3 =	vadd.f32 v3, v4;
	v4 =	vmul.f32 v8, v5;
	v8 =	vor.u32 $0x11, v1;
	v5 =	vld.idx.msk [tilespmem:v13+s22+$0x0], $0xffff  }
0x2f1: {  	v6 =	vunpack.i.u.bf16.f32 v6;
	v9 =	vunpack.i.u.bf16.f32 v9;
	v10 =	vld.idx.msk [tilespmem:v10+s24+$0x0], $0xffff  }
0x2f2: {  	v3 =	vadd.f32 v4, v3;
	v4 =	vmul.f32 v9, v6  }
0x2f3: {  	v13 =	vor.u32 $0x12, v2;
	v6 =	vunpack.i.l.bf16.f32 v7;
	v9 =	vunpack.i.l.bf16.f32 v11  }
0x2f4: {  	v3 =	vadd.f32 v3, v4;
	v4 =	vmul.f32 v9, v6;
	v9 =	vor.u32 $0x12, v1;
	v6 =	vld.idx.msk [tilespmem:v12+s22+$0x0], $0xffff  }
0x2f5: {  	v7 =	vunpack.i.u.bf16.f32 v7;
	v11 =	vunpack.i.u.bf16.f32 v11;
	v8 =	vld.idx.msk [tilespmem:v8+s24+$0x0], $0xffff  }
0x2f6: {  	v3 =	vadd.f32 v4, v3;
	v4 =	vmul.f32 v11, v7  }
0x2f7: {  	v12 =	vor.u32 $0x13, v2;
	v7 =	vunpack.i.l.bf16.f32 v5;
	v11 =	vunpack.i.l.bf16.f32 v10  }
0x2f8: {  	v3 =	vadd.f32 v3, v4;
	v4 =	vmul.f32 v11, v7;
	v11 =	vor.u32 $0x13, v1;
	v7 =	vld.idx.msk [tilespmem:v13+s22+$0x0], $0xffff  }
0x2f9: {  	v5 =	vunpack.i.u.bf16.f32 v5;
	v10 =	vunpack.i.u.bf16.f32 v10;
	v9 =	vld.idx.msk [tilespmem:v9+s24+$0x0], $0xffff  }
0x2fa: {  	v3 =	vadd.f32 v4, v3;
	v4 =	vmul.f32 v10, v5  }
0x2fb: {  	v13 =	vor.u32 $0x14, v2;
	v5 =	vunpack.i.l.bf16.f32 v6;
	v10 =	vunpack.i.l.bf16.f32 v8  }
0x2fc: {  	v3 =	vadd.f32 v3, v4;
	v4 =	vmul.f32 v10, v5;
	v10 =	vor.u32 $0x14, v1;
	v5 =	vld.idx.msk [tilespmem:v12+s22+$0x0], $0xffff  }
0x2fd: {  	v6 =	vunpack.i.u.bf16.f32 v6;
	v8 =	vunpack.i.u.bf16.f32 v8;
	v11 =	vld.idx.msk [tilespmem:v11+s24+$0x0], $0xffff  }
0x2fe: {  	v3 =	vadd.f32 v4, v3;
	v4 =	vmul.f32 v8, v6  }
0x2ff: {  	v12 =	vor.u32 $0x15, v2;
	v6 =	vunpack.i.l.bf16.f32 v7;
	v8 =	vunpack.i.l.bf16.f32 v9  }
0x300: {  	v3 =	vadd.f32 v3, v4;
	v4 =	vmul.f32 v8, v6;
	v8 =	vor.u32 $0x15, v1;
	v6 =	vld.idx.msk [tilespmem:v13+s22+$0x0], $0xffff  }
0x301: {  	v7 =	vunpack.i.u.bf16.f32 v7;
	v9 =	vunpack.i.u.bf16.f32 v9;
	v10 =	vld.idx.msk [tilespmem:v10+s24+$0x0], $0xffff  }
0x302: {  	v3 =	vadd.f32 v4, v3;
	v4 =	vmul.f32 v9, v7  }
0x303: {  	v13 =	vor.u32 $0x16, v2;
	v7 =	vunpack.i.l.bf16.f32 v5;
	v9 =	vunpack.i.l.bf16.f32 v11  }
0x304: {  	v3 =	vadd.f32 v3, v4;
	v4 =	vmul.f32 v9, v7;
	v9 =	vor.u32 $0x16, v1;
	v7 =	vld.idx.msk [tilespmem:v12+s22+$0x0], $0xffff  }
0x305: {  	v5 =	vunpack.i.u.bf16.f32 v5;
	v11 =	vunpack.i.u.bf16.f32 v11;
	v8 =	vld.idx.msk [tilespmem:v8+s24+$0x0], $0xffff  }
0x306: {  	v3 =	vadd.f32 v4, v3;
	v4 =	vmul.f32 v11, v5  }
0x307: {  	v12 =	vor.u32 $0x17, v2;
	v5 =	vunpack.i.l.bf16.f32 v6;
	v11 =	vunpack.i.l.bf16.f32 v10  }
0x308: {  	v3 =	vadd.f32 v3, v4;
	v4 =	vmul.f32 v11, v5;
	v11 =	vor.u32 $0x17, v1;
	v5 =	vld.idx.msk [tilespmem:v13+s22+$0x0], $0xffff  }
0x309: {  	v6 =	vunpack.i.u.bf16.f32 v6;
	v10 =	vunpack.i.u.bf16.f32 v10;
	v9 =	vld.idx.msk [tilespmem:v9+s24+$0x0], $0xffff  }
0x30a: {  	v3 =	vadd.f32 v4, v3;
	v4 =	vmul.f32 v10, v6  }
0x30b: {  	v13 =	vor.u32 $0x18, v2;
	v6 =	vunpack.i.l.bf16.f32 v7;
	v10 =	vunpack.i.l.bf16.f32 v8  }
0x30c: {  	v3 =	vadd.f32 v3, v4;
	v4 =	vmul.f32 v10, v6;
	v10 =	vor.u32 $0x18, v1;
	v6 =	vld.idx.msk [tilespmem:v12+s22+$0x0], $0xffff  }
0x30d: {  	v7 =	vunpack.i.u.bf16.f32 v7;
	v8 =	vunpack.i.u.bf16.f32 v8;
	v11 =	vld.idx.msk [tilespmem:v11+s24+$0x0], $0xffff  }
0x30e: {  	v3 =	vadd.f32 v4, v3;
	v4 =	vmul.f32 v8, v7  }
0x30f: {  	v12 =	vor.u32 $0x19, v2;
	v7 =	vunpack.i.l.bf16.f32 v5;
	v8 =	vunpack.i.l.bf16.f32 v9  }
0x310: {  	v3 =	vadd.f32 v3, v4;
	v4 =	vmul.f32 v8, v7;
	v8 =	vor.u32 $0x19, v1;
	v7 =	vld.idx.msk [tilespmem:v13+s22+$0x0], $0xffff  }
0x311: {  	v5 =	vunpack.i.u.bf16.f32 v5;
	v9 =	vunpack.i.u.bf16.f32 v9;
	v10 =	vld.idx.msk [tilespmem:v10+s24+$0x0], $0xffff  }
0x312: {  	v3 =	vadd.f32 v4, v3;
	v4 =	vmul.f32 v9, v5  }
0x313: {  	v13 =	vor.u32 $0x1A, v2;
	v5 =	vunpack.i.l.bf16.f32 v6;
	v9 =	vunpack.i.l.bf16.f32 v11  }
0x314: {  	v3 =	vadd.f32 v3, v4;
	v4 =	vmul.f32 v9, v5;
	v9 =	vor.u32 $0x1A, v1;
	v5 =	vld.idx.msk [tilespmem:v12+s22+$0x0], $0xffff  }
0x315: {  	v6 =	vunpack.i.u.bf16.f32 v6;
	v11 =	vunpack.i.u.bf16.f32 v11;
	v8 =	vld.idx.msk [tilespmem:v8+s24+$0x0], $0xffff  }
0x316: {  	v3 =	vadd.f32 v4, v3;
	v4 =	vmul.f32 v11, v6  }
0x317: {  	v12 =	vor.u32 $0x1B, v2;
	v6 =	vunpack.i.l.bf16.f32 v7;
	v11 =	vunpack.i.l.bf16.f32 v10  }
0x318: {  	v3 =	vadd.f32 v3, v4;
	v4 =	vmul.f32 v11, v6;
	v11 =	vor.u32 $0x1B, v1;
	v6 =	vld.idx.msk [tilespmem:v13+s22+$0x0], $0xffff  }
0x319: {  	v7 =	vunpack.i.u.bf16.f32 v7;
	v10 =	vunpack.i.u.bf16.f32 v10;
	v9 =	vld.idx.msk [tilespmem:v9+s24+$0x0], $0xffff  }
0x31a: {  	v3 =	vadd.f32 v4, v3;
	v4 =	vmul.f32 v10, v7  }
0x31b: {  	v13 =	vor.u32 $0x1C, v2;
	v7 =	vunpack.i.l.bf16.f32 v5;
	v10 =	vunpack.i.l.bf16.f32 v8  }
0x31c: {  	v3 =	vadd.f32 v3, v4;
	v4 =	vmul.f32 v10, v7;
	v10 =	vor.u32 $0x1C, v1;
	v7 =	vld.idx.msk [tilespmem:v12+s22+$0x0], $0xffff  }
0x31d: {  	v5 =	vunpack.i.u.bf16.f32 v5;
	v8 =	vunpack.i.u.bf16.f32 v8;
	v11 =	vld.idx.msk [tilespmem:v11+s24+$0x0], $0xffff  }
0x31e: {  	v3 =	vadd.f32 v4, v3;
	v4 =	vmul.f32 v8, v5  }
0x31f: {  	v12 =	vor.u32 $0x1D, v2;
	v5 =	vunpack.i.l.bf16.f32 v6;
	v8 =	vunpack.i.l.bf16.f32 v9  }
0x320: {  	v3 =	vadd.f32 v3, v4;
	v4 =	vmul.f32 v8, v5;
	v8 =	vor.u32 $0x1D, v1;
	v5 =	vld.idx.msk [tilespmem:v13+s22+$0x0], $0xffff  }
0x321: {  	v6 =	vunpack.i.u.bf16.f32 v6;
	v9 =	vunpack.i.u.bf16.f32 v9;
	v10 =	vld.idx.msk [tilespmem:v10+s24+$0x0], $0xffff  }
0x322: {  	v3 =	vadd.f32 v4, v3;
	v4 =	vmul.f32 v9, v6  }
0x323: {  	v13 =	vor.u32 $0x1E, v2;
	v6 =	vunpack.i.l.bf16.f32 v7;
	v9 =	vunpack.i.l.bf16.f32 v11  }
0x324: {  	v3 =	vadd.f32 v3, v4;
	v4 =	vmul.f32 v9, v6;
	v9 =	vor.u32 $0x1E, v1;
	v6 =	vld.idx.msk [tilespmem:v12+s22+$0x0], $0xffff  }
0x325: {  	v7 =	vunpack.i.u.bf16.f32 v7;
	v11 =	vunpack.i.u.bf16.f32 v11;
	v8 =	vld.idx.msk [tilespmem:v8+s24+$0x0], $0xffff  }
0x326: {  	v3 =	vadd.f32 v4, v3;
	v4 =	vmul.f32 v11, v7  }
0x327: {  	v2 =	vor.u32 $0x1F, v2;
	v7 =	vunpack.i.l.bf16.f32 v5;
	v11 =	vunpack.i.l.bf16.f32 v10  }
0x328: {  	v1 =	vor.u32 $0x1F, v1;
	v3 =	vadd.f32 v3, v4;
	v4 =	vmul.f32 v11, v7;
	v7 =	vld.idx.msk [tilespmem:v13+s22+$0x0], $0xffff  }
0x329: {  	v5 =	vunpack.i.u.bf16.f32 v5;
	v10 =	vunpack.i.u.bf16.f32 v10;
	v9 =	vld.idx.msk [tilespmem:v9+s24+$0x0], $0xffff  }
0x32a: {  	v3 =	vadd.f32 v4, v3;
	v4 =	vmul.f32 v10, v5  }
0x32b: {  	v5 =	vunpack.i.l.bf16.f32 v6;
	v10 =	vunpack.i.l.bf16.f32 v8  }
0x32c: {  	v3 =	vadd.f32 v3, v4;
	v4 =	vmul.f32 v10, v5;
	v2 =	vld.idx.msk [tilespmem:v2+s22+$0x0], $0xffff  }
0x32d: {  	v5 =	vunpack.i.u.bf16.f32 v6;
	v6 =	vunpack.i.u.bf16.f32 v8;
	v1 =	vld.idx.msk [tilespmem:v1+s24+$0x0], $0xffff  }
0x32e: {  	v3 =	vadd.f32 v4, v3;
	v4 =	vmul.f32 v6, v5  }
0x32f: {  	v5 =	vunpack.i.l.bf16.f32 v7;
	v6 =	vunpack.i.l.bf16.f32 v9  }
0x330: {  	v3 =	vadd.f32 v3, v4;
	v4 =	vmul.f32 v6, v5  }
0x331: {  	v5 =	vunpack.i.u.bf16.f32 v7;
	v6 =	vunpack.i.u.bf16.f32 v9  }
0x332: {  	v3 =	vadd.f32 v4, v3;
	v4 =	vmul.f32 v6, v5  }
0x333: {  	v5 =	vunpack.i.l.bf16.f32 v2;
	v6 =	vunpack.i.l.bf16.f32 v1  }
0x334: {  	v3 =	vadd.f32 v3, v4;
	v4 =	vmul.f32 v6, v5  }
0x335: {  	v2 =	vunpack.i.u.bf16.f32 v2;
	v1 =	vunpack.i.u.bf16.f32 v1  }
0x336: {  	v1 =	vmul.f32 v1, v2;
	v3 =	vadd.f32 v4, v3;
	_ =	sdelay $0x1  }
.Ltmp2:
0x337: {  	v1 =	vadd.f32 v3, v1;
	(pc) =	sbr.rel @p0 .LBB2_6-.Ltmp2, $4  }
0x338: {  	s16 =	sadd.s32 $0x10, s16  }
0x339: {  	s17 =	sadd.s32 $0x10, s17;
	[tilespmem:s16+$0x0] =	vst v1  }
0x33a: {  	s18 =	sadd.s32 $0x10, s18;
	v1 =	vld [tilespmem:s17+$0x0]  }
0x33b: {  	s21 =	sadd.s32 $0x10, s21;
	v2 =	vld [tilespmem:s18+$0x0]  }
0x33c: {  	_ =	sdelay $0x1  }
0x33d: {  	v3 =	vmov s19  }
0x33e: {  	v3 =	vshll.u32 v3, $0x7;
	v1 =	vshrl.u32 v1, $0x5  }
0x33f: {  	v3 =	vor.u32 v0, v3;
	v1 =	vand.u32 $0x60, v1;
	v2 =	vshrl.u32 v2, $0x5  }
0x340: {  	v4 =	vand.u32 $0x60, v2;
	v2 =	vor.u32 v3, v1  }
0x341: {  	v1 =	vor.u32 v3, v4;
	_ =	sdelay $0x2  }
0x342: {  	v3 =	vor.u32 $0x1, v2  }
0x343: {  	v5 =	vor.u32 $0x1, v1;
	v48 =	vld.idx.msk [tilespmem:v2+s22+$0x0], $0xffff  }
0x344: {  	v6 =	vld.idx.msk [tilespmem:v1+s24+$0x0], $0xffff  }
0x345: {  	s15 =	sadd.s32 $0x10, s15  }
0x346: {  	v7 =	vld [tilespmem:s15+$0x0];
	v8 =	vor.u32 $0x2, v2  }
0x347: {  	v9 =	vor.u32 $0x2, v1;
	v3 =	vld.idx.msk [tilespmem:v3+s22+$0x0], $0xffff  }
0x348: {  	v5 =	vld.idx.msk [tilespmem:v5+s24+$0x0], $0xffff  }
0x349: {  	v10 =	vunpack.i.l.bf16.f32 v48;
	v11 =	vunpack.i.l.bf16.f32 v6  }
0x34a: {  	v12 =	vor.u32 $0x3, v2;
	v10 =	vmul.f32 v11, v10  }
0x34b: {  	v49 =	vor.u32 $0x3, v1;
	v8 =	vld.idx.msk [tilespmem:v8+s22+$0x0], $0xffff;
	v4 =	vunpack.i.u.bf16.f32 v48;
	v6 =	vunpack.i.u.bf16.f32 v6  }
0x34c: {  	v9 =	vld.idx.msk [tilespmem:v9+s24+$0x0], $0xffff;
	v4 =	vmul.f32 v6, v4;
	v7 =	vadd.f32 v10, v7  }
0x34d: {  	v50 =	vunpack.i.l.bf16.f32 v3;
	v51 =	vunpack.i.l.bf16.f32 v5  }
0x34e: {  	v13 =	vor.u32 $0x4, v2;
	v6 =	vmul.f32 v51, v50;
	v4 =	vadd.f32 v7, v4  }
0x34f: {  	v53 =	vor.u32 $0x4, v1;
	v52 =	vld.idx.msk [tilespmem:v12+s22+$0x0], $0xffff;
	v3 =	vunpack.i.u.bf16.f32 v3;
	v5 =	vunpack.i.u.bf16.f32 v5  }
0x350: {  	v11 =	vld.idx.msk [tilespmem:v49+s24+$0x0], $0xffff;
	v3 =	vmul.f32 v5, v3;
	v4 =	vadd.f32 v6, v4  }
0x351: {  	v54 =	vunpack.i.l.bf16.f32 v8;
	v55 =	vunpack.i.l.bf16.f32 v9  }
0x352: {  	v56 =	vor.u32 $0x5, v2;
	v57 =	vmul.f32 v55, v54;
	v3 =	vadd.f32 v4, v3  }
0x353: {  	v59 =	vor.u32 $0x5, v1;
	v58 =	vld.idx.msk [tilespmem:v13+s22+$0x0], $0xffff;
	v8 =	vunpack.i.u.bf16.f32 v8;
	v9 =	vunpack.i.u.bf16.f32 v9  }
0x354: {  	v60 =	vmul.f32 v9, v8;
	v10 =	vld.idx.msk [tilespmem:v53+s24+$0x0], $0xffff;
	v3 =	vadd.f32 v57, v3  }
0x355: {  	v61 =	vunpack.i.l.bf16.f32 v52;
	v62 =	vunpack.i.l.bf16.f32 v11  }
0x356: {  	v63 =	vor.u32 $0x6, v2;
	v16 =	vmul.f32 v62, v61;
	v3 =	vadd.f32 v3, v60  }
0x357: {  	v18 =	vor.u32 $0x6, v1;
	v17 =	vld.idx.msk [tilespmem:v56+s22+$0x0], $0xffff;
	v7 =	vunpack.i.u.bf16.f32 v52;
	v11 =	vunpack.i.u.bf16.f32 v11  }
0x358: {  	v6 =	vld.idx.msk [tilespmem:v59+s24+$0x0], $0xffff;
	v19 =	vmul.f32 v11, v7;
	v3 =	vadd.f32 v16, v3  }
0x359: {  	v20 =	vunpack.i.l.bf16.f32 v58;
	v21 =	vunpack.i.l.bf16.f32 v10  }
0x35a: {  	v22 =	vor.u32 $0x7, v2;
	v23 =	vmul.f32 v21, v20;
	v3 =	vadd.f32 v3, v19  }
0x35b: {  	v25 =	vor.u32 $0x7, v1;
	v24 =	vld.idx.msk [tilespmem:v63+s22+$0x0], $0xffff;
	v5 =	vunpack.i.u.bf16.f32 v58;
	v10 =	vunpack.i.u.bf16.f32 v10  }
0x35c: {  	v9 =	vld.idx.msk [tilespmem:v18+s24+$0x0], $0xffff;
	v26 =	vmul.f32 v10, v5;
	v3 =	vadd.f32 v23, v3  }
0x35d: {  	v27 =	vunpack.i.l.bf16.f32 v17;
	v28 =	vunpack.i.l.bf16.f32 v6  }
0x35e: {  	v29 =	vor.u32 $0x8, v2;
	v30 =	vmul.f32 v28, v27;
	v3 =	vadd.f32 v3, v26  }
0x35f: {  	v32 =	vor.u32 $0x8, v1;
	v31 =	vld.idx.msk [tilespmem:v22+s22+$0x0], $0xffff;
	v8 =	vunpack.i.u.bf16.f32 v17;
	v6 =	vunpack.i.u.bf16.f32 v6  }
0x360: {  	v11 =	vld.idx.msk [tilespmem:v25+s24+$0x0], $0xffff;
	v33 =	vmul.f32 v6, v8;
	v3 =	vadd.f32 v30, v3  }
0x361: {  	v34 =	vunpack.i.l.bf16.f32 v24;
	v35 =	vunpack.i.l.bf16.f32 v9  }
0x362: {  	v36 =	vor.u32 $0x9, v2;
	v37 =	vmul.f32 v35, v34;
	v3 =	vadd.f32 v3, v33  }
0x363: {  	v39 =	vor.u32 $0x9, v1;
	v38 =	vld.idx.msk [tilespmem:v29+s22+$0x0], $0xffff;
	v7 =	vunpack.i.u.bf16.f32 v24;
	v9 =	vunpack.i.u.bf16.f32 v9  }
0x364: {  	v40 =	vmul.f32 v9, v7;
	v10 =	vld.idx.msk [tilespmem:v32+s24+$0x0], $0xffff;
	v3 =	vadd.f32 v37, v3  }
0x365: {  	v41 =	vunpack.i.l.bf16.f32 v31;
	v42 =	vunpack.i.l.bf16.f32 v11  }
0x366: {  	v43 =	vor.u32 $0xA, v2;
	v44 =	vmul.f32 v42, v41;
	v3 =	vadd.f32 v3, v40  }
0x367: {  	v46 =	vor.u32 $0xA, v1;
	v45 =	vld.idx.msk [tilespmem:v36+s22+$0x0], $0xffff;
	v5 =	vunpack.i.u.bf16.f32 v31;
	v11 =	vunpack.i.u.bf16.f32 v11  }
0x368: {  	v8 =	vld.idx.msk [tilespmem:v39+s24+$0x0], $0xffff;
	v47 =	vmul.f32 v11, v5;
	v3 =	vadd.f32 v44, v3  }
0x369: {  	v48 =	vunpack.i.l.bf16.f32 v38;
	v49 =	vunpack.i.l.bf16.f32 v10  }
0x36a: {  	v50 =	vor.u32 $0xB, v2;
	v51 =	vmul.f32 v49, v48;
	v3 =	vadd.f32 v3, v47  }
0x36b: {  	v53 =	vor.u32 $0xB, v1;
	v52 =	vld.idx.msk [tilespmem:v43+s22+$0x0], $0xffff;
	v6 =	vunpack.i.u.bf16.f32 v38;
	v10 =	vunpack.i.u.bf16.f32 v10  }
0x36c: {  	v9 =	vld.idx.msk [tilespmem:v46+s24+$0x0], $0xffff;
	v54 =	vmul.f32 v10, v6;
	v3 =	vadd.f32 v51, v3  }
0x36d: {  	v55 =	vunpack.i.l.bf16.f32 v45;
	v56 =	vunpack.i.l.bf16.f32 v8  }
0x36e: {  	v57 =	vor.u32 $0xC, v2;
	v58 =	vmul.f32 v56, v55;
	v3 =	vadd.f32 v3, v54  }
0x36f: {  	v59 =	vld.idx.msk [tilespmem:v50+s22+$0x0], $0xffff;
	v7 =	vunpack.i.u.bf16.f32 v45;
	v60 =	vor.u32 $0xC, v1;
	v8 =	vunpack.i.u.bf16.f32 v8  }
0x370: {  	v11 =	vld.idx.msk [tilespmem:v53+s24+$0x0], $0xffff;
	v61 =	vmul.f32 v8, v7;
	v3 =	vadd.f32 v58, v3  }
0x371: {  	v62 =	vunpack.i.l.bf16.f32 v52;
	v63 =	vunpack.i.l.bf16.f32 v9  }
0x372: {  	v17 =	vmul.f32 v63, v62;
	v16 =	vor.u32 $0xD, v2;
	v3 =	vadd.f32 v3, v61  }
0x373: {  	v5 =	vunpack.i.u.bf16.f32 v52;
	v9 =	vunpack.i.u.bf16.f32 v9;
	v18 =	vld.idx.msk [tilespmem:v57+s22+$0x0], $0xffff;
	v19 =	vor.u32 $0xD, v1  }
0x374: {  	v20 =	vmul.f32 v9, v5;
	v10 =	vld.idx.msk [tilespmem:v60+s24+$0x0], $0xffff;
	v3 =	vadd.f32 v17, v3  }
0x375: {  	v21 =	vunpack.i.l.bf16.f32 v59;
	v22 =	vunpack.i.l.bf16.f32 v11  }
0x376: {  	v23 =	vor.u32 $0xE, v2;
	v24 =	vmul.f32 v22, v21;
	v3 =	vadd.f32 v3, v20  }
0x377: {  	v6 =	vunpack.i.u.bf16.f32 v59;
	v11 =	vunpack.i.u.bf16.f32 v11;
	v25 =	vld.idx.msk [tilespmem:v16+s22+$0x0], $0xffff;
	v26 =	vor.u32 $0xE, v1  }
0x378: {  	v27 =	vmul.f32 v11, v6;
	v8 =	vld.idx.msk [tilespmem:v19+s24+$0x0], $0xffff;
	v3 =	vadd.f32 v24, v3  }
0x379: {  	v28 =	vunpack.i.l.bf16.f32 v18;
	v29 =	vunpack.i.l.bf16.f32 v10  }
0x37a: {  	v30 =	vor.u32 $0xF, v2;
	v31 =	vmul.f32 v29, v28;
	v3 =	vadd.f32 v3, v27  }
0x37b: {  	v7 =	vunpack.i.u.bf16.f32 v18;
	v10 =	vunpack.i.u.bf16.f32 v10;
	v32 =	vld.idx.msk [tilespmem:v23+s22+$0x0], $0xffff;
	v33 =	vor.u32 $0xF, v1  }
0x37c: {  	v34 =	vmul.f32 v10, v7;
	v9 =	vld.idx.msk [tilespmem:v26+s24+$0x0], $0xffff;
	v3 =	vadd.f32 v31, v3  }
0x37d: {  	v35 =	vunpack.i.l.bf16.f32 v25;
	v36 =	vunpack.i.l.bf16.f32 v8  }
0x37e: {  	v37 =	vor.u32 $0x10, v2;
	v38 =	vmul.f32 v36, v35;
	v3 =	vadd.f32 v3, v34  }
0x37f: {  	v5 =	vunpack.i.u.bf16.f32 v25;
	v8 =	vunpack.i.u.bf16.f32 v8;
	v39 =	vld.idx.msk [tilespmem:v30+s22+$0x0], $0xffff;
	v40 =	vor.u32 $0x10, v1  }
0x380: {  	v41 =	vmul.f32 v8, v5;
	v11 =	vld.idx.msk [tilespmem:v33+s24+$0x0], $0xffff;
	v3 =	vadd.f32 v38, v3  }
0x381: {  	v42 =	vunpack.i.l.bf16.f32 v32;
	v43 =	vunpack.i.l.bf16.f32 v9  }
0x382: {  	v44 =	vor.u32 $0x11, v2;
	v45 =	vmul.f32 v43, v42;
	v3 =	vadd.f32 v3, v41  }
0x383: {  	v6 =	vunpack.i.u.bf16.f32 v32;
	v9 =	vunpack.i.u.bf16.f32 v9;
	v46 =	vld.idx.msk [tilespmem:v37+s22+$0x0], $0xffff;
	v47 =	vor.u32 $0x11, v1  }
0x384: {  	v48 =	vmul.f32 v9, v6;
	v10 =	vld.idx.msk [tilespmem:v40+s24+$0x0], $0xffff;
	v3 =	vadd.f32 v45, v3  }
0x385: {  	v49 =	vunpack.i.l.bf16.f32 v39;
	v50 =	vunpack.i.l.bf16.f32 v11  }
0x386: {  	v51 =	vor.u32 $0x12, v2;
	v52 =	vmul.f32 v50, v49;
	v3 =	vadd.f32 v3, v48  }
0x387: {  	v7 =	vunpack.i.u.bf16.f32 v39;
	v11 =	vunpack.i.u.bf16.f32 v11;
	v53 =	vld.idx.msk [tilespmem:v44+s22+$0x0], $0xffff;
	v54 =	vor.u32 $0x12, v1  }
0x388: {  	v55 =	vmul.f32 v11, v7;
	v8 =	vld.idx.msk [tilespmem:v47+s24+$0x0], $0xffff;
	v3 =	vadd.f32 v52, v3  }
0x389: {  	v56 =	vunpack.i.l.bf16.f32 v46;
	v57 =	vunpack.i.l.bf16.f32 v10  }
0x38a: {  	v58 =	vor.u32 $0x13, v2;
	v59 =	vmul.f32 v57, v56;
	v3 =	vadd.f32 v3, v55  }
0x38b: {  	v5 =	vunpack.i.u.bf16.f32 v46;
	v10 =	vunpack.i.u.bf16.f32 v10;
	v60 =	vld.idx.msk [tilespmem:v51+s22+$0x0], $0xffff;
	v61 =	vor.u32 $0x13, v1  }
0x38c: {  	v62 =	vmul.f32 v10, v5;
	v9 =	vld.idx.msk [tilespmem:v54+s24+$0x0], $0xffff;
	v3 =	vadd.f32 v59, v3  }
0x38d: {  	v63 =	vunpack.i.l.bf16.f32 v53;
	v16 =	vunpack.i.l.bf16.f32 v8  }
0x38e: {  	v17 =	vor.u32 $0x14, v2;
	v18 =	vmul.f32 v16, v63;
	v3 =	vadd.f32 v3, v62  }
0x38f: {  	v6 =	vunpack.i.u.bf16.f32 v53;
	v8 =	vunpack.i.u.bf16.f32 v8;
	v19 =	vld.idx.msk [tilespmem:v58+s22+$0x0], $0xffff;
	v20 =	vor.u32 $0x14, v1  }
0x390: {  	v21 =	vmul.f32 v8, v6;
	v11 =	vld.idx.msk [tilespmem:v61+s24+$0x0], $0xffff;
	v3 =	vadd.f32 v18, v3  }
0x391: {  	v22 =	vunpack.i.l.bf16.f32 v60;
	v23 =	vunpack.i.l.bf16.f32 v9  }
0x392: {  	v24 =	vor.u32 $0x15, v2;
	v25 =	vmul.f32 v23, v22;
	v3 =	vadd.f32 v3, v21  }
0x393: {  	v7 =	vunpack.i.u.bf16.f32 v60;
	v9 =	vunpack.i.u.bf16.f32 v9;
	v26 =	vld.idx.msk [tilespmem:v17+s22+$0x0], $0xffff;
	v27 =	vor.u32 $0x15, v1  }
0x394: {  	v28 =	vmul.f32 v9, v7;
	v10 =	vld.idx.msk [tilespmem:v20+s24+$0x0], $0xffff;
	v3 =	vadd.f32 v25, v3  }
0x395: {  	v29 =	vunpack.i.l.bf16.f32 v19;
	v30 =	vunpack.i.l.bf16.f32 v11  }
0x396: {  	v31 =	vor.u32 $0x16, v2;
	v32 =	vmul.f32 v30, v29;
	v3 =	vadd.f32 v3, v28  }
0x397: {  	v5 =	vunpack.i.u.bf16.f32 v19;
	v11 =	vunpack.i.u.bf16.f32 v11;
	v33 =	vld.idx.msk [tilespmem:v24+s22+$0x0], $0xffff;
	v34 =	vor.u32 $0x16, v1  }
0x398: {  	v35 =	vmul.f32 v11, v5;
	v8 =	vld.idx.msk [tilespmem:v27+s24+$0x0], $0xffff;
	v3 =	vadd.f32 v32, v3  }
0x399: {  	v36 =	vunpack.i.l.bf16.f32 v26;
	v37 =	vunpack.i.l.bf16.f32 v10  }
0x39a: {  	v38 =	vor.u32 $0x17, v2;
	v39 =	vmul.f32 v37, v36;
	v3 =	vadd.f32 v3, v35  }
0x39b: {  	v6 =	vunpack.i.u.bf16.f32 v26;
	v10 =	vunpack.i.u.bf16.f32 v10;
	v40 =	vld.idx.msk [tilespmem:v31+s22+$0x0], $0xffff;
	v41 =	vor.u32 $0x17, v1  }
0x39c: {  	v42 =	vmul.f32 v10, v6;
	v9 =	vld.idx.msk [tilespmem:v34+s24+$0x0], $0xffff;
	v3 =	vadd.f32 v39, v3  }
0x39d: {  	v43 =	vunpack.i.l.bf16.f32 v33;
	v44 =	vunpack.i.l.bf16.f32 v8  }
0x39e: {  	v45 =	vor.u32 $0x18, v2;
	v46 =	vmul.f32 v44, v43;
	v3 =	vadd.f32 v3, v42  }
0x39f: {  	v7 =	vunpack.i.u.bf16.f32 v33;
	v8 =	vunpack.i.u.bf16.f32 v8;
	v47 =	vld.idx.msk [tilespmem:v38+s22+$0x0], $0xffff;
	v48 =	vor.u32 $0x18, v1  }
0x3a0: {  	v49 =	vmul.f32 v8, v7;
	v11 =	vld.idx.msk [tilespmem:v41+s24+$0x0], $0xffff;
	v3 =	vadd.f32 v46, v3  }
0x3a1: {  	v50 =	vunpack.i.l.bf16.f32 v40;
	v51 =	vunpack.i.l.bf16.f32 v9  }
0x3a2: {  	v52 =	vor.u32 $0x19, v2;
	v53 =	vmul.f32 v51, v50;
	v3 =	vadd.f32 v3, v49  }
0x3a3: {  	v5 =	vunpack.i.u.bf16.f32 v40;
	v9 =	vunpack.i.u.bf16.f32 v9;
	v54 =	vld.idx.msk [tilespmem:v45+s22+$0x0], $0xffff;
	v55 =	vor.u32 $0x19, v1  }
0x3a4: {  	v56 =	vmul.f32 v9, v5;
	v10 =	vld.idx.msk [tilespmem:v48+s24+$0x0], $0xffff;
	v3 =	vadd.f32 v53, v3  }
0x3a5: {  	v57 =	vunpack.i.l.bf16.f32 v47;
	v58 =	vunpack.i.l.bf16.f32 v11  }
0x3a6: {  	v59 =	vor.u32 $0x1A, v2;
	v60 =	vmul.f32 v58, v57;
	v3 =	vadd.f32 v3, v56  }
0x3a7: {  	v6 =	vunpack.i.u.bf16.f32 v47;
	v11 =	vunpack.i.u.bf16.f32 v11;
	v61 =	vld.idx.msk [tilespmem:v52+s22+$0x0], $0xffff;
	v62 =	vor.u32 $0x1A, v1  }
0x3a8: {  	v63 =	vmul.f32 v11, v6;
	v8 =	vld.idx.msk [tilespmem:v55+s24+$0x0], $0xffff;
	v3 =	vadd.f32 v60, v3  }
0x3a9: {  	v16 =	vunpack.i.l.bf16.f32 v54;
	v17 =	vunpack.i.l.bf16.f32 v10  }
0x3aa: {  	v18 =	vor.u32 $0x1B, v2;
	v19 =	vmul.f32 v17, v16;
	v3 =	vadd.f32 v3, v63  }
0x3ab: {  	v7 =	vunpack.i.u.bf16.f32 v54;
	v10 =	vunpack.i.u.bf16.f32 v10;
	v20 =	vld.idx.msk [tilespmem:v59+s22+$0x0], $0xffff;
	v21 =	vor.u32 $0x1B, v1  }
0x3ac: {  	v22 =	vmul.f32 v10, v7;
	v9 =	vld.idx.msk [tilespmem:v62+s24+$0x0], $0xffff;
	v3 =	vadd.f32 v19, v3  }
0x3ad: {  	v23 =	vunpack.i.l.bf16.f32 v61;
	v24 =	vunpack.i.l.bf16.f32 v8  }
0x3ae: {  	v25 =	vor.u32 $0x1C, v2;
	v26 =	vmul.f32 v24, v23;
	v3 =	vadd.f32 v3, v22  }
0x3af: {  	v5 =	vunpack.i.u.bf16.f32 v61;
	v8 =	vunpack.i.u.bf16.f32 v8;
	v27 =	vld.idx.msk [tilespmem:v18+s22+$0x0], $0xffff;
	v28 =	vor.u32 $0x1C, v1  }
0x3b0: {  	v29 =	vmul.f32 v8, v5;
	v11 =	vld.idx.msk [tilespmem:v21+s24+$0x0], $0xffff;
	v3 =	vadd.f32 v26, v3  }
0x3b1: {  	v30 =	vunpack.i.l.bf16.f32 v20;
	v31 =	vunpack.i.l.bf16.f32 v9  }
0x3b2: {  	v32 =	vor.u32 $0x1D, v2;
	v33 =	vmul.f32 v31, v30;
	v3 =	vadd.f32 v3, v29  }
0x3b3: {  	v6 =	vunpack.i.u.bf16.f32 v20;
	v9 =	vunpack.i.u.bf16.f32 v9;
	v34 =	vld.idx.msk [tilespmem:v25+s22+$0x0], $0xffff;
	v35 =	vor.u32 $0x1D, v1  }
0x3b4: {  	v36 =	vmul.f32 v9, v6;
	v10 =	vld.idx.msk [tilespmem:v28+s24+$0x0], $0xffff;
	v3 =	vadd.f32 v33, v3  }
0x3b5: {  	v37 =	vunpack.i.l.bf16.f32 v27;
	v38 =	vunpack.i.l.bf16.f32 v11  }
0x3b6: {  	v39 =	vor.u32 $0x1E, v2;
	v40 =	vmul.f32 v38, v37;
	v3 =	vadd.f32 v3, v36  }
0x3b7: {  	v7 =	vunpack.i.u.bf16.f32 v27;
	v11 =	vunpack.i.u.bf16.f32 v11;
	v41 =	vld.idx.msk [tilespmem:v32+s22+$0x0], $0xffff;
	v42 =	vor.u32 $0x1E, v1  }
0x3b8: {  	v43 =	vmul.f32 v11, v7;
	v8 =	vld.idx.msk [tilespmem:v35+s24+$0x0], $0xffff;
	v3 =	vadd.f32 v40, v3  }
0x3b9: {  	v44 =	vunpack.i.l.bf16.f32 v34;
	v45 =	vunpack.i.l.bf16.f32 v10  }
0x3ba: {  	v2 =	vor.u32 $0x1F, v2;
	v46 =	vmul.f32 v45, v44;
	v3 =	vadd.f32 v3, v43  }
0x3bb: {  	v1 =	vor.u32 $0x1F, v1;
	v5 =	vunpack.i.u.bf16.f32 v34;
	v10 =	vunpack.i.u.bf16.f32 v10;
	v47 =	vld.idx.msk [tilespmem:v39+s22+$0x0], $0xffff  }
0x3bc: {  	v48 =	vmul.f32 v10, v5;
	v9 =	vld.idx.msk [tilespmem:v42+s24+$0x0], $0xffff;
	v3 =	vadd.f32 v46, v3  }
0x3bd: {  	v49 =	vunpack.i.l.bf16.f32 v41;
	v50 =	vunpack.i.l.bf16.f32 v8  }
0x3be: {  	v51 =	vmul.f32 v50, v49;
	v3 =	vadd.f32 v3, v48  }
0x3bf: {  	v2 =	vld.idx.msk [tilespmem:v2+s22+$0x0], $0xffff;
	v52 =	vunpack.i.u.bf16.f32 v41;
	v53 =	vunpack.i.u.bf16.f32 v8  }
0x3c0: {  	v1 =	vld.idx.msk [tilespmem:v1+s24+$0x0], $0xffff;
	v54 =	vmul.f32 v53, v52;
	v3 =	vadd.f32 v51, v3  }
0x3c1: {  	v55 =	vunpack.i.l.bf16.f32 v47;
	v56 =	vunpack.i.l.bf16.f32 v9  }
0x3c2: {  	v57 =	vmul.f32 v56, v55;
	v3 =	vadd.f32 v3, v54  }
0x3c3: {  	v58 =	vunpack.i.u.bf16.f32 v47;
	v59 =	vunpack.i.u.bf16.f32 v9  }
0x3c4: {  	v60 =	vmul.f32 v59, v58;
	v3 =	vadd.f32 v57, v3  }
0x3c5: {  	v61 =	vunpack.i.l.bf16.f32 v2;
	v62 =	vunpack.i.l.bf16.f32 v1  }
0x3c6: {  	v63 =	vmul.f32 v62, v61;
	v3 =	vadd.f32 v3, v60  }
0x3c7: {  	v2 =	vunpack.i.u.bf16.f32 v2;
	v1 =	vunpack.i.u.bf16.f32 v1  }
0x3c8: {  	v1 =	vmul.f32 v1, v2;
	v3 =	vadd.f32 v63, v3;
	_ =	sdelay $0x1  }
0x3c9: {  	s14 =	sadd.s32 $0x1, s14;
	v1 =	vadd.f32 v3, v1  }
0x3ca: {  	s21 =	sadd.s32 $0x10, s16;
	p0 =	sne.s32 s14, s9  }
.Ltmp3:
0x3cb: {  	[tilespmem:s21+$0x0] =	vst v1;
	(pc) =	sbr.rel @p0 .LBB2_1-.Ltmp3, $4  }
0x3cc: {  	[hbm4b:s8+s1] =	stream.linear.scatter [tilespmem:s13], [sflag:$0x2], $0x200, $0x38;
	[tilespmem:$0x10C00] =	vst v63  }
0x3cd: {  	_ =	swait.ge [sflag:s10], $0x200  }
0x3ce: {  	[sflag:s10] =	ssyncset.done $0x0  }
0x3cf: {  	[sflag:s10] =	ssyncadd.s32 $0xFFFFFE00  }
0x3d0: {  	_ =	sfence.sel $0x180000  }
0x3d1: {  	[bflag:$0x0] =	sbarrier.arrive $0xFFFF  }
0x3d2: {  	_ =	strace $0x90000047  }
0x3d3: {  	s0 =	stileid.u32;
	[bflag:$0x2] =	sbarrier.arrive $0xFFFF  }
0x3d4: {  	p0 =	sne.s32 s0, $0x0;
	s0 =	rddreg [dreg:$0x4]  }
0x3d5: {  	s0 =	sadd.s32 @!p0 $0x100000, s0  }
0x3d6: {  	[sflag:s0] =	ssyncadd.tile.s32 @!p0 $0x1;
	_ =	shalt  }
.Lfunc_end2:
_tile_overlayer_lowered:
.L_overlay_start_2:
0x3d7: {  	(tag) =	ssettag $0x2  }
0x3d8: {  	s0 =	rddreg [dreg:$0x0];
	s2 =	stileid.u32  }
0x3d9: {  	s1 =	rddreg [dreg:$0x1];
	p0 =	sne.s32 s2, $0x0  }
0x3da: {  	s3 =	rddreg [dreg:$0x2];
	[bflag:$0x3] =	sbarrier.arrive $0xFFFF;
	s2 =	simm.s32 @!p0 $0x1C02  }
0x3db: {  	[timem:s3], [sflag:s2] =	dma.local @!p0 [hbm:s0], s1  }
0x3dc: {  	s0 =	simm.s32 @!p0 $0x2  }
0x3dd: {  	_ =	swait.ge @!p0 [sflag:s0], s1  }
0x3de: {  	s1 =	ssub.s32 @!p0 $0x0, s1;
	[sflag:s0] =	ssyncset.done @!p0 $0x0  }
0x3df: {  	[sflag:s0] =	ssyncadd.s32 @!p0 s1  }
0x3e0: {  	[bflag:$0x3] =	sbarrier.arrive $0xFFFF  }
0x3e1: {  	_ =	shalt  }

</sc_bundles>
